<compile_context>
chip_gen: v7x
topology: tpu7x:2x2x1
jax: 0.10.2.dev20260603
libtpu: 0.0.44.dev20260713+nightly
codegen_flags: <defaults>
</compile_context>

<pallas_src>
import functools

import jax
import jax.numpy as jnp
import numpy as np
from jax import lax
from jax.experimental import pallas as pl
from jax.experimental.pallas import tpu as pltpu
from jax.experimental.pallas import tpu_sc as plsc

_MARGIN = 0.2
_B, _QL, _AL, _D = 4096, 20, 50, 64
_NC, _NS = 2, 16
_NW = _NC * _NS
_R = _B // _NW
_CH = 128
_TOK = _R * (_QL + 2 * _AL)
_NCHUNK = _TOK // _CH
_NB = 8

_dest = np.concatenate([
    np.arange(_R * _QL, dtype=np.int32) // _QL,
    _R + np.arange(_R * _AL, dtype=np.int32) // _AL,
    2 * _R + np.arange(_R * _AL, dtype=np.int32) // _AL,
]).reshape(_NCHUNK, _CH)
_dest_per_subcore = (
    np.arange(_NS, dtype=np.int32)[:, None, None] * (3 * _R) + _dest[None]
)


def _make_pool_kernel():
    mesh = plsc.VectorSubcoreMesh(core_axis_name="c", subcore_axis_name="s")
    f32 = jnp.float32

    @functools.partial(
        pl.kernel,
        out_type=[jax.ShapeDtypeStruct((_B, _D), f32)] * 3,
        mesh=mesh,
        scratch_types=[
            pltpu.VMEM((_NCHUNK, _CH), jnp.int32),
            pltpu.VMEM((_NCHUNK, _CH), jnp.int32),
            [pltpu.VMEM((_CH, _D), f32)] * _NB,
            pltpu.VMEM_SHARED((_NS * 3 * _R, _D), f32),
            [pltpu.SemaphoreType.DMA] * _NB,
            [pltpu.SemaphoreType.DMA] * _NB,
        ],
        compiler_params=pltpu.CompilerParams(use_tc_tiling_on_sc=False),
    )
    def pool(tok_hbm, dest_hbm, zeros_hbm, table_hbm, out_q, out_g, out_b,
             tok_v, dest_v, bufs, acc, gsems, ssems):
        c = lax.axis_index("c")
        s = lax.axis_index("s")
        w = s * _NC + c

        pltpu.sync_copy(tok_hbm.at[w], tok_v)
        pltpu.sync_copy(dest_hbm.at[s], dest_v)
        pltpu.sync_copy(zeros_hbm.at[pl.ds(s * 3 * _R, 3 * _R)],
                        acc.at[pl.ds(s * 3 * _R, 3 * _R)])

        for b in range(_NB):
            pltpu.async_copy(table_hbm.at[tok_v.at[b]], bufs[b], gsems[b])

        def body(i, carry):
            for b in range(_NB):
                j = _NB * i + b
                pltpu.make_async_copy(
                    table_hbm.at[tok_v.at[j]], bufs[b], gsems[b]).wait()
                pltpu.async_copy(
                    bufs[b], acc.at[dest_v.at[j]], ssems[b], add=True)
            for b in range(_NB):
                j = _NB * i + b
                pltpu.make_async_copy(
                    bufs[b], acc.at[dest_v.at[j]], ssems[b]).wait()
                pltpu.async_copy(
                    table_hbm.at[tok_v.at[j + _NB]], bufs[b], gsems[b])
            return carry

        lax.fori_loop(0, _NCHUNK // _NB - 1, body, 0)

        for b in range(_NB):
            j = _NCHUNK - _NB + b
            pltpu.make_async_copy(
                table_hbm.at[tok_v.at[j]], bufs[b], gsems[b]).wait()
            pltpu.async_copy(bufs[b], acc.at[dest_v.at[j]], ssems[b], add=True)
        for b in range(_NB):
            j = _NCHUNK - _NB + b
            pltpu.make_async_copy(
                bufs[b], acc.at[dest_v.at[j]], ssems[b]).wait()

        base = w * _R
        sbase = s * 3 * _R
        pltpu.sync_copy(acc.at[pl.ds(sbase, _R)], out_q.at[pl.ds(base, _R)])
        pltpu.sync_copy(acc.at[pl.ds(sbase + _R, _R)], out_g.at[pl.ds(base, _R)])
        pltpu.sync_copy(acc.at[pl.ds(sbase + 2 * _R, _R)], out_b.at[pl.ds(base, _R)])

    return pool


_pool_kernel = _make_pool_kernel()


_V = 1000000
_MAIN = 999936


def _eye128():
    return (jax.lax.broadcasted_iota(jnp.int32, (128, 128), 0) ==
            jax.lax.broadcasted_iota(jnp.int32, (128, 128), 1)).astype(jnp.float32)


def _make_transpose_body(groups, n_aliased=0):
    def body(*refs):
        a_ref, out_ref = refs[n_aliased], refs[n_aliased + 1]
        eye = _eye128()
        for g in range(groups):
            ab = jnp.concatenate(
                [a_ref[:, 256 * g: 256 * g + 128],
                 a_ref[:, 256 * g + 128: 256 * g + 256]], axis=0)
            hi = jax.lax.bitcast_convert_type(
                jax.lax.bitcast_convert_type(ab, jnp.int32) & (-65536),
                jnp.float32)
            lo = ab - hi
            dims = (((0,), (0,)), ((), ()))
            out_ref[128 * g: 128 * (g + 1), :] = (
                jax.lax.dot_general(hi, eye, dims,
                                    preferred_element_type=jnp.float32)
                + jax.lax.dot_general(lo, eye, dims,
                                      preferred_element_type=jnp.float32)
            )
    return body


def _tail_body(_, a_ref, out_ref):
    t = a_ref[...].T
    out_ref[...] = jnp.concatenate([t[0:32], t[32:64]], axis=1)


def _linearize_table(embeddings):
    emb_t = embeddings.T
    f32 = jnp.float32
    lin = pl.pallas_call(
        _make_transpose_body(64),
        grid=(_V // 16384,),
        in_specs=[pl.BlockSpec((_D, 16384), lambda i: (0, i))],
        out_specs=pl.BlockSpec((8192, 128), lambda i: (i, 0)),
        out_shape=jax.ShapeDtypeStruct((_V // 2, 128), f32),
    )(emb_t)
    lin = pl.pallas_call(
        _make_transpose_body(2, n_aliased=1),
        grid=(1,),
        in_specs=[
            pl.BlockSpec(memory_space=pl.ANY),
            pl.BlockSpec((_D, 512), lambda i: (0, 1952)),
        ],
        out_specs=pl.BlockSpec((256, 128), lambda i: (1952, 0)),
        out_shape=jax.ShapeDtypeStruct((_V // 2, 128), f32),
        input_output_aliases={0: 0},
    )(lin, emb_t)
    tail = jax.lax.slice(emb_t, (0, _MAIN), (_D, _V))
    lin = pl.pallas_call(
        _tail_body,
        grid=(1,),
        in_specs=[
            pl.BlockSpec(memory_space=pl.ANY),
            pl.BlockSpec((_D, 64), lambda i: (0, 0)),
        ],
        out_specs=pl.BlockSpec((32, 128), lambda i: (_MAIN // 64, 0)),
        out_shape=jax.ShapeDtypeStruct((_V // 2, 128), f32),
        input_output_aliases={0: 0},
    )(lin, tail)
    return lin.reshape(_V, _D)


def _sigma(r):
    p = r - _MAIN
    return jnp.where(
        r < _MAIN,
        2 * (128 * (r // 256) + r % 128) + (r % 256) // 128,
        _MAIN + 2 * (p % 32) + p // 32,
    )


def _sim_body(q_ref, g_ref, b_ref, li_ref, pred_ref, loss_ref):
    q = q_ref[...]
    g = g_ref[...]
    b = b_ref[...]
    qg = jnp.sum(q * g, axis=1, keepdims=True)
    qb = jnp.sum(q * b, axis=1, keepdims=True)
    qq = jnp.sum(q * q, axis=1, keepdims=True)
    gg = jnp.sum(g * g, axis=1, keepdims=True)
    bb = jnp.sum(b * b, axis=1, keepdims=True)
    rq = lax.rsqrt(qq)
    sim_g = qg * rq * lax.rsqrt(gg)
    sim_b = qb * rq * lax.rsqrt(bb)
    li = jnp.maximum(0.0, _MARGIN - sim_g + sim_b)
    li_ref[...] = li
    pred_ref[...] = sim_g
    loss_ref[...] = jnp.sum(li, axis=0, keepdims=True) * (1.0 / _B)


def kernel(input_question, input_answer_good, input_answer_bad, embeddings):
    q = input_question.reshape(_NW, _R * _QL)
    g = input_answer_good.reshape(_NW, _R * _AL)
    b = input_answer_bad.reshape(_NW, _R * _AL)
    tok = jnp.concatenate([q, g, b], axis=1).reshape(_NW, _NCHUNK, _CH)
    tok = _sigma(tok)
    dest = jnp.asarray(_dest_per_subcore)
    zeros = jnp.zeros((_NS * 3 * _R, _D), jnp.float32)

    table_lin = _linearize_table(embeddings)
    sum_q, sum_g, sum_b = _pool_kernel(tok, dest, zeros, table_lin)

    f32 = jnp.float32
    li, pred, loss = pl.pallas_call(
        _sim_body,
        out_shape=[
            jax.ShapeDtypeStruct((_B, 1), f32),
            jax.ShapeDtypeStruct((_B, 1), f32),
            jax.ShapeDtypeStruct((1, 1), f32),
        ],
    )(sum_q, sum_g, sum_b)

    return (loss[0, 0], li[:, 0], pred[:, 0])

# --- scband reference (transcript-rebuilt; emitter-appended) ---
"""Pipeline reference for scband-qamodel-90975997264509 (READ-ONLY COPY).

The authoritative reference and input builder live on the scoring server;
editing this copy changes nothing except your own understanding.
"""

import jax, jax.numpy as jnp
import numpy as np

MARGIN = 0.2
B, QL, AL, V, D = 4096, 20, 50, 1000000, 64


def setup_inputs(seed: int = 0) -> dict:
    key = jax.random.key(seed)
    k1, k2, k3, k4 = jax.random.split(key, 4)
    return {
        "input_question": jax.random.randint(k1, (B, QL), 0, V, dtype=jnp.int32),
        "input_answer_good": jax.random.randint(k2, (B, AL), 0, V, dtype=jnp.int32),
        "input_answer_bad": jax.random.randint(k3, (B, AL), 0, V, dtype=jnp.int32),
        "embeddings": jax.random.normal(k4, (V, D), dtype=jnp.float32) * 0.1,
    }


def _cosine_similarity(a, b):
    num = jnp.sum(a * b, axis=1)
    den = jnp.sqrt(jnp.sum(jnp.square(a), axis=1)) * jnp.sqrt(jnp.sum(jnp.square(b), axis=1))
    return num / den


def reference(input_question, input_answer_good, input_answer_bad, embeddings):
    # embedding lookups (the core memory-bound op)
    emb_q = jnp.take(embeddings, input_question, axis=0)       # [B, QL, D]
    emb_g = jnp.take(embeddings, input_answer_good, axis=0)    # [B, AL, D]
    emb_b = jnp.take(embeddings, input_answer_bad, axis=0)     # [B, AL, D]

    # simple mean-pool encoder producing fixed-size representations
    rep_q = jnp.mean(emb_q, axis=1)   # [B, D]
    rep_g = jnp.mean(emb_g, axis=1)   # [B, D]
    rep_b = jnp.mean(emb_b, axis=1)   # [B, D]

    # dropout_keep_prob = 1.0 -> identity dropout multiplicators
    sim_good = _cosine_similarity(rep_q, rep_g)
    sim_bad = _cosine_similarity(rep_q, rep_b)

    # hinge loss: max(0, margin - sim_good + sim_bad)
    loss_individual = jnp.maximum(0.0, MARGIN - sim_good + sim_bad)
    loss = jnp.mean(loss_individual)
    predict = sim_good
    return (loss, loss_individual, predict)

if __name__ == "__main__":
    import jax
    _d = setup_inputs()
    print(jax.jit(kernel)(*tuple(_d.values())))

</pallas_src>

<mosaic_0001>
#map = affine_map<(d0, d1) -> (0, 0, 0)>
#map1 = affine_map<(d0, d1) -> (0, 0)>
module attributes {stable_mosaic.version = 14 : i64} {
  func.func @pool(%arg0: i32, %arg1: i32, %arg2: memref<32x120x128xi32, #tpu.memory_space<hbm>>, %arg3: memref<16x120x128xi32, #tpu.memory_space<hbm>>, %arg4: memref<6144x64xf32, #tpu.memory_space<hbm>>, %arg5: memref<1000000x64xf32, #tpu.memory_space<hbm>>, %arg6: memref<4096x64xf32, #tpu.memory_space<hbm>>, %arg7: memref<4096x64xf32, #tpu.memory_space<hbm>>, %arg8: memref<4096x64xf32, #tpu.memory_space<hbm>>, %arg9: memref<120x128xi32, #tpu.memory_space<vmem>>, %arg10: memref<120x128xi32, #tpu.memory_space<vmem>>, %arg11: memref<128x64xf32, #tpu.memory_space<vmem>>, %arg12: memref<128x64xf32, #tpu.memory_space<vmem>>, %arg13: memref<128x64xf32, #tpu.memory_space<vmem>>, %arg14: memref<128x64xf32, #tpu.memory_space<vmem>>, %arg15: memref<128x64xf32, #tpu.memory_space<vmem>>, %arg16: memref<128x64xf32, #tpu.memory_space<vmem>>, %arg17: memref<128x64xf32, #tpu.memory_space<vmem>>, %arg18: memref<128x64xf32, #tpu.memory_space<vmem>>, %arg19: memref<6144x64xf32, #tpu.memory_space<vmem_shared>>, %arg20: memref<!tpu.dma_semaphore, #tpu.memory_space<semaphore_mem>>, %arg21: memref<!tpu.dma_semaphore, #tpu.memory_space<semaphore_mem>>, %arg22: memref<!tpu.dma_semaphore, #tpu.memory_space<semaphore_mem>>, %arg23: memref<!tpu.dma_semaphore, #tpu.memory_space<semaphore_mem>>, %arg24: memref<!tpu.dma_semaphore, #tpu.memory_space<semaphore_mem>>, %arg25: memref<!tpu.dma_semaphore, #tpu.memory_space<semaphore_mem>>, %arg26: memref<!tpu.dma_semaphore, #tpu.memory_space<semaphore_mem>>, %arg27: memref<!tpu.dma_semaphore, #tpu.memory_space<semaphore_mem>>, %arg28: memref<!tpu.dma_semaphore, #tpu.memory_space<semaphore_mem>>, %arg29: memref<!tpu.dma_semaphore, #tpu.memory_space<semaphore_mem>>, %arg30: memref<!tpu.dma_semaphore, #tpu.memory_space<semaphore_mem>>, %arg31: memref<!tpu.dma_semaphore, #tpu.memory_space<semaphore_mem>>, %arg32: memref<!tpu.dma_semaphore, #tpu.memory_space<semaphore_mem>>, %arg33: memref<!tpu.dma_semaphore, #tpu.memory_space<semaphore_mem>>, %arg34: memref<!tpu.dma_semaphore, #tpu.memory_space<semaphore_mem>>, %arg35: memref<!tpu.dma_semaphore, #tpu.memory_space<semaphore_mem>>) attributes {dimension_semantics = [#tpu.dimension_semantics<core_parallel>, #tpu.dimension_semantics<subcore_parallel>], iteration_bounds = array<i64: 2, 16>, scalar_prefetch = 0 : i64, scratch_operands = 27 : i64, tpu.core_type = #tpu.core_type<sc_vector_subcore>, window_params = [{transform_indices = #map}, {transform_indices = #map}, {transform_indices = #map1}, {transform_indices = #map1}, {transform_indices = #map1}, {transform_indices = #map1}, {transform_indices = #map1}]} {
    %mul3A = arith.constant 2 : i32
    %mul3A_0 = arith.muli %arg1, %mul3A : i32
    %add3A = arith.addi %mul3A_0, %arg0 : i32
    "tpu.region"() ({
      %run_scoped3A = tpu.sem_alloc : memref<!tpu.dma_semaphore, #tpu.memory_space<semaphore_mem>>
      %dma_start3A_246 = arith.constant 0 : i32
      %dma_start3A_247 = arith.constant 0 : i32
      %dma_start3A_248 = tpu.memref_slice %arg2[%add3A, %dma_start3A_246, %dma_start3A_247] : memref<32x120x128xi32, #tpu.memory_space<hbm>> -> memref<1x120x128xi32, #tpu.memory_space<hbm>>
      %dma_start3A_249 = tpu.memref_squeeze %dma_start3A_248 : memref<1x120x128xi32, #tpu.memory_space<hbm>> -> memref<120x128xi32, #tpu.memory_space<hbm>>
      %dma_start3A_250 = arith.constant 0 : i32
      %dma_start3A_251 = arith.constant 0 : i32
      %dma_start3A_252 = tpu.memref_slice %arg2[%add3A, %dma_start3A_250, %dma_start3A_251] : memref<32x120x128xi32, #tpu.memory_space<hbm>> -> memref<1x120x128xi32, #tpu.memory_space<hbm>>
      %dma_start3A_253 = tpu.memref_squeeze %dma_start3A_252 : memref<1x120x128xi32, #tpu.memory_space<hbm>> -> memref<120x128xi32, #tpu.memory_space<hbm>>
      tpu.enqueue_dma source(%dma_start3A_253 : memref<120x128xi32, #tpu.memory_space<hbm>>) target(%arg9 : memref<120x128xi32, #tpu.memory_space<vmem>>) target_semaphore(%run_scoped3A : memref<!tpu.dma_semaphore, #tpu.memory_space<semaphore_mem>>)
      %dma_wait3A_254 = arith.constant 0 : i32
      %dma_wait3A_255 = arith.constant 0 : i32
      %dma_wait3A_256 = tpu.memref_slice %arg2[%add3A, %dma_wait3A_254, %dma_wait3A_255] : memref<32x120x128xi32, #tpu.memory_space<hbm>> -> memref<1x120x128xi32, #tpu.memory_space<hbm>>
      %dma_wait3A_257 = tpu.memref_squeeze %dma_wait3A_256 : memref<1x120x128xi32, #tpu.memory_space<hbm>> -> memref<120x128xi32, #tpu.memory_space<hbm>>
      %dma_wait3A_258 = arith.constant 0 : i32
      %dma_wait3A_259 = arith.constant 0 : i32
      %dma_wait3A_260 = tpu.memref_slice %arg2[%add3A, %dma_wait3A_258, %dma_wait3A_259] : memref<32x120x128xi32, #tpu.memory_space<hbm>> -> memref<1x120x128xi32, #tpu.memory_space<hbm>>
      %dma_wait3A_261 = tpu.memref_squeeze %dma_wait3A_260 : memref<1x120x128xi32, #tpu.memory_space<hbm>> -> memref<120x128xi32, #tpu.memory_space<hbm>>
      tpu.wait_dma2 semaphore(%run_scoped3A : memref<!tpu.dma_semaphore, #tpu.memory_space<semaphore_mem>>) src(%dma_wait3A_261 : memref<120x128xi32, #tpu.memory_space<hbm>>) dst(%arg9 : memref<120x128xi32, #tpu.memory_space<vmem>>)
      tpu.yield
    }) : () -> ()
    "tpu.region"() ({
      %run_scoped3A = tpu.sem_alloc : memref<!tpu.dma_semaphore, #tpu.memory_space<semaphore_mem>>
      %dma_start3A_246 = arith.constant 0 : i32
      %dma_start3A_247 = arith.constant 0 : i32
      %dma_start3A_248 = tpu.memref_slice %arg3[%arg1, %dma_start3A_246, %dma_start3A_247] : memref<16x120x128xi32, #tpu.memory_space<hbm>> -> memref<1x120x128xi32, #tpu.memory_space<hbm>>
      %dma_start3A_249 = tpu.memref_squeeze %dma_start3A_248 : memref<1x120x128xi32, #tpu.memory_space<hbm>> -> memref<120x128xi32, #tpu.memory_space<hbm>>
      %dma_start3A_250 = arith.constant 0 : i32
      %dma_start3A_251 = arith.constant 0 : i32
      %dma_start3A_252 = tpu.memref_slice %arg3[%arg1, %dma_start3A_250, %dma_start3A_251] : memref<16x120x128xi32, #tpu.memory_space<hbm>> -> memref<1x120x128xi32, #tpu.memory_space<hbm>>
      %dma_start3A_253 = tpu.memref_squeeze %dma_start3A_252 : memref<1x120x128xi32, #tpu.memory_space<hbm>> -> memref<120x128xi32, #tpu.memory_space<hbm>>
      tpu.enqueue_dma source(%dma_start3A_253 : memref<120x128xi32, #tpu.memory_space<hbm>>) target(%arg10 : memref<120x128xi32, #tpu.memory_space<vmem>>) target_semaphore(%run_scoped3A : memref<!tpu.dma_semaphore, #tpu.memory_space<semaphore_mem>>)
      %dma_wait3A_254 = arith.constant 0 : i32
      %dma_wait3A_255 = arith.constant 0 : i32
      %dma_wait3A_256 = tpu.memref_slice %arg3[%arg1, %dma_wait3A_254, %dma_wait3A_255] : memref<16x120x128xi32, #tpu.memory_space<hbm>> -> memref<1x120x128xi32, #tpu.memory_space<hbm>>
      %dma_wait3A_257 = tpu.memref_squeeze %dma_wait3A_256 : memref<1x120x128xi32, #tpu.memory_space<hbm>> -> memref<120x128xi32, #tpu.memory_space<hbm>>
      %dma_wait3A_258 = arith.constant 0 : i32
      %dma_wait3A_259 = arith.constant 0 : i32
      %dma_wait3A_260 = tpu.memref_slice %arg3[%arg1, %dma_wait3A_258, %dma_wait3A_259] : memref<16x120x128xi32, #tpu.memory_space<hbm>> -> memref<1x120x128xi32, #tpu.memory_space<hbm>>
      %dma_wait3A_261 = tpu.memref_squeeze %dma_wait3A_260 : memref<1x120x128xi32, #tpu.memory_space<hbm>> -> memref<120x128xi32, #tpu.memory_space<hbm>>
      tpu.wait_dma2 semaphore(%run_scoped3A : memref<!tpu.dma_semaphore, #tpu.memory_space<semaphore_mem>>) src(%dma_wait3A_261 : memref<120x128xi32, #tpu.memory_space<hbm>>) dst(%arg10 : memref<120x128xi32, #tpu.memory_space<vmem>>)
      tpu.yield
    }) : () -> ()
    %mul3A_1 = arith.constant 3 : i32
    %mul3A_2 = arith.muli %arg1, %mul3A_1 : i32
    %mul3A_3 = arith.constant 128 : i32
    %mul3A_4 = arith.muli %mul3A_2, %mul3A_3 : i32
    %mul3A_5 = arith.constant 3 : i32
    %mul3A_6 = arith.muli %arg1, %mul3A_5 : i32
    %mul3A_7 = arith.constant 128 : i32
    %mul3A_8 = arith.muli %mul3A_6, %mul3A_7 : i32
    "tpu.region"() ({
      %run_scoped3A = tpu.sem_alloc : memref<!tpu.dma_semaphore, #tpu.memory_space<semaphore_mem>>
      %dma_start3A_246 = arith.constant 0 : i32
      %dma_start3A_247 = tpu.memref_slice %arg19[%mul3A_8, %dma_start3A_246] : memref<6144x64xf32, #tpu.memory_space<vmem_shared>> -> memref<384x64xf32, #tpu.memory_space<vmem_shared>>
      %dma_start3A_248 = arith.constant 0 : i32
      %dma_start3A_249 = tpu.memref_slice %arg4[%mul3A_4, %dma_start3A_248] : memref<6144x64xf32, #tpu.memory_space<hbm>> -> memref<384x64xf32, #tpu.memory_space<hbm>>
      tpu.enqueue_dma source(%dma_start3A_249 : memref<384x64xf32, #tpu.memory_space<hbm>>) target(%dma_start3A_247 : memref<384x64xf32, #tpu.memory_space<vmem_shared>>) target_semaphore(%run_scoped3A : memref<!tpu.dma_semaphore, #tpu.memory_space<semaphore_mem>>)
      %dma_wait3A_250 = arith.constant 0 : i32
      %dma_wait3A_251 = tpu.memref_slice %arg19[%mul3A_8, %dma_wait3A_250] : memref<6144x64xf32, #tpu.memory_space<vmem_shared>> -> memref<384x64xf32, #tpu.memory_space<vmem_shared>>
      %dma_wait3A_252 = arith.constant 0 : i32
      %dma_wait3A_253 = tpu.memref_slice %arg4[%mul3A_4, %dma_wait3A_252] : memref<6144x64xf32, #tpu.memory_space<hbm>> -> memref<384x64xf32, #tpu.memory_space<hbm>>
      tpu.wait_dma2 semaphore(%run_scoped3A : memref<!tpu.dma_semaphore, #tpu.memory_space<semaphore_mem>>) src(%dma_wait3A_253 : memref<384x64xf32, #tpu.memory_space<hbm>>) dst(%dma_wait3A_251 : memref<384x64xf32, #tpu.memory_space<vmem_shared>>)
      tpu.yield
    }) : () -> ()
    %dma_start3A = arith.constant 0 : i32
    %dma_start3A_9 = arith.constant 0 : i32
    %dma_start3A_10 = tpu.memref_slice %arg9[%dma_start3A, %dma_start3A_9] : memref<120x128xi32, #tpu.memory_space<vmem>> -> memref<1x128xi32, #tpu.memory_space<vmem>>
    %dma_start3A_11 = tpu.memref_squeeze %dma_start3A_10 : memref<1x128xi32, #tpu.memory_space<vmem>> -> memref<128xi32, #tpu.memory_space<vmem>>
    %dma_start3A_12 = arith.constant 0 : i32
    %dma_start3A_13 = arith.constant 0 : i32
    %dma_start3A_14 = tpu.memref_slice %arg5[%dma_start3A_12, %dma_start3A_13] : memref<1000000x64xf32, #tpu.memory_space<hbm>> -> memref<1000000x64xf32, #tpu.memory_space<hbm>>
    tpu.enqueue_indirect_dma source(%dma_start3A_14 : memref<1000000x64xf32, #tpu.memory_space<hbm>>) target(%arg11 : memref<128x64xf32, #tpu.memory_space<vmem>>) offsets(%dma_start3A_11 : memref<128xi32, #tpu.memory_space<vmem>>) semaphore(%arg20 : memref<!tpu.dma_semaphore, #tpu.memory_space<semaphore_mem>>)
    %dma_start3A_15 = arith.constant 1 : i32
    %dma_start3A_16 = arith.constant 0 : i32
    %dma_start3A_17 = tpu.memref_slice %arg9[%dma_start3A_15, %dma_start3A_16] : memref<120x128xi32, #tpu.memory_space<vmem>> -> memref<1x128xi32, #tpu.memory_space<vmem>>
    %dma_start3A_18 = tpu.memref_squeeze %dma_start3A_17 : memref<1x128xi32, #tpu.memory_space<vmem>> -> memref<128xi32, #tpu.memory_space<vmem>>
    %dma_start3A_19 = arith.constant 0 : i32
    %dma_start3A_20 = arith.constant 0 : i32
    %dma_start3A_21 = tpu.memref_slice %arg5[%dma_start3A_19, %dma_start3A_20] : memref<1000000x64xf32, #tpu.memory_space<hbm>> -> memref<1000000x64xf32, #tpu.memory_space<hbm>>
    tpu.enqueue_indirect_dma source(%dma_start3A_21 : memref<1000000x64xf32, #tpu.memory_space<hbm>>) target(%arg12 : memref<128x64xf32, #tpu.memory_space<vmem>>) offsets(%dma_start3A_18 : memref<128xi32, #tpu.memory_space<vmem>>) semaphore(%arg21 : memref<!tpu.dma_semaphore, #tpu.memory_space<semaphore_mem>>)
    %dma_start3A_22 = arith.constant 2 : i32
    %dma_start3A_23 = arith.constant 0 : i32
    %dma_start3A_24 = tpu.memref_slice %arg9[%dma_start3A_22, %dma_start3A_23] : memref<120x128xi32, #tpu.memory_space<vmem>> -> memref<1x128xi32, #tpu.memory_space<vmem>>
    %dma_start3A_25 = tpu.memref_squeeze %dma_start3A_24 : memref<1x128xi32, #tpu.memory_space<vmem>> -> memref<128xi32, #tpu.memory_space<vmem>>
    %dma_start3A_26 = arith.constant 0 : i32
    %dma_start3A_27 = arith.constant 0 : i32
    %dma_start3A_28 = tpu.memref_slice %arg5[%dma_start3A_26, %dma_start3A_27] : memref<1000000x64xf32, #tpu.memory_space<hbm>> -> memref<1000000x64xf32, #tpu.memory_space<hbm>>
    tpu.enqueue_indirect_dma source(%dma_start3A_28 : memref<1000000x64xf32, #tpu.memory_space<hbm>>) target(%arg13 : memref<128x64xf32, #tpu.memory_space<vmem>>) offsets(%dma_start3A_25 : memref<128xi32, #tpu.memory_space<vmem>>) semaphore(%arg22 : memref<!tpu.dma_semaphore, #tpu.memory_space<semaphore_mem>>)
    %dma_start3A_29 = arith.constant 3 : i32
    %dma_start3A_30 = arith.constant 0 : i32
    %dma_start3A_31 = tpu.memref_slice %arg9[%dma_start3A_29, %dma_start3A_30] : memref<120x128xi32, #tpu.memory_space<vmem>> -> memref<1x128xi32, #tpu.memory_space<vmem>>
    %dma_start3A_32 = tpu.memref_squeeze %dma_start3A_31 : memref<1x128xi32, #tpu.memory_space<vmem>> -> memref<128xi32, #tpu.memory_space<vmem>>
    %dma_start3A_33 = arith.constant 0 : i32
    %dma_start3A_34 = arith.constant 0 : i32
    %dma_start3A_35 = tpu.memref_slice %arg5[%dma_start3A_33, %dma_start3A_34] : memref<1000000x64xf32, #tpu.memory_space<hbm>> -> memref<1000000x64xf32, #tpu.memory_space<hbm>>
    tpu.enqueue_indirect_dma source(%dma_start3A_35 : memref<1000000x64xf32, #tpu.memory_space<hbm>>) target(%arg14 : memref<128x64xf32, #tpu.memory_space<vmem>>) offsets(%dma_start3A_32 : memref<128xi32, #tpu.memory_space<vmem>>) semaphore(%arg23 : memref<!tpu.dma_semaphore, #tpu.memory_space<semaphore_mem>>)
    %dma_start3A_36 = arith.constant 4 : i32
    %dma_start3A_37 = arith.constant 0 : i32
    %dma_start3A_38 = tpu.memref_slice %arg9[%dma_start3A_36, %dma_start3A_37] : memref<120x128xi32, #tpu.memory_space<vmem>> -> memref<1x128xi32, #tpu.memory_space<vmem>>
    %dma_start3A_39 = tpu.memref_squeeze %dma_start3A_38 : memref<1x128xi32, #tpu.memory_space<vmem>> -> memref<128xi32, #tpu.memory_space<vmem>>
    %dma_start3A_40 = arith.constant 0 : i32
    %dma_start3A_41 = arith.constant 0 : i32
    %dma_start3A_42 = tpu.memref_slice %arg5[%dma_start3A_40, %dma_start3A_41] : memref<1000000x64xf32, #tpu.memory_space<hbm>> -> memref<1000000x64xf32, #tpu.memory_space<hbm>>
    tpu.enqueue_indirect_dma source(%dma_start3A_42 : memref<1000000x64xf32, #tpu.memory_space<hbm>>) target(%arg15 : memref<128x64xf32, #tpu.memory_space<vmem>>) offsets(%dma_start3A_39 : memref<128xi32, #tpu.memory_space<vmem>>) semaphore(%arg24 : memref<!tpu.dma_semaphore, #tpu.memory_space<semaphore_mem>>)
    %dma_start3A_43 = arith.constant 5 : i32
    %dma_start3A_44 = arith.constant 0 : i32
    %dma_start3A_45 = tpu.memref_slice %arg9[%dma_start3A_43, %dma_start3A_44] : memref<120x128xi32, #tpu.memory_space<vmem>> -> memref<1x128xi32, #tpu.memory_space<vmem>>
    %dma_start3A_46 = tpu.memref_squeeze %dma_start3A_45 : memref<1x128xi32, #tpu.memory_space<vmem>> -> memref<128xi32, #tpu.memory_space<vmem>>
    %dma_start3A_47 = arith.constant 0 : i32
    %dma_start3A_48 = arith.constant 0 : i32
    %dma_start3A_49 = tpu.memref_slice %arg5[%dma_start3A_47, %dma_start3A_48] : memref<1000000x64xf32, #tpu.memory_space<hbm>> -> memref<1000000x64xf32, #tpu.memory_space<hbm>>
    tpu.enqueue_indirect_dma source(%dma_start3A_49 : memref<1000000x64xf32, #tpu.memory_space<hbm>>) target(%arg16 : memref<128x64xf32, #tpu.memory_space<vmem>>) offsets(%dma_start3A_46 : memref<128xi32, #tpu.memory_space<vmem>>) semaphore(%arg25 : memref<!tpu.dma_semaphore, #tpu.memory_space<semaphore_mem>>)
    %dma_start3A_50 = arith.constant 6 : i32
    %dma_start3A_51 = arith.constant 0 : i32
    %dma_start3A_52 = tpu.memref_slice %arg9[%dma_start3A_50, %dma_start3A_51] : memref<120x128xi32, #tpu.memory_space<vmem>> -> memref<1x128xi32, #tpu.memory_space<vmem>>
    %dma_start3A_53 = tpu.memref_squeeze %dma_start3A_52 : memref<1x128xi32, #tpu.memory_space<vmem>> -> memref<128xi32, #tpu.memory_space<vmem>>
    %dma_start3A_54 = arith.constant 0 : i32
    %dma_start3A_55 = arith.constant 0 : i32
    %dma_start3A_56 = tpu.memref_slice %arg5[%dma_start3A_54, %dma_start3A_55] : memref<1000000x64xf32, #tpu.memory_space<hbm>> -> memref<1000000x64xf32, #tpu.memory_space<hbm>>
    tpu.enqueue_indirect_dma source(%dma_start3A_56 : memref<1000000x64xf32, #tpu.memory_space<hbm>>) target(%arg17 : memref<128x64xf32, #tpu.memory_space<vmem>>) offsets(%dma_start3A_53 : memref<128xi32, #tpu.memory_space<vmem>>) semaphore(%arg26 : memref<!tpu.dma_semaphore, #tpu.memory_space<semaphore_mem>>)
    %dma_start3A_57 = arith.constant 7 : i32
    %dma_start3A_58 = arith.constant 0 : i32
    %dma_start3A_59 = tpu.memref_slice %arg9[%dma_start3A_57, %dma_start3A_58] : memref<120x128xi32, #tpu.memory_space<vmem>> -> memref<1x128xi32, #tpu.memory_space<vmem>>
    %dma_start3A_60 = tpu.memref_squeeze %dma_start3A_59 : memref<1x128xi32, #tpu.memory_space<vmem>> -> memref<128xi32, #tpu.memory_space<vmem>>
    %dma_start3A_61 = arith.constant 0 : i32
    %dma_start3A_62 = arith.constant 0 : i32
    %dma_start3A_63 = tpu.memref_slice %arg5[%dma_start3A_61, %dma_start3A_62] : memref<1000000x64xf32, #tpu.memory_space<hbm>> -> memref<1000000x64xf32, #tpu.memory_space<hbm>>
    tpu.enqueue_indirect_dma source(%dma_start3A_63 : memref<1000000x64xf32, #tpu.memory_space<hbm>>) target(%arg18 : memref<128x64xf32, #tpu.memory_space<vmem>>) offsets(%dma_start3A_60 : memref<128xi32, #tpu.memory_space<vmem>>) semaphore(%arg27 : memref<!tpu.dma_semaphore, #tpu.memory_space<semaphore_mem>>)
    %scan3A = arith.constant 0 : i32
    %scan3A_64 = arith.constant 0 : i32
    %scan3A_65 = arith.constant 14 : i32
    %scan3A_66 = arith.addi %scan3A_64, %scan3A_65 : i32
    %scan3A_67 = arith.constant 1 : i32
    scf.for %scan3A_246 = %scan3A_64 to %scan3A_66 step %scan3A_67  : i32 {
      %mul3A_247 = arith.constant 8 : i32
      %mul3A_248 = arith.muli %mul3A_247, %scan3A_246 : i32
      %add3A_249 = arith.constant 0 : i32
      %add3A_250 = arith.addi %mul3A_248, %add3A_249 : i32
      %dma_wait3A_251 = arith.constant 0 : i32
      %dma_wait3A_252 = tpu.memref_slice %arg9[%add3A_250, %dma_wait3A_251] : memref<120x128xi32, #tpu.memory_space<vmem>> -> memref<1x128xi32, #tpu.memory_space<vmem>>
      %dma_wait3A_253 = tpu.memref_squeeze %dma_wait3A_252 : memref<1x128xi32, #tpu.memory_space<vmem>> -> memref<128xi32, #tpu.memory_space<vmem>>
      %dma_wait3A_254 = arith.constant 0 : i32
      %dma_wait3A_255 = arith.constant 0 : i32
      %dma_wait3A_256 = tpu.memref_slice %arg5[%dma_wait3A_254, %dma_wait3A_255] : memref<1000000x64xf32, #tpu.memory_space<hbm>> -> memref<1000000x64xf32, #tpu.memory_space<hbm>>
      tpu.wait_indirect_dma semaphore(%arg20 : memref<!tpu.dma_semaphore, #tpu.memory_space<semaphore_mem>>) src(%dma_wait3A_256 : memref<1000000x64xf32, #tpu.memory_space<hbm>>) dst(%arg11 : memref<128x64xf32, #tpu.memory_space<vmem>>)
      %dma_start3A_257 = arith.constant 0 : i32
      %dma_start3A_258 = tpu.memref_slice %arg10[%add3A_250, %dma_start3A_257] : memref<120x128xi32, #tpu.memory_space<vmem>> -> memref<1x128xi32, #tpu.memory_space<vmem>>
      %dma_start3A_259 = tpu.memref_squeeze %dma_start3A_258 : memref<1x128xi32, #tpu.memory_space<vmem>> -> memref<128xi32, #tpu.memory_space<vmem>>
      %dma_start3A_260 = arith.constant 0 : i32
      %dma_start3A_261 = arith.constant 0 : i32
      %dma_start3A_262 = tpu.memref_slice %arg19[%dma_start3A_260, %dma_start3A_261] : memref<6144x64xf32, #tpu.memory_space<vmem_shared>> -> memref<6144x64xf32, #tpu.memory_space<vmem_shared>>
      tpu.enqueue_indirect_dma source(%arg11 : memref<128x64xf32, #tpu.memory_space<vmem>>) target(%dma_start3A_262 : memref<6144x64xf32, #tpu.memory_space<vmem_shared>>) offsets(%dma_start3A_259 : memref<128xi32, #tpu.memory_space<vmem>>) semaphore(%arg28 : memref<!tpu.dma_semaphore, #tpu.memory_space<semaphore_mem>>) {add = true}
      %mul3A_263 = arith.constant 8 : i32
      %mul3A_264 = arith.muli %mul3A_263, %scan3A_246 : i32
      %add3A_265 = arith.constant 1 : i32
      %add3A_266 = arith.addi %mul3A_264, %add3A_265 : i32
      %dma_wait3A_267 = arith.constant 0 : i32
      %dma_wait3A_268 = tpu.memref_slice %arg9[%add3A_266, %dma_wait3A_267] : memref<120x128xi32, #tpu.memory_space<vmem>> -> memref<1x128xi32, #tpu.memory_space<vmem>>
      %dma_wait3A_269 = tpu.memref_squeeze %dma_wait3A_268 : memref<1x128xi32, #tpu.memory_space<vmem>> -> memref<128xi32, #tpu.memory_space<vmem>>
      %dma_wait3A_270 = arith.constant 0 : i32
      %dma_wait3A_271 = arith.constant 0 : i32
      %dma_wait3A_272 = tpu.memref_slice %arg5[%dma_wait3A_270, %dma_wait3A_271] : memref<1000000x64xf32, #tpu.memory_space<hbm>> -> memref<1000000x64xf32, #tpu.memory_space<hbm>>
      tpu.wait_indirect_dma semaphore(%arg21 : memref<!tpu.dma_semaphore, #tpu.memory_space<semaphore_mem>>) src(%dma_wait3A_272 : memref<1000000x64xf32, #tpu.memory_space<hbm>>) dst(%arg12 : memref<128x64xf32, #tpu.memory_space<vmem>>)
      %dma_start3A_273 = arith.constant 0 : i32
      %dma_start3A_274 = tpu.memref_slice %arg10[%add3A_266, %dma_start3A_273] : memref<120x128xi32, #tpu.memory_space<vmem>> -> memref<1x128xi32, #tpu.memory_space<vmem>>
      %dma_start3A_275 = tpu.memref_squeeze %dma_start3A_274 : memref<1x128xi32, #tpu.memory_space<vmem>> -> memref<128xi32, #tpu.memory_space<vmem>>
      %dma_start3A_276 = arith.constant 0 : i32
      %dma_start3A_277 = arith.constant 0 : i32
      %dma_start3A_278 = tpu.memref_slice %arg19[%dma_start3A_276, %dma_start3A_277] : memref<6144x64xf32, #tpu.memory_space<vmem_shared>> -> memref<6144x64xf32, #tpu.memory_space<vmem_shared>>
      tpu.enqueue_indirect_dma source(%arg12 : memref<128x64xf32, #tpu.memory_space<vmem>>) target(%dma_start3A_278 : memref<6144x64xf32, #tpu.memory_space<vmem_shared>>) offsets(%dma_start3A_275 : memref<128xi32, #tpu.memory_space<vmem>>) semaphore(%arg29 : memref<!tpu.dma_semaphore, #tpu.memory_space<semaphore_mem>>) {add = true}
      %mul3A_279 = arith.constant 8 : i32
      %mul3A_280 = arith.muli %mul3A_279, %scan3A_246 : i32
      %add3A_281 = arith.constant 2 : i32
      %add3A_282 = arith.addi %mul3A_280, %add3A_281 : i32
      %dma_wait3A_283 = arith.constant 0 : i32
      %dma_wait3A_284 = tpu.memref_slice %arg9[%add3A_282, %dma_wait3A_283] : memref<120x128xi32, #tpu.memory_space<vmem>> -> memref<1x128xi32, #tpu.memory_space<vmem>>
      %dma_wait3A_285 = tpu.memref_squeeze %dma_wait3A_284 : memref<1x128xi32, #tpu.memory_space<vmem>> -> memref<128xi32, #tpu.memory_space<vmem>>
      %dma_wait3A_286 = arith.constant 0 : i32
      %dma_wait3A_287 = arith.constant 0 : i32
      %dma_wait3A_288 = tpu.memref_slice %arg5[%dma_wait3A_286, %dma_wait3A_287] : memref<1000000x64xf32, #tpu.memory_space<hbm>> -> memref<1000000x64xf32, #tpu.memory_space<hbm>>
      tpu.wait_indirect_dma semaphore(%arg22 : memref<!tpu.dma_semaphore, #tpu.memory_space<semaphore_mem>>) src(%dma_wait3A_288 : memref<1000000x64xf32, #tpu.memory_space<hbm>>) dst(%arg13 : memref<128x64xf32, #tpu.memory_space<vmem>>)
      %dma_start3A_289 = arith.constant 0 : i32
      %dma_start3A_290 = tpu.memref_slice %arg10[%add3A_282, %dma_start3A_289] : memref<120x128xi32, #tpu.memory_space<vmem>> -> memref<1x128xi32, #tpu.memory_space<vmem>>
      %dma_start3A_291 = tpu.memref_squeeze %dma_start3A_290 : memref<1x128xi32, #tpu.memory_space<vmem>> -> memref<128xi32, #tpu.memory_space<vmem>>
      %dma_start3A_292 = arith.constant 0 : i32
      %dma_start3A_293 = arith.constant 0 : i32
      %dma_start3A_294 = tpu.memref_slice %arg19[%dma_start3A_292, %dma_start3A_293] : memref<6144x64xf32, #tpu.memory_space<vmem_shared>> -> memref<6144x64xf32, #tpu.memory_space<vmem_shared>>
      tpu.enqueue_indirect_dma source(%arg13 : memref<128x64xf32, #tpu.memory_space<vmem>>) target(%dma_start3A_294 : memref<6144x64xf32, #tpu.memory_space<vmem_shared>>) offsets(%dma_start3A_291 : memref<128xi32, #tpu.memory_space<vmem>>) semaphore(%arg30 : memref<!tpu.dma_semaphore, #tpu.memory_space<semaphore_mem>>) {add = true}
      %mul3A_295 = arith.constant 8 : i32
      %mul3A_296 = arith.muli %mul3A_295, %scan3A_246 : i32
      %add3A_297 = arith.constant 3 : i32
      %add3A_298 = arith.addi %mul3A_296, %add3A_297 : i32
      %dma_wait3A_299 = arith.constant 0 : i32
      %dma_wait3A_300 = tpu.memref_slice %arg9[%add3A_298, %dma_wait3A_299] : memref<120x128xi32, #tpu.memory_space<vmem>> -> memref<1x128xi32, #tpu.memory_space<vmem>>
      %dma_wait3A_301 = tpu.memref_squeeze %dma_wait3A_300 : memref<1x128xi32, #tpu.memory_space<vmem>> -> memref<128xi32, #tpu.memory_space<vmem>>
      %dma_wait3A_302 = arith.constant 0 : i32
      %dma_wait3A_303 = arith.constant 0 : i32
      %dma_wait3A_304 = tpu.memref_slice %arg5[%dma_wait3A_302, %dma_wait3A_303] : memref<1000000x64xf32, #tpu.memory_space<hbm>> -> memref<1000000x64xf32, #tpu.memory_space<hbm>>
      tpu.wait_indirect_dma semaphore(%arg23 : memref<!tpu.dma_semaphore, #tpu.memory_space<semaphore_mem>>) src(%dma_wait3A_304 : memref<1000000x64xf32, #tpu.memory_space<hbm>>) dst(%arg14 : memref<128x64xf32, #tpu.memory_space<vmem>>)
      %dma_start3A_305 = arith.constant 0 : i32
      %dma_start3A_306 = tpu.memref_slice %arg10[%add3A_298, %dma_start3A_305] : memref<120x128xi32, #tpu.memory_space<vmem>> -> memref<1x128xi32, #tpu.memory_space<vmem>>
      %dma_start3A_307 = tpu.memref_squeeze %dma_start3A_306 : memref<1x128xi32, #tpu.memory_space<vmem>> -> memref<128xi32, #tpu.memory_space<vmem>>
      %dma_start3A_308 = arith.constant 0 : i32
      %dma_start3A_309 = arith.constant 0 : i32
      %dma_start3A_310 = tpu.memref_slice %arg19[%dma_start3A_308, %dma_start3A_309] : memref<6144x64xf32, #tpu.memory_space<vmem_shared>> -> memref<6144x64xf32, #tpu.memory_space<vmem_shared>>
      tpu.enqueue_indirect_dma source(%arg14 : memref<128x64xf32, #tpu.memory_space<vmem>>) target(%dma_start3A_310 : memref<6144x64xf32, #tpu.memory_space<vmem_shared>>) offsets(%dma_start3A_307 : memref<128xi32, #tpu.memory_space<vmem>>) semaphore(%arg31 : memref<!tpu.dma_semaphore, #tpu.memory_space<semaphore_mem>>) {add = true}
      %mul3A_311 = arith.constant 8 : i32
      %mul3A_312 = arith.muli %mul3A_311, %scan3A_246 : i32
      %add3A_313 = arith.constant 4 : i32
      %add3A_314 = arith.addi %mul3A_312, %add3A_313 : i32
      %dma_wait3A_315 = arith.constant 0 : i32
      %dma_wait3A_316 = tpu.memref_slice %arg9[%add3A_314, %dma_wait3A_315] : memref<120x128xi32, #tpu.memory_space<vmem>> -> memref<1x128xi32, #tpu.memory_space<vmem>>
      %dma_wait3A_317 = tpu.memref_squeeze %dma_wait3A_316 : memref<1x128xi32, #tpu.memory_space<vmem>> -> memref<128xi32, #tpu.memory_space<vmem>>
      %dma_wait3A_318 = arith.constant 0 : i32
      %dma_wait3A_319 = arith.constant 0 : i32
      %dma_wait3A_320 = tpu.memref_slice %arg5[%dma_wait3A_318, %dma_wait3A_319] : memref<1000000x64xf32, #tpu.memory_space<hbm>> -> memref<1000000x64xf32, #tpu.memory_space<hbm>>
      tpu.wait_indirect_dma semaphore(%arg24 : memref<!tpu.dma_semaphore, #tpu.memory_space<semaphore_mem>>) src(%dma_wait3A_320 : memref<1000000x64xf32, #tpu.memory_space<hbm>>) dst(%arg15 : memref<128x64xf32, #tpu.memory_space<vmem>>)
      %dma_start3A_321 = arith.constant 0 : i32
      %dma_start3A_322 = tpu.memref_slice %arg10[%add3A_314, %dma_start3A_321] : memref<120x128xi32, #tpu.memory_space<vmem>> -> memref<1x128xi32, #tpu.memory_space<vmem>>
      %dma_start3A_323 = tpu.memref_squeeze %dma_start3A_322 : memref<1x128xi32, #tpu.memory_space<vmem>> -> memref<128xi32, #tpu.memory_space<vmem>>
      %dma_start3A_324 = arith.constant 0 : i32
      %dma_start3A_325 = arith.constant 0 : i32
      %dma_start3A_326 = tpu.memref_slice %arg19[%dma_start3A_324, %dma_start3A_325] : memref<6144x64xf32, #tpu.memory_space<vmem_shared>> -> memref<6144x64xf32, #tpu.memory_space<vmem_shared>>
      tpu.enqueue_indirect_dma source(%arg15 : memref<128x64xf32, #tpu.memory_space<vmem>>) target(%dma_start3A_326 : memref<6144x64xf32, #tpu.memory_space<vmem_shared>>) offsets(%dma_start3A_323 : memref<128xi32, #tpu.memory_space<vmem>>) semaphore(%arg32 : memref<!tpu.dma_semaphore, #tpu.memory_space<semaphore_mem>>) {add = true}
      %mul3A_327 = arith.constant 8 : i32
      %mul3A_328 = arith.muli %mul3A_327, %scan3A_246 : i32
      %add3A_329 = arith.constant 5 : i32
      %add3A_330 = arith.addi %mul3A_328, %add3A_329 : i32
      %dma_wait3A_331 = arith.constant 0 : i32
      %dma_wait3A_332 = tpu.memref_slice %arg9[%add3A_330, %dma_wait3A_331] : memref<120x128xi32, #tpu.memory_space<vmem>> -> memref<1x128xi32, #tpu.memory_space<vmem>>
      %dma_wait3A_333 = tpu.memref_squeeze %dma_wait3A_332 : memref<1x128xi32, #tpu.memory_space<vmem>> -> memref<128xi32, #tpu.memory_space<vmem>>
      %dma_wait3A_334 = arith.constant 0 : i32
      %dma_wait3A_335 = arith.constant 0 : i32
      %dma_wait3A_336 = tpu.memref_slice %arg5[%dma_wait3A_334, %dma_wait3A_335] : memref<1000000x64xf32, #tpu.memory_space<hbm>> -> memref<1000000x64xf32, #tpu.memory_space<hbm>>
      tpu.wait_indirect_dma semaphore(%arg25 : memref<!tpu.dma_semaphore, #tpu.memory_space<semaphore_mem>>) src(%dma_wait3A_336 : memref<1000000x64xf32, #tpu.memory_space<hbm>>) dst(%arg16 : memref<128x64xf32, #tpu.memory_space<vmem>>)
      %dma_start3A_337 = arith.constant 0 : i32
      %dma_start3A_338 = tpu.memref_slice %arg10[%add3A_330, %dma_start3A_337] : memref<120x128xi32, #tpu.memory_space<vmem>> -> memref<1x128xi32, #tpu.memory_space<vmem>>
      %dma_start3A_339 = tpu.memref_squeeze %dma_start3A_338 : memref<1x128xi32, #tpu.memory_space<vmem>> -> memref<128xi32, #tpu.memory_space<vmem>>
      %dma_start3A_340 = arith.constant 0 : i32
      %dma_start3A_341 = arith.constant 0 : i32
      %dma_start3A_342 = tpu.memref_slice %arg19[%dma_start3A_340, %dma_start3A_341] : memref<6144x64xf32, #tpu.memory_space<vmem_shared>> -> memref<6144x64xf32, #tpu.memory_space<vmem_shared>>
      tpu.enqueue_indirect_dma source(%arg16 : memref<128x64xf32, #tpu.memory_space<vmem>>) target(%dma_start3A_342 : memref<6144x64xf32, #tpu.memory_space<vmem_shared>>) offsets(%dma_start3A_339 : memref<128xi32, #tpu.memory_space<vmem>>) semaphore(%arg33 : memref<!tpu.dma_semaphore, #tpu.memory_space<semaphore_mem>>) {add = true}
      %mul3A_343 = arith.constant 8 : i32
      %mul3A_344 = arith.muli %mul3A_343, %scan3A_246 : i32
      %add3A_345 = arith.constant 6 : i32
      %add3A_346 = arith.addi %mul3A_344, %add3A_345 : i32
      %dma_wait3A_347 = arith.constant 0 : i32
      %dma_wait3A_348 = tpu.memref_slice %arg9[%add3A_346, %dma_wait3A_347] : memref<120x128xi32, #tpu.memory_space<vmem>> -> memref<1x128xi32, #tpu.memory_space<vmem>>
      %dma_wait3A_349 = tpu.memref_squeeze %dma_wait3A_348 : memref<1x128xi32, #tpu.memory_space<vmem>> -> memref<128xi32, #tpu.memory_space<vmem>>
      %dma_wait3A_350 = arith.constant 0 : i32
      %dma_wait3A_351 = arith.constant 0 : i32
      %dma_wait3A_352 = tpu.memref_slice %arg5[%dma_wait3A_350, %dma_wait3A_351] : memref<1000000x64xf32, #tpu.memory_space<hbm>> -> memref<1000000x64xf32, #tpu.memory_space<hbm>>
      tpu.wait_indirect_dma semaphore(%arg26 : memref<!tpu.dma_semaphore, #tpu.memory_space<semaphore_mem>>) src(%dma_wait3A_352 : memref<1000000x64xf32, #tpu.memory_space<hbm>>) dst(%arg17 : memref<128x64xf32, #tpu.memory_space<vmem>>)
      %dma_start3A_353 = arith.constant 0 : i32
      %dma_start3A_354 = tpu.memref_slice %arg10[%add3A_346, %dma_start3A_353] : memref<120x128xi32, #tpu.memory_space<vmem>> -> memref<1x128xi32, #tpu.memory_space<vmem>>
      %dma_start3A_355 = tpu.memref_squeeze %dma_start3A_354 : memref<1x128xi32, #tpu.memory_space<vmem>> -> memref<128xi32, #tpu.memory_space<vmem>>
      %dma_start3A_356 = arith.constant 0 : i32
      %dma_start3A_357 = arith.constant 0 : i32
      %dma_start3A_358 = tpu.memref_slice %arg19[%dma_start3A_356, %dma_start3A_357] : memref<6144x64xf32, #tpu.memory_space<vmem_shared>> -> memref<6144x64xf32, #tpu.memory_space<vmem_shared>>
      tpu.enqueue_indirect_dma source(%arg17 : memref<128x64xf32, #tpu.memory_space<vmem>>) target(%dma_start3A_358 : memref<6144x64xf32, #tpu.memory_space<vmem_shared>>) offsets(%dma_start3A_355 : memref<128xi32, #tpu.memory_space<vmem>>) semaphore(%arg34 : memref<!tpu.dma_semaphore, #tpu.memory_space<semaphore_mem>>) {add = true}
      %mul3A_359 = arith.constant 8 : i32
      %mul3A_360 = arith.muli %mul3A_359, %scan3A_246 : i32
      %add3A_361 = arith.constant 7 : i32
      %add3A_362 = arith.addi %mul3A_360, %add3A_361 : i32
      %dma_wait3A_363 = arith.constant 0 : i32
      %dma_wait3A_364 = tpu.memref_slice %arg9[%add3A_362, %dma_wait3A_363] : memref<120x128xi32, #tpu.memory_space<vmem>> -> memref<1x128xi32, #tpu.memory_space<vmem>>
      %dma_wait3A_365 = tpu.memref_squeeze %dma_wait3A_364 : memref<1x128xi32, #tpu.memory_space<vmem>> -> memref<128xi32, #tpu.memory_space<vmem>>
      %dma_wait3A_366 = arith.constant 0 : i32
      %dma_wait3A_367 = arith.constant 0 : i32
      %dma_wait3A_368 = tpu.memref_slice %arg5[%dma_wait3A_366, %dma_wait3A_367] : memref<1000000x64xf32, #tpu.memory_space<hbm>> -> memref<1000000x64xf32, #tpu.memory_space<hbm>>
      tpu.wait_indirect_dma semaphore(%arg27 : memref<!tpu.dma_semaphore, #tpu.memory_space<semaphore_mem>>) src(%dma_wait3A_368 : memref<1000000x64xf32, #tpu.memory_space<hbm>>) dst(%arg18 : memref<128x64xf32, #tpu.memory_space<vmem>>)
      %dma_start3A_369 = arith.constant 0 : i32
      %dma_start3A_370 = tpu.memref_slice %arg10[%add3A_362, %dma_start3A_369] : memref<120x128xi32, #tpu.memory_space<vmem>> -> memref<1x128xi32, #tpu.memory_space<vmem>>
      %dma_start3A_371 = tpu.memref_squeeze %dma_start3A_370 : memref<1x128xi32, #tpu.memory_space<vmem>> -> memref<128xi32, #tpu.memory_space<vmem>>
      %dma_start3A_372 = arith.constant 0 : i32
      %dma_start3A_373 = arith.constant 0 : i32
      %dma_start3A_374 = tpu.memref_slice %arg19[%dma_start3A_372, %dma_start3A_373] : memref<6144x64xf32, #tpu.memory_space<vmem_shared>> -> memref<6144x64xf32, #tpu.memory_space<vmem_shared>>
      tpu.enqueue_indirect_dma source(%arg18 : memref<128x64xf32, #tpu.memory_space<vmem>>) target(%dma_start3A_374 : memref<6144x64xf32, #tpu.memory_space<vmem_shared>>) offsets(%dma_start3A_371 : memref<128xi32, #tpu.memory_space<vmem>>) semaphore(%arg35 : memref<!tpu.dma_semaphore, #tpu.memory_space<semaphore_mem>>) {add = true}
      %mul3A_375 = arith.constant 8 : i32
      %mul3A_376 = arith.muli %mul3A_375, %scan3A_246 : i32
      %add3A_377 = arith.constant 0 : i32
      %add3A_378 = arith.addi %mul3A_376, %add3A_377 : i32
      %dma_wait3A_379 = arith.constant 0 : i32
      %dma_wait3A_380 = tpu.memref_slice %arg10[%add3A_378, %dma_wait3A_379] : memref<120x128xi32, #tpu.memory_space<vmem>> -> memref<1x128xi32, #tpu.memory_space<vmem>>
      %dma_wait3A_381 = tpu.memref_squeeze %dma_wait3A_380 : memref<1x128xi32, #tpu.memory_space<vmem>> -> memref<128xi32, #tpu.memory_space<vmem>>
      %dma_wait3A_382 = arith.constant 0 : i32
      %dma_wait3A_383 = arith.constant 0 : i32
      %dma_wait3A_384 = tpu.memref_slice %arg19[%dma_wait3A_382, %dma_wait3A_383] : memref<6144x64xf32, #tpu.memory_space<vmem_shared>> -> memref<6144x64xf32, #tpu.memory_space<vmem_shared>>
      tpu.wait_indirect_dma semaphore(%arg28 : memref<!tpu.dma_semaphore, #tpu.memory_space<semaphore_mem>>) src(%arg11 : memref<128x64xf32, #tpu.memory_space<vmem>>) dst(%dma_wait3A_384 : memref<6144x64xf32, #tpu.memory_space<vmem_shared>>)
      %add3A_385 = arith.constant 8 : i32
      %add3A_386 = arith.addi %add3A_378, %add3A_385 : i32
      %dma_start3A_387 = arith.constant 0 : i32
      %dma_start3A_388 = tpu.memref_slice %arg9[%add3A_386, %dma_start3A_387] : memref<120x128xi32, #tpu.memory_space<vmem>> -> memref<1x128xi32, #tpu.memory_space<vmem>>
      %dma_start3A_389 = tpu.memref_squeeze %dma_start3A_388 : memref<1x128xi32, #tpu.memory_space<vmem>> -> memref<128xi32, #tpu.memory_space<vmem>>
      %dma_start3A_390 = arith.constant 0 : i32
      %dma_start3A_391 = arith.constant 0 : i32
      %dma_start3A_392 = tpu.memref_slice %arg5[%dma_start3A_390, %dma_start3A_391] : memref<1000000x64xf32, #tpu.memory_space<hbm>> -> memref<1000000x64xf32, #tpu.memory_space<hbm>>
      tpu.enqueue_indirect_dma source(%dma_start3A_392 : memref<1000000x64xf32, #tpu.memory_space<hbm>>) target(%arg11 : memref<128x64xf32, #tpu.memory_space<vmem>>) offsets(%dma_start3A_389 : memref<128xi32, #tpu.memory_space<vmem>>) semaphore(%arg20 : memref<!tpu.dma_semaphore, #tpu.memory_space<semaphore_mem>>)
      %mul3A_393 = arith.constant 8 : i32
      %mul3A_394 = arith.muli %mul3A_393, %scan3A_246 : i32
      %add3A_395 = arith.constant 1 : i32
      %add3A_396 = arith.addi %mul3A_394, %add3A_395 : i32
      %dma_wait3A_397 = arith.constant 0 : i32
      %dma_wait3A_398 = tpu.memref_slice %arg10[%add3A_396, %dma_wait3A_397] : memref<120x128xi32, #tpu.memory_space<vmem>> -> memref<1x128xi32, #tpu.memory_space<vmem>>
      %dma_wait3A_399 = tpu.memref_squeeze %dma_wait3A_398 : memref<1x128xi32, #tpu.memory_space<vmem>> -> memref<128xi32, #tpu.memory_space<vmem>>
      %dma_wait3A_400 = arith.constant 0 : i32
      %dma_wait3A_401 = arith.constant 0 : i32
      %dma_wait3A_402 = tpu.memref_slice %arg19[%dma_wait3A_400, %dma_wait3A_401] : memref<6144x64xf32, #tpu.memory_space<vmem_shared>> -> memref<6144x64xf32, #tpu.memory_space<vmem_shared>>
      tpu.wait_indirect_dma semaphore(%arg29 : memref<!tpu.dma_semaphore, #tpu.memory_space<semaphore_mem>>) src(%arg12 : memref<128x64xf32, #tpu.memory_space<vmem>>) dst(%dma_wait3A_402 : memref<6144x64xf32, #tpu.memory_space<vmem_shared>>)
      %add3A_403 = arith.constant 8 : i32
      %add3A_404 = arith.addi %add3A_396, %add3A_403 : i32
      %dma_start3A_405 = arith.constant 0 : i32
      %dma_start3A_406 = tpu.memref_slice %arg9[%add3A_404, %dma_start3A_405] : memref<120x128xi32, #tpu.memory_space<vmem>> -> memref<1x128xi32, #tpu.memory_space<vmem>>
      %dma_start3A_407 = tpu.memref_squeeze %dma_start3A_406 : memref<1x128xi32, #tpu.memory_space<vmem>> -> memref<128xi32, #tpu.memory_space<vmem>>
      %dma_start3A_408 = arith.constant 0 : i32
      %dma_start3A_409 = arith.constant 0 : i32
      %dma_start3A_410 = tpu.memref_slice %arg5[%dma_start3A_408, %dma_start3A_409] : memref<1000000x64xf32, #tpu.memory_space<hbm>> -> memref<1000000x64xf32, #tpu.memory_space<hbm>>
      tpu.enqueue_indirect_dma source(%dma_start3A_410 : memref<1000000x64xf32, #tpu.memory_space<hbm>>) target(%arg12 : memref<128x64xf32, #tpu.memory_space<vmem>>) offsets(%dma_start3A_407 : memref<128xi32, #tpu.memory_space<vmem>>) semaphore(%arg21 : memref<!tpu.dma_semaphore, #tpu.memory_space<semaphore_mem>>)
      %mul3A_411 = arith.constant 8 : i32
      %mul3A_412 = arith.muli %mul3A_411, %scan3A_246 : i32
      %add3A_413 = arith.constant 2 : i32
      %add3A_414 = arith.addi %mul3A_412, %add3A_413 : i32
      %dma_wait3A_415 = arith.constant 0 : i32
      %dma_wait3A_416 = tpu.memref_slice %arg10[%add3A_414, %dma_wait3A_415] : memref<120x128xi32, #tpu.memory_space<vmem>> -> memref<1x128xi32, #tpu.memory_space<vmem>>
      %dma_wait3A_417 = tpu.memref_squeeze %dma_wait3A_416 : memref<1x128xi32, #tpu.memory_space<vmem>> -> memref<128xi32, #tpu.memory_space<vmem>>
      %dma_wait3A_418 = arith.constant 0 : i32
      %dma_wait3A_419 = arith.constant 0 : i32
      %dma_wait3A_420 = tpu.memref_slice %arg19[%dma_wait3A_418, %dma_wait3A_419] : memref<6144x64xf32, #tpu.memory_space<vmem_shared>> -> memref<6144x64xf32, #tpu.memory_space<vmem_shared>>
      tpu.wait_indirect_dma semaphore(%arg30 : memref<!tpu.dma_semaphore, #tpu.memory_space<semaphore_mem>>) src(%arg13 : memref<128x64xf32, #tpu.memory_space<vmem>>) dst(%dma_wait3A_420 : memref<6144x64xf32, #tpu.memory_space<vmem_shared>>)
      %add3A_421 = arith.constant 8 : i32
      %add3A_422 = arith.addi %add3A_414, %add3A_421 : i32
      %dma_start3A_423 = arith.constant 0 : i32
      %dma_start3A_424 = tpu.memref_slice %arg9[%add3A_422, %dma_start3A_423] : memref<120x128xi32, #tpu.memory_space<vmem>> -> memref<1x128xi32, #tpu.memory_space<vmem>>
      %dma_start3A_425 = tpu.memref_squeeze %dma_start3A_424 : memref<1x128xi32, #tpu.memory_space<vmem>> -> memref<128xi32, #tpu.memory_space<vmem>>
      %dma_start3A_426 = arith.constant 0 : i32
      %dma_start3A_427 = arith.constant 0 : i32
      %dma_start3A_428 = tpu.memref_slice %arg5[%dma_start3A_426, %dma_start3A_427] : memref<1000000x64xf32, #tpu.memory_space<hbm>> -> memref<1000000x64xf32, #tpu.memory_space<hbm>>
      tpu.enqueue_indirect_dma source(%dma_start3A_428 : memref<1000000x64xf32, #tpu.memory_space<hbm>>) target(%arg13 : memref<128x64xf32, #tpu.memory_space<vmem>>) offsets(%dma_start3A_425 : memref<128xi32, #tpu.memory_space<vmem>>) semaphore(%arg22 : memref<!tpu.dma_semaphore, #tpu.memory_space<semaphore_mem>>)
      %mul3A_429 = arith.constant 8 : i32
      %mul3A_430 = arith.muli %mul3A_429, %scan3A_246 : i32
      %add3A_431 = arith.constant 3 : i32
      %add3A_432 = arith.addi %mul3A_430, %add3A_431 : i32
      %dma_wait3A_433 = arith.constant 0 : i32
      %dma_wait3A_434 = tpu.memref_slice %arg10[%add3A_432, %dma_wait3A_433] : memref<120x128xi32, #tpu.memory_space<vmem>> -> memref<1x128xi32, #tpu.memory_space<vmem>>
      %dma_wait3A_435 = tpu.memref_squeeze %dma_wait3A_434 : memref<1x128xi32, #tpu.memory_space<vmem>> -> memref<128xi32, #tpu.memory_space<vmem>>
      %dma_wait3A_436 = arith.constant 0 : i32
      %dma_wait3A_437 = arith.constant 0 : i32
      %dma_wait3A_438 = tpu.memref_slice %arg19[%dma_wait3A_436, %dma_wait3A_437] : memref<6144x64xf32, #tpu.memory_space<vmem_shared>> -> memref<6144x64xf32, #tpu.memory_space<vmem_shared>>
      tpu.wait_indirect_dma semaphore(%arg31 : memref<!tpu.dma_semaphore, #tpu.memory_space<semaphore_mem>>) src(%arg14 : memref<128x64xf32, #tpu.memory_space<vmem>>) dst(%dma_wait3A_438 : memref<6144x64xf32, #tpu.memory_space<vmem_shared>>)
      %add3A_439 = arith.constant 8 : i32
      %add3A_440 = arith.addi %add3A_432, %add3A_439 : i32
      %dma_start3A_441 = arith.constant 0 : i32
      %dma_start3A_442 = tpu.memref_slice %arg9[%add3A_440, %dma_start3A_441] : memref<120x128xi32, #tpu.memory_space<vmem>> -> memref<1x128xi32, #tpu.memory_space<vmem>>
      %dma_start3A_443 = tpu.memref_squeeze %dma_start3A_442 : memref<1x128xi32, #tpu.memory_space<vmem>> -> memref<128xi32, #tpu.memory_space<vmem>>
      %dma_start3A_444 = arith.constant 0 : i32
      %dma_start3A_445 = arith.constant 0 : i32
      %dma_start3A_446 = tpu.memref_slice %arg5[%dma_start3A_444, %dma_start3A_445] : memref<1000000x64xf32, #tpu.memory_space<hbm>> -> memref<1000000x64xf32, #tpu.memory_space<hbm>>
      tpu.enqueue_indirect_dma source(%dma_start3A_446 : memref<1000000x64xf32, #tpu.memory_space<hbm>>) target(%arg14 : memref<128x64xf32, #tpu.memory_space<vmem>>) offsets(%dma_start3A_443 : memref<128xi32, #tpu.memory_space<vmem>>) semaphore(%arg23 : memref<!tpu.dma_semaphore, #tpu.memory_space<semaphore_mem>>)
      %mul3A_447 = arith.constant 8 : i32
      %mul3A_448 = arith.muli %mul3A_447, %scan3A_246 : i32
      %add3A_449 = arith.constant 4 : i32
      %add3A_450 = arith.addi %mul3A_448, %add3A_449 : i32
      %dma_wait3A_451 = arith.constant 0 : i32
      %dma_wait3A_452 = tpu.memref_slice %arg10[%add3A_450, %dma_wait3A_451] : memref<120x128xi32, #tpu.memory_space<vmem>> -> memref<1x128xi32, #tpu.memory_space<vmem>>
      %dma_wait3A_453 = tpu.memref_squeeze %dma_wait3A_452 : memref<1x128xi32, #tpu.memory_space<vmem>> -> memref<128xi32, #tpu.memory_space<vmem>>
      %dma_wait3A_454 = arith.constant 0 : i32
      %dma_wait3A_455 = arith.constant 0 : i32
      %dma_wait3A_456 = tpu.memref_slice %arg19[%dma_wait3A_454, %dma_wait3A_455] : memref<6144x64xf32, #tpu.memory_space<vmem_shared>> -> memref<6144x64xf32, #tpu.memory_space<vmem_shared>>
      tpu.wait_indirect_dma semaphore(%arg32 : memref<!tpu.dma_semaphore, #tpu.memory_space<semaphore_mem>>) src(%arg15 : memref<128x64xf32, #tpu.memory_space<vmem>>) dst(%dma_wait3A_456 : memref<6144x64xf32, #tpu.memory_space<vmem_shared>>)
      %add3A_457 = arith.constant 8 : i32
      %add3A_458 = arith.addi %add3A_450, %add3A_457 : i32
      %dma_start3A_459 = arith.constant 0 : i32
      %dma_start3A_460 = tpu.memref_slice %arg9[%add3A_458, %dma_start3A_459] : memref<120x128xi32, #tpu.memory_space<vmem>> -> memref<1x128xi32, #tpu.memory_space<vmem>>
      %dma_start3A_461 = tpu.memref_squeeze %dma_start3A_460 : memref<1x128xi32, #tpu.memory_space<vmem>> -> memref<128xi32, #tpu.memory_space<vmem>>
      %dma_start3A_462 = arith.constant 0 : i32
      %dma_start3A_463 = arith.constant 0 : i32
      %dma_start3A_464 = tpu.memref_slice %arg5[%dma_start3A_462, %dma_start3A_463] : memref<1000000x64xf32, #tpu.memory_space<hbm>> -> memref<1000000x64xf32, #tpu.memory_space<hbm>>
      tpu.enqueue_indirect_dma source(%dma_start3A_464 : memref<1000000x64xf32, #tpu.memory_space<hbm>>) target(%arg15 : memref<128x64xf32, #tpu.memory_space<vmem>>) offsets(%dma_start3A_461 : memref<128xi32, #tpu.memory_space<vmem>>) semaphore(%arg24 : memref<!tpu.dma_semaphore, #tpu.memory_space<semaphore_mem>>)
      %mul3A_465 = arith.constant 8 : i32
      %mul3A_466 = arith.muli %mul3A_465, %scan3A_246 : i32
      %add3A_467 = arith.constant 5 : i32
      %add3A_468 = arith.addi %mul3A_466, %add3A_467 : i32
      %dma_wait3A_469 = arith.constant 0 : i32
      %dma_wait3A_470 = tpu.memref_slice %arg10[%add3A_468, %dma_wait3A_469] : memref<120x128xi32, #tpu.memory_space<vmem>> -> memref<1x128xi32, #tpu.memory_space<vmem>>
      %dma_wait3A_471 = tpu.memref_squeeze %dma_wait3A_470 : memref<1x128xi32, #tpu.memory_space<vmem>> -> memref<128xi32, #tpu.memory_space<vmem>>
      %dma_wait3A_472 = arith.constant 0 : i32
      %dma_wait3A_473 = arith.constant 0 : i32
      %dma_wait3A_474 = tpu.memref_slice %arg19[%dma_wait3A_472, %dma_wait3A_473] : memref<6144x64xf32, #tpu.memory_space<vmem_shared>> -> memref<6144x64xf32, #tpu.memory_space<vmem_shared>>
      tpu.wait_indirect_dma semaphore(%arg33 : memref<!tpu.dma_semaphore, #tpu.memory_space<semaphore_mem>>) src(%arg16 : memref<128x64xf32, #tpu.memory_space<vmem>>) dst(%dma_wait3A_474 : memref<6144x64xf32, #tpu.memory_space<vmem_shared>>)
      %add3A_475 = arith.constant 8 : i32
      %add3A_476 = arith.addi %add3A_468, %add3A_475 : i32
      %dma_start3A_477 = arith.constant 0 : i32
      %dma_start3A_478 = tpu.memref_slice %arg9[%add3A_476, %dma_start3A_477] : memref<120x128xi32, #tpu.memory_space<vmem>> -> memref<1x128xi32, #tpu.memory_space<vmem>>
      %dma_start3A_479 = tpu.memref_squeeze %dma_start3A_478 : memref<1x128xi32, #tpu.memory_space<vmem>> -> memref<128xi32, #tpu.memory_space<vmem>>
      %dma_start3A_480 = arith.constant 0 : i32
      %dma_start3A_481 = arith.constant 0 : i32
      %dma_start3A_482 = tpu.memref_slice %arg5[%dma_start3A_480, %dma_start3A_481] : memref<1000000x64xf32, #tpu.memory_space<hbm>> -> memref<1000000x64xf32, #tpu.memory_space<hbm>>
      tpu.enqueue_indirect_dma source(%dma_start3A_482 : memref<1000000x64xf32, #tpu.memory_space<hbm>>) target(%arg16 : memref<128x64xf32, #tpu.memory_space<vmem>>) offsets(%dma_start3A_479 : memref<128xi32, #tpu.memory_space<vmem>>) semaphore(%arg25 : memref<!tpu.dma_semaphore, #tpu.memory_space<semaphore_mem>>)
      %mul3A_483 = arith.constant 8 : i32
      %mul3A_484 = arith.muli %mul3A_483, %scan3A_246 : i32
      %add3A_485 = arith.constant 6 : i32
      %add3A_486 = arith.addi %mul3A_484, %add3A_485 : i32
      %dma_wait3A_487 = arith.constant 0 : i32
      %dma_wait3A_488 = tpu.memref_slice %arg10[%add3A_486, %dma_wait3A_487] : memref<120x128xi32, #tpu.memory_space<vmem>> -> memref<1x128xi32, #tpu.memory_space<vmem>>
      %dma_wait3A_489 = tpu.memref_squeeze %dma_wait3A_488 : memref<1x128xi32, #tpu.memory_space<vmem>> -> memref<128xi32, #tpu.memory_space<vmem>>
      %dma_wait3A_490 = arith.constant 0 : i32
      %dma_wait3A_491 = arith.constant 0 : i32
      %dma_wait3A_492 = tpu.memref_slice %arg19[%dma_wait3A_490, %dma_wait3A_491] : memref<6144x64xf32, #tpu.memory_space<vmem_shared>> -> memref<6144x64xf32, #tpu.memory_space<vmem_shared>>
      tpu.wait_indirect_dma semaphore(%arg34 : memref<!tpu.dma_semaphore, #tpu.memory_space<semaphore_mem>>) src(%arg17 : memref<128x64xf32, #tpu.memory_space<vmem>>) dst(%dma_wait3A_492 : memref<6144x64xf32, #tpu.memory_space<vmem_shared>>)
      %add3A_493 = arith.constant 8 : i32
      %add3A_494 = arith.addi %add3A_486, %add3A_493 : i32
      %dma_start3A_495 = arith.constant 0 : i32
      %dma_start3A_496 = tpu.memref_slice %arg9[%add3A_494, %dma_start3A_495] : memref<120x128xi32, #tpu.memory_space<vmem>> -> memref<1x128xi32, #tpu.memory_space<vmem>>
      %dma_start3A_497 = tpu.memref_squeeze %dma_start3A_496 : memref<1x128xi32, #tpu.memory_space<vmem>> -> memref<128xi32, #tpu.memory_space<vmem>>
      %dma_start3A_498 = arith.constant 0 : i32
      %dma_start3A_499 = arith.constant 0 : i32
      %dma_start3A_500 = tpu.memref_slice %arg5[%dma_start3A_498, %dma_start3A_499] : memref<1000000x64xf32, #tpu.memory_space<hbm>> -> memref<1000000x64xf32, #tpu.memory_space<hbm>>
      tpu.enqueue_indirect_dma source(%dma_start3A_500 : memref<1000000x64xf32, #tpu.memory_space<hbm>>) target(%arg17 : memref<128x64xf32, #tpu.memory_space<vmem>>) offsets(%dma_start3A_497 : memref<128xi32, #tpu.memory_space<vmem>>) semaphore(%arg26 : memref<!tpu.dma_semaphore, #tpu.memory_space<semaphore_mem>>)
      %mul3A_501 = arith.constant 8 : i32
      %mul3A_502 = arith.muli %mul3A_501, %scan3A_246 : i32
      %add3A_503 = arith.constant 7 : i32
      %add3A_504 = arith.addi %mul3A_502, %add3A_503 : i32
      %dma_wait3A_505 = arith.constant 0 : i32
      %dma_wait3A_506 = tpu.memref_slice %arg10[%add3A_504, %dma_wait3A_505] : memref<120x128xi32, #tpu.memory_space<vmem>> -> memref<1x128xi32, #tpu.memory_space<vmem>>
      %dma_wait3A_507 = tpu.memref_squeeze %dma_wait3A_506 : memref<1x128xi32, #tpu.memory_space<vmem>> -> memref<128xi32, #tpu.memory_space<vmem>>
      %dma_wait3A_508 = arith.constant 0 : i32
      %dma_wait3A_509 = arith.constant 0 : i32
      %dma_wait3A_510 = tpu.memref_slice %arg19[%dma_wait3A_508, %dma_wait3A_509] : memref<6144x64xf32, #tpu.memory_space<vmem_shared>> -> memref<6144x64xf32, #tpu.memory_space<vmem_shared>>
      tpu.wait_indirect_dma semaphore(%arg35 : memref<!tpu.dma_semaphore, #tpu.memory_space<semaphore_mem>>) src(%arg18 : memref<128x64xf32, #tpu.memory_space<vmem>>) dst(%dma_wait3A_510 : memref<6144x64xf32, #tpu.memory_space<vmem_shared>>)
      %add3A_511 = arith.constant 8 : i32
      %add3A_512 = arith.addi %add3A_504, %add3A_511 : i32
      %dma_start3A_513 = arith.constant 0 : i32
      %dma_start3A_514 = tpu.memref_slice %arg9[%add3A_512, %dma_start3A_513] : memref<120x128xi32, #tpu.memory_space<vmem>> -> memref<1x128xi32, #tpu.memory_space<vmem>>
      %dma_start3A_515 = tpu.memref_squeeze %dma_start3A_514 : memref<1x128xi32, #tpu.memory_space<vmem>> -> memref<128xi32, #tpu.memory_space<vmem>>
      %dma_start3A_516 = arith.constant 0 : i32
      %dma_start3A_517 = arith.constant 0 : i32
      %dma_start3A_518 = tpu.memref_slice %arg5[%dma_start3A_516, %dma_start3A_517] : memref<1000000x64xf32, #tpu.memory_space<hbm>> -> memref<1000000x64xf32, #tpu.memory_space<hbm>>
      tpu.enqueue_indirect_dma source(%dma_start3A_518 : memref<1000000x64xf32, #tpu.memory_space<hbm>>) target(%arg18 : memref<128x64xf32, #tpu.memory_space<vmem>>) offsets(%dma_start3A_515 : memref<128xi32, #tpu.memory_space<vmem>>) semaphore(%arg27 : memref<!tpu.dma_semaphore, #tpu.memory_space<semaphore_mem>>)
    }
    %scan3A_68 = arith.constant 14 : i32
    %dma_wait3A = arith.constant 112 : i32
    %dma_wait3A_69 = arith.constant 0 : i32
    %dma_wait3A_70 = tpu.memref_slice %arg9[%dma_wait3A, %dma_wait3A_69] : memref<120x128xi32, #tpu.memory_space<vmem>> -> memref<1x128xi32, #tpu.memory_space<vmem>>
    %dma_wait3A_71 = tpu.memref_squeeze %dma_wait3A_70 : memref<1x128xi32, #tpu.memory_space<vmem>> -> memref<128xi32, #tpu.memory_space<vmem>>
    %dma_wait3A_72 = arith.constant 0 : i32
    %dma_wait3A_73 = arith.constant 0 : i32
    %dma_wait3A_74 = tpu.memref_slice %arg5[%dma_wait3A_72, %dma_wait3A_73] : memref<1000000x64xf32, #tpu.memory_space<hbm>> -> memref<1000000x64xf32, #tpu.memory_space<hbm>>
    tpu.wait_indirect_dma semaphore(%arg20 : memref<!tpu.dma_semaphore, #tpu.memory_space<semaphore_mem>>) src(%dma_wait3A_74 : memref<1000000x64xf32, #tpu.memory_space<hbm>>) dst(%arg11 : memref<128x64xf32, #tpu.memory_space<vmem>>)
    %dma_start3A_75 = arith.constant 112 : i32
    %dma_start3A_76 = arith.constant 0 : i32
    %dma_start3A_77 = tpu.memref_slice %arg10[%dma_start3A_75, %dma_start3A_76] : memref<120x128xi32, #tpu.memory_space<vmem>> -> memref<1x128xi32, #tpu.memory_space<vmem>>
    %dma_start3A_78 = tpu.memref_squeeze %dma_start3A_77 : memref<1x128xi32, #tpu.memory_space<vmem>> -> memref<128xi32, #tpu.memory_space<vmem>>
    %dma_start3A_79 = arith.constant 0 : i32
    %dma_start3A_80 = arith.constant 0 : i32
    %dma_start3A_81 = tpu.memref_slice %arg19[%dma_start3A_79, %dma_start3A_80] : memref<6144x64xf32, #tpu.memory_space<vmem_shared>> -> memref<6144x64xf32, #tpu.memory_space<vmem_shared>>
    tpu.enqueue_indirect_dma source(%arg11 : memref<128x64xf32, #tpu.memory_space<vmem>>) target(%dma_start3A_81 : memref<6144x64xf32, #tpu.memory_space<vmem_shared>>) offsets(%dma_start3A_78 : memref<128xi32, #tpu.memory_space<vmem>>) semaphore(%arg28 : memref<!tpu.dma_semaphore, #tpu.memory_space<semaphore_mem>>) {add = true}
    %dma_wait3A_82 = arith.constant 113 : i32
    %dma_wait3A_83 = arith.constant 0 : i32
    %dma_wait3A_84 = tpu.memref_slice %arg9[%dma_wait3A_82, %dma_wait3A_83] : memref<120x128xi32, #tpu.memory_space<vmem>> -> memref<1x128xi32, #tpu.memory_space<vmem>>
    %dma_wait3A_85 = tpu.memref_squeeze %dma_wait3A_84 : memref<1x128xi32, #tpu.memory_space<vmem>> -> memref<128xi32, #tpu.memory_space<vmem>>
    %dma_wait3A_86 = arith.constant 0 : i32
    %dma_wait3A_87 = arith.constant 0 : i32
    %dma_wait3A_88 = tpu.memref_slice %arg5[%dma_wait3A_86, %dma_wait3A_87] : memref<1000000x64xf32, #tpu.memory_space<hbm>> -> memref<1000000x64xf32, #tpu.memory_space<hbm>>
    tpu.wait_indirect_dma semaphore(%arg21 : memref<!tpu.dma_semaphore, #tpu.memory_space<semaphore_mem>>) src(%dma_wait3A_88 : memref<1000000x64xf32, #tpu.memory_space<hbm>>) dst(%arg12 : memref<128x64xf32, #tpu.memory_space<vmem>>)
    %dma_start3A_89 = arith.constant 113 : i32
    %dma_start3A_90 = arith.constant 0 : i32
    %dma_start3A_91 = tpu.memref_slice %arg10[%dma_start3A_89, %dma_start3A_90] : memref<120x128xi32, #tpu.memory_space<vmem>> -> memref<1x128xi32, #tpu.memory_space<vmem>>
    %dma_start3A_92 = tpu.memref_squeeze %dma_start3A_91 : memref<1x128xi32, #tpu.memory_space<vmem>> -> memref<128xi32, #tpu.memory_space<vmem>>
    %dma_start3A_93 = arith.constant 0 : i32
    %dma_start3A_94 = arith.constant 0 : i32
    %dma_start3A_95 = tpu.memref_slice %arg19[%dma_start3A_93, %dma_start3A_94] : memref<6144x64xf32, #tpu.memory_space<vmem_shared>> -> memref<6144x64xf32, #tpu.memory_space<vmem_shared>>
    tpu.enqueue_indirect_dma source(%arg12 : memref<128x64xf32, #tpu.memory_space<vmem>>) target(%dma_start3A_95 : memref<6144x64xf32, #tpu.memory_space<vmem_shared>>) offsets(%dma_start3A_92 : memref<128xi32, #tpu.memory_space<vmem>>) semaphore(%arg29 : memref<!tpu.dma_semaphore, #tpu.memory_space<semaphore_mem>>) {add = true}
    %dma_wait3A_96 = arith.constant 114 : i32
    %dma_wait3A_97 = arith.constant 0 : i32
    %dma_wait3A_98 = tpu.memref_slice %arg9[%dma_wait3A_96, %dma_wait3A_97] : memref<120x128xi32, #tpu.memory_space<vmem>> -> memref<1x128xi32, #tpu.memory_space<vmem>>
    %dma_wait3A_99 = tpu.memref_squeeze %dma_wait3A_98 : memref<1x128xi32, #tpu.memory_space<vmem>> -> memref<128xi32, #tpu.memory_space<vmem>>
    %dma_wait3A_100 = arith.constant 0 : i32
    %dma_wait3A_101 = arith.constant 0 : i32
    %dma_wait3A_102 = tpu.memref_slice %arg5[%dma_wait3A_100, %dma_wait3A_101] : memref<1000000x64xf32, #tpu.memory_space<hbm>> -> memref<1000000x64xf32, #tpu.memory_space<hbm>>
    tpu.wait_indirect_dma semaphore(%arg22 : memref<!tpu.dma_semaphore, #tpu.memory_space<semaphore_mem>>) src(%dma_wait3A_102 : memref<1000000x64xf32, #tpu.memory_space<hbm>>) dst(%arg13 : memref<128x64xf32, #tpu.memory_space<vmem>>)
    %dma_start3A_103 = arith.constant 114 : i32
    %dma_start3A_104 = arith.constant 0 : i32
    %dma_start3A_105 = tpu.memref_slice %arg10[%dma_start3A_103, %dma_start3A_104] : memref<120x128xi32, #tpu.memory_space<vmem>> -> memref<1x128xi32, #tpu.memory_space<vmem>>
    %dma_start3A_106 = tpu.memref_squeeze %dma_start3A_105 : memref<1x128xi32, #tpu.memory_space<vmem>> -> memref<128xi32, #tpu.memory_space<vmem>>
    %dma_start3A_107 = arith.constant 0 : i32
    %dma_start3A_108 = arith.constant 0 : i32
    %dma_start3A_109 = tpu.memref_slice %arg19[%dma_start3A_107, %dma_start3A_108] : memref<6144x64xf32, #tpu.memory_space<vmem_shared>> -> memref<6144x64xf32, #tpu.memory_space<vmem_shared>>
    tpu.enqueue_indirect_dma source(%arg13 : memref<128x64xf32, #tpu.memory_space<vmem>>) target(%dma_start3A_109 : memref<6144x64xf32, #tpu.memory_space<vmem_shared>>) offsets(%dma_start3A_106 : memref<128xi32, #tpu.memory_space<vmem>>) semaphore(%arg30 : memref<!tpu.dma_semaphore, #tpu.memory_space<semaphore_mem>>) {add = true}
    %dma_wait3A_110 = arith.constant 115 : i32
    %dma_wait3A_111 = arith.constant 0 : i32
    %dma_wait3A_112 = tpu.memref_slice %arg9[%dma_wait3A_110, %dma_wait3A_111] : memref<120x128xi32, #tpu.memory_space<vmem>> -> memref<1x128xi32, #tpu.memory_space<vmem>>
    %dma_wait3A_113 = tpu.memref_squeeze %dma_wait3A_112 : memref<1x128xi32, #tpu.memory_space<vmem>> -> memref<128xi32, #tpu.memory_space<vmem>>
    %dma_wait3A_114 = arith.constant 0 : i32
    %dma_wait3A_115 = arith.constant 0 : i32
    %dma_wait3A_116 = tpu.memref_slice %arg5[%dma_wait3A_114, %dma_wait3A_115] : memref<1000000x64xf32, #tpu.memory_space<hbm>> -> memref<1000000x64xf32, #tpu.memory_space<hbm>>
    tpu.wait_indirect_dma semaphore(%arg23 : memref<!tpu.dma_semaphore, #tpu.memory_space<semaphore_mem>>) src(%dma_wait3A_116 : memref<1000000x64xf32, #tpu.memory_space<hbm>>) dst(%arg14 : memref<128x64xf32, #tpu.memory_space<vmem>>)
    %dma_start3A_117 = arith.constant 115 : i32
    %dma_start3A_118 = arith.constant 0 : i32
    %dma_start3A_119 = tpu.memref_slice %arg10[%dma_start3A_117, %dma_start3A_118] : memref<120x128xi32, #tpu.memory_space<vmem>> -> memref<1x128xi32, #tpu.memory_space<vmem>>
    %dma_start3A_120 = tpu.memref_squeeze %dma_start3A_119 : memref<1x128xi32, #tpu.memory_space<vmem>> -> memref<128xi32, #tpu.memory_space<vmem>>
    %dma_start3A_121 = arith.constant 0 : i32
    %dma_start3A_122 = arith.constant 0 : i32
    %dma_start3A_123 = tpu.memref_slice %arg19[%dma_start3A_121, %dma_start3A_122] : memref<6144x64xf32, #tpu.memory_space<vmem_shared>> -> memref<6144x64xf32, #tpu.memory_space<vmem_shared>>
    tpu.enqueue_indirect_dma source(%arg14 : memref<128x64xf32, #tpu.memory_space<vmem>>) target(%dma_start3A_123 : memref<6144x64xf32, #tpu.memory_space<vmem_shared>>) offsets(%dma_start3A_120 : memref<128xi32, #tpu.memory_space<vmem>>) semaphore(%arg31 : memref<!tpu.dma_semaphore, #tpu.memory_space<semaphore_mem>>) {add = true}
    %dma_wait3A_124 = arith.constant 116 : i32
    %dma_wait3A_125 = arith.constant 0 : i32
    %dma_wait3A_126 = tpu.memref_slice %arg9[%dma_wait3A_124, %dma_wait3A_125] : memref<120x128xi32, #tpu.memory_space<vmem>> -> memref<1x128xi32, #tpu.memory_space<vmem>>
    %dma_wait3A_127 = tpu.memref_squeeze %dma_wait3A_126 : memref<1x128xi32, #tpu.memory_space<vmem>> -> memref<128xi32, #tpu.memory_space<vmem>>
    %dma_wait3A_128 = arith.constant 0 : i32
    %dma_wait3A_129 = arith.constant 0 : i32
    %dma_wait3A_130 = tpu.memref_slice %arg5[%dma_wait3A_128, %dma_wait3A_129] : memref<1000000x64xf32, #tpu.memory_space<hbm>> -> memref<1000000x64xf32, #tpu.memory_space<hbm>>
    tpu.wait_indirect_dma semaphore(%arg24 : memref<!tpu.dma_semaphore, #tpu.memory_space<semaphore_mem>>) src(%dma_wait3A_130 : memref<1000000x64xf32, #tpu.memory_space<hbm>>) dst(%arg15 : memref<128x64xf32, #tpu.memory_space<vmem>>)
    %dma_start3A_131 = arith.constant 116 : i32
    %dma_start3A_132 = arith.constant 0 : i32
    %dma_start3A_133 = tpu.memref_slice %arg10[%dma_start3A_131, %dma_start3A_132] : memref<120x128xi32, #tpu.memory_space<vmem>> -> memref<1x128xi32, #tpu.memory_space<vmem>>
    %dma_start3A_134 = tpu.memref_squeeze %dma_start3A_133 : memref<1x128xi32, #tpu.memory_space<vmem>> -> memref<128xi32, #tpu.memory_space<vmem>>
    %dma_start3A_135 = arith.constant 0 : i32
    %dma_start3A_136 = arith.constant 0 : i32
    %dma_start3A_137 = tpu.memref_slice %arg19[%dma_start3A_135, %dma_start3A_136] : memref<6144x64xf32, #tpu.memory_space<vmem_shared>> -> memref<6144x64xf32, #tpu.memory_space<vmem_shared>>
    tpu.enqueue_indirect_dma source(%arg15 : memref<128x64xf32, #tpu.memory_space<vmem>>) target(%dma_start3A_137 : memref<6144x64xf32, #tpu.memory_space<vmem_shared>>) offsets(%dma_start3A_134 : memref<128xi32, #tpu.memory_space<vmem>>) semaphore(%arg32 : memref<!tpu.dma_semaphore, #tpu.memory_space<semaphore_mem>>) {add = true}
    %dma_wait3A_138 = arith.constant 117 : i32
    %dma_wait3A_139 = arith.constant 0 : i32
    %dma_wait3A_140 = tpu.memref_slice %arg9[%dma_wait3A_138, %dma_wait3A_139] : memref<120x128xi32, #tpu.memory_space<vmem>> -> memref<1x128xi32, #tpu.memory_space<vmem>>
    %dma_wait3A_141 = tpu.memref_squeeze %dma_wait3A_140 : memref<1x128xi32, #tpu.memory_space<vmem>> -> memref<128xi32, #tpu.memory_space<vmem>>
    %dma_wait3A_142 = arith.constant 0 : i32
    %dma_wait3A_143 = arith.constant 0 : i32
    %dma_wait3A_144 = tpu.memref_slice %arg5[%dma_wait3A_142, %dma_wait3A_143] : memref<1000000x64xf32, #tpu.memory_space<hbm>> -> memref<1000000x64xf32, #tpu.memory_space<hbm>>
    tpu.wait_indirect_dma semaphore(%arg25 : memref<!tpu.dma_semaphore, #tpu.memory_space<semaphore_mem>>) src(%dma_wait3A_144 : memref<1000000x64xf32, #tpu.memory_space<hbm>>) dst(%arg16 : memref<128x64xf32, #tpu.memory_space<vmem>>)
    %dma_start3A_145 = arith.constant 117 : i32
    %dma_start3A_146 = arith.constant 0 : i32
    %dma_start3A_147 = tpu.memref_slice %arg10[%dma_start3A_145, %dma_start3A_146] : memref<120x128xi32, #tpu.memory_space<vmem>> -> memref<1x128xi32, #tpu.memory_space<vmem>>
    %dma_start3A_148 = tpu.memref_squeeze %dma_start3A_147 : memref<1x128xi32, #tpu.memory_space<vmem>> -> memref<128xi32, #tpu.memory_space<vmem>>
    %dma_start3A_149 = arith.constant 0 : i32
    %dma_start3A_150 = arith.constant 0 : i32
    %dma_start3A_151 = tpu.memref_slice %arg19[%dma_start3A_149, %dma_start3A_150] : memref<6144x64xf32, #tpu.memory_space<vmem_shared>> -> memref<6144x64xf32, #tpu.memory_space<vmem_shared>>
    tpu.enqueue_indirect_dma source(%arg16 : memref<128x64xf32, #tpu.memory_space<vmem>>) target(%dma_start3A_151 : memref<6144x64xf32, #tpu.memory_space<vmem_shared>>) offsets(%dma_start3A_148 : memref<128xi32, #tpu.memory_space<vmem>>) semaphore(%arg33 : memref<!tpu.dma_semaphore, #tpu.memory_space<semaphore_mem>>) {add = true}
    %dma_wait3A_152 = arith.constant 118 : i32
    %dma_wait3A_153 = arith.constant 0 : i32
    %dma_wait3A_154 = tpu.memref_slice %arg9[%dma_wait3A_152, %dma_wait3A_153] : memref<120x128xi32, #tpu.memory_space<vmem>> -> memref<1x128xi32, #tpu.memory_space<vmem>>
    %dma_wait3A_155 = tpu.memref_squeeze %dma_wait3A_154 : memref<1x128xi32, #tpu.memory_space<vmem>> -> memref<128xi32, #tpu.memory_space<vmem>>
    %dma_wait3A_156 = arith.constant 0 : i32
    %dma_wait3A_157 = arith.constant 0 : i32
    %dma_wait3A_158 = tpu.memref_slice %arg5[%dma_wait3A_156, %dma_wait3A_157] : memref<1000000x64xf32, #tpu.memory_space<hbm>> -> memref<1000000x64xf32, #tpu.memory_space<hbm>>
    tpu.wait_indirect_dma semaphore(%arg26 : memref<!tpu.dma_semaphore, #tpu.memory_space<semaphore_mem>>) src(%dma_wait3A_158 : memref<1000000x64xf32, #tpu.memory_space<hbm>>) dst(%arg17 : memref<128x64xf32, #tpu.memory_space<vmem>>)
    %dma_start3A_159 = arith.constant 118 : i32
    %dma_start3A_160 = arith.constant 0 : i32
    %dma_start3A_161 = tpu.memref_slice %arg10[%dma_start3A_159, %dma_start3A_160] : memref<120x128xi32, #tpu.memory_space<vmem>> -> memref<1x128xi32, #tpu.memory_space<vmem>>
    %dma_start3A_162 = tpu.memref_squeeze %dma_start3A_161 : memref<1x128xi32, #tpu.memory_space<vmem>> -> memref<128xi32, #tpu.memory_space<vmem>>
    %dma_start3A_163 = arith.constant 0 : i32
    %dma_start3A_164 = arith.constant 0 : i32
    %dma_start3A_165 = tpu.memref_slice %arg19[%dma_start3A_163, %dma_start3A_164] : memref<6144x64xf32, #tpu.memory_space<vmem_shared>> -> memref<6144x64xf32, #tpu.memory_space<vmem_shared>>
    tpu.enqueue_indirect_dma source(%arg17 : memref<128x64xf32, #tpu.memory_space<vmem>>) target(%dma_start3A_165 : memref<6144x64xf32, #tpu.memory_space<vmem_shared>>) offsets(%dma_start3A_162 : memref<128xi32, #tpu.memory_space<vmem>>) semaphore(%arg34 : memref<!tpu.dma_semaphore, #tpu.memory_space<semaphore_mem>>) {add = true}
    %dma_wait3A_166 = arith.constant 119 : i32
    %dma_wait3A_167 = arith.constant 0 : i32
    %dma_wait3A_168 = tpu.memref_slice %arg9[%dma_wait3A_166, %dma_wait3A_167] : memref<120x128xi32, #tpu.memory_space<vmem>> -> memref<1x128xi32, #tpu.memory_space<vmem>>
    %dma_wait3A_169 = tpu.memref_squeeze %dma_wait3A_168 : memref<1x128xi32, #tpu.memory_space<vmem>> -> memref<128xi32, #tpu.memory_space<vmem>>
    %dma_wait3A_170 = arith.constant 0 : i32
    %dma_wait3A_171 = arith.constant 0 : i32
    %dma_wait3A_172 = tpu.memref_slice %arg5[%dma_wait3A_170, %dma_wait3A_171] : memref<1000000x64xf32, #tpu.memory_space<hbm>> -> memref<1000000x64xf32, #tpu.memory_space<hbm>>
    tpu.wait_indirect_dma semaphore(%arg27 : memref<!tpu.dma_semaphore, #tpu.memory_space<semaphore_mem>>) src(%dma_wait3A_172 : memref<1000000x64xf32, #tpu.memory_space<hbm>>) dst(%arg18 : memref<128x64xf32, #tpu.memory_space<vmem>>)
    %dma_start3A_173 = arith.constant 119 : i32
    %dma_start3A_174 = arith.constant 0 : i32
    %dma_start3A_175 = tpu.memref_slice %arg10[%dma_start3A_173, %dma_start3A_174] : memref<120x128xi32, #tpu.memory_space<vmem>> -> memref<1x128xi32, #tpu.memory_space<vmem>>
    %dma_start3A_176 = tpu.memref_squeeze %dma_start3A_175 : memref<1x128xi32, #tpu.memory_space<vmem>> -> memref<128xi32, #tpu.memory_space<vmem>>
    %dma_start3A_177 = arith.constant 0 : i32
    %dma_start3A_178 = arith.constant 0 : i32
    %dma_start3A_179 = tpu.memref_slice %arg19[%dma_start3A_177, %dma_start3A_178] : memref<6144x64xf32, #tpu.memory_space<vmem_shared>> -> memref<6144x64xf32, #tpu.memory_space<vmem_shared>>
    tpu.enqueue_indirect_dma source(%arg18 : memref<128x64xf32, #tpu.memory_space<vmem>>) target(%dma_start3A_179 : memref<6144x64xf32, #tpu.memory_space<vmem_shared>>) offsets(%dma_start3A_176 : memref<128xi32, #tpu.memory_space<vmem>>) semaphore(%arg35 : memref<!tpu.dma_semaphore, #tpu.memory_space<semaphore_mem>>) {add = true}
    %dma_wait3A_180 = arith.constant 112 : i32
    %dma_wait3A_181 = arith.constant 0 : i32
    %dma_wait3A_182 = tpu.memref_slice %arg10[%dma_wait3A_180, %dma_wait3A_181] : memref<120x128xi32, #tpu.memory_space<vmem>> -> memref<1x128xi32, #tpu.memory_space<vmem>>
    %dma_wait3A_183 = tpu.memref_squeeze %dma_wait3A_182 : memref<1x128xi32, #tpu.memory_space<vmem>> -> memref<128xi32, #tpu.memory_space<vmem>>
    %dma_wait3A_184 = arith.constant 0 : i32
    %dma_wait3A_185 = arith.constant 0 : i32
    %dma_wait3A_186 = tpu.memref_slice %arg19[%dma_wait3A_184, %dma_wait3A_185] : memref<6144x64xf32, #tpu.memory_space<vmem_shared>> -> memref<6144x64xf32, #tpu.memory_space<vmem_shared>>
    tpu.wait_indirect_dma semaphore(%arg28 : memref<!tpu.dma_semaphore, #tpu.memory_space<semaphore_mem>>) src(%arg11 : memref<128x64xf32, #tpu.memory_space<vmem>>) dst(%dma_wait3A_186 : memref<6144x64xf32, #tpu.memory_space<vmem_shared>>)
    %dma_wait3A_187 = arith.constant 113 : i32
    %dma_wait3A_188 = arith.constant 0 : i32
    %dma_wait3A_189 = tpu.memref_slice %arg10[%dma_wait3A_187, %dma_wait3A_188] : memref<120x128xi32, #tpu.memory_space<vmem>> -> memref<1x128xi32, #tpu.memory_space<vmem>>
    %dma_wait3A_190 = tpu.memref_squeeze %dma_wait3A_189 : memref<1x128xi32, #tpu.memory_space<vmem>> -> memref<128xi32, #tpu.memory_space<vmem>>
    %dma_wait3A_191 = arith.constant 0 : i32
    %dma_wait3A_192 = arith.constant 0 : i32
    %dma_wait3A_193 = tpu.memref_slice %arg19[%dma_wait3A_191, %dma_wait3A_192] : memref<6144x64xf32, #tpu.memory_space<vmem_shared>> -> memref<6144x64xf32, #tpu.memory_space<vmem_shared>>
    tpu.wait_indirect_dma semaphore(%arg29 : memref<!tpu.dma_semaphore, #tpu.memory_space<semaphore_mem>>) src(%arg12 : memref<128x64xf32, #tpu.memory_space<vmem>>) dst(%dma_wait3A_193 : memref<6144x64xf32, #tpu.memory_space<vmem_shared>>)
    %dma_wait3A_194 = arith.constant 114 : i32
    %dma_wait3A_195 = arith.constant 0 : i32
    %dma_wait3A_196 = tpu.memref_slice %arg10[%dma_wait3A_194, %dma_wait3A_195] : memref<120x128xi32, #tpu.memory_space<vmem>> -> memref<1x128xi32, #tpu.memory_space<vmem>>
    %dma_wait3A_197 = tpu.memref_squeeze %dma_wait3A_196 : memref<1x128xi32, #tpu.memory_space<vmem>> -> memref<128xi32, #tpu.memory_space<vmem>>
    %dma_wait3A_198 = arith.constant 0 : i32
    %dma_wait3A_199 = arith.constant 0 : i32
    %dma_wait3A_200 = tpu.memref_slice %arg19[%dma_wait3A_198, %dma_wait3A_199] : memref<6144x64xf32, #tpu.memory_space<vmem_shared>> -> memref<6144x64xf32, #tpu.memory_space<vmem_shared>>
    tpu.wait_indirect_dma semaphore(%arg30 : memref<!tpu.dma_semaphore, #tpu.memory_space<semaphore_mem>>) src(%arg13 : memref<128x64xf32, #tpu.memory_space<vmem>>) dst(%dma_wait3A_200 : memref<6144x64xf32, #tpu.memory_space<vmem_shared>>)
    %dma_wait3A_201 = arith.constant 115 : i32
    %dma_wait3A_202 = arith.constant 0 : i32
    %dma_wait3A_203 = tpu.memref_slice %arg10[%dma_wait3A_201, %dma_wait3A_202] : memref<120x128xi32, #tpu.memory_space<vmem>> -> memref<1x128xi32, #tpu.memory_space<vmem>>
    %dma_wait3A_204 = tpu.memref_squeeze %dma_wait3A_203 : memref<1x128xi32, #tpu.memory_space<vmem>> -> memref<128xi32, #tpu.memory_space<vmem>>
    %dma_wait3A_205 = arith.constant 0 : i32
    %dma_wait3A_206 = arith.constant 0 : i32
    %dma_wait3A_207 = tpu.memref_slice %arg19[%dma_wait3A_205, %dma_wait3A_206] : memref<6144x64xf32, #tpu.memory_space<vmem_shared>> -> memref<6144x64xf32, #tpu.memory_space<vmem_shared>>
    tpu.wait_indirect_dma semaphore(%arg31 : memref<!tpu.dma_semaphore, #tpu.memory_space<semaphore_mem>>) src(%arg14 : memref<128x64xf32, #tpu.memory_space<vmem>>) dst(%dma_wait3A_207 : memref<6144x64xf32, #tpu.memory_space<vmem_shared>>)
    %dma_wait3A_208 = arith.constant 116 : i32
    %dma_wait3A_209 = arith.constant 0 : i32
    %dma_wait3A_210 = tpu.memref_slice %arg10[%dma_wait3A_208, %dma_wait3A_209] : memref<120x128xi32, #tpu.memory_space<vmem>> -> memref<1x128xi32, #tpu.memory_space<vmem>>
    %dma_wait3A_211 = tpu.memref_squeeze %dma_wait3A_210 : memref<1x128xi32, #tpu.memory_space<vmem>> -> memref<128xi32, #tpu.memory_space<vmem>>
    %dma_wait3A_212 = arith.constant 0 : i32
    %dma_wait3A_213 = arith.constant 0 : i32
    %dma_wait3A_214 = tpu.memref_slice %arg19[%dma_wait3A_212, %dma_wait3A_213] : memref<6144x64xf32, #tpu.memory_space<vmem_shared>> -> memref<6144x64xf32, #tpu.memory_space<vmem_shared>>
    tpu.wait_indirect_dma semaphore(%arg32 : memref<!tpu.dma_semaphore, #tpu.memory_space<semaphore_mem>>) src(%arg15 : memref<128x64xf32, #tpu.memory_space<vmem>>) dst(%dma_wait3A_214 : memref<6144x64xf32, #tpu.memory_space<vmem_shared>>)
    %dma_wait3A_215 = arith.constant 117 : i32
    %dma_wait3A_216 = arith.constant 0 : i32
    %dma_wait3A_217 = tpu.memref_slice %arg10[%dma_wait3A_215, %dma_wait3A_216] : memref<120x128xi32, #tpu.memory_space<vmem>> -> memref<1x128xi32, #tpu.memory_space<vmem>>
    %dma_wait3A_218 = tpu.memref_squeeze %dma_wait3A_217 : memref<1x128xi32, #tpu.memory_space<vmem>> -> memref<128xi32, #tpu.memory_space<vmem>>
    %dma_wait3A_219 = arith.constant 0 : i32
    %dma_wait3A_220 = arith.constant 0 : i32
    %dma_wait3A_221 = tpu.memref_slice %arg19[%dma_wait3A_219, %dma_wait3A_220] : memref<6144x64xf32, #tpu.memory_space<vmem_shared>> -> memref<6144x64xf32, #tpu.memory_space<vmem_shared>>
    tpu.wait_indirect_dma semaphore(%arg33 : memref<!tpu.dma_semaphore, #tpu.memory_space<semaphore_mem>>) src(%arg16 : memref<128x64xf32, #tpu.memory_space<vmem>>) dst(%dma_wait3A_221 : memref<6144x64xf32, #tpu.memory_space<vmem_shared>>)
    %dma_wait3A_222 = arith.constant 118 : i32
    %dma_wait3A_223 = arith.constant 0 : i32
    %dma_wait3A_224 = tpu.memref_slice %arg10[%dma_wait3A_222, %dma_wait3A_223] : memref<120x128xi32, #tpu.memory_space<vmem>> -> memref<1x128xi32, #tpu.memory_space<vmem>>
    %dma_wait3A_225 = tpu.memref_squeeze %dma_wait3A_224 : memref<1x128xi32, #tpu.memory_space<vmem>> -> memref<128xi32, #tpu.memory_space<vmem>>
    %dma_wait3A_226 = arith.constant 0 : i32
    %dma_wait3A_227 = arith.constant 0 : i32
    %dma_wait3A_228 = tpu.memref_slice %arg19[%dma_wait3A_226, %dma_wait3A_227] : memref<6144x64xf32, #tpu.memory_space<vmem_shared>> -> memref<6144x64xf32, #tpu.memory_space<vmem_shared>>
    tpu.wait_indirect_dma semaphore(%arg34 : memref<!tpu.dma_semaphore, #tpu.memory_space<semaphore_mem>>) src(%arg17 : memref<128x64xf32, #tpu.memory_space<vmem>>) dst(%dma_wait3A_228 : memref<6144x64xf32, #tpu.memory_space<vmem_shared>>)
    %dma_wait3A_229 = arith.constant 119 : i32
    %dma_wait3A_230 = arith.constant 0 : i32
    %dma_wait3A_231 = tpu.memref_slice %arg10[%dma_wait3A_229, %dma_wait3A_230] : memref<120x128xi32, #tpu.memory_space<vmem>> -> memref<1x128xi32, #tpu.memory_space<vmem>>
    %dma_wait3A_232 = tpu.memref_squeeze %dma_wait3A_231 : memref<1x128xi32, #tpu.memory_space<vmem>> -> memref<128xi32, #tpu.memory_space<vmem>>
    %dma_wait3A_233 = arith.constant 0 : i32
    %dma_wait3A_234 = arith.constant 0 : i32
    %dma_wait3A_235 = tpu.memref_slice %arg19[%dma_wait3A_233, %dma_wait3A_234] : memref<6144x64xf32, #tpu.memory_space<vmem_shared>> -> memref<6144x64xf32, #tpu.memory_space<vmem_shared>>
    tpu.wait_indirect_dma semaphore(%arg35 : memref<!tpu.dma_semaphore, #tpu.memory_space<semaphore_mem>>) src(%arg18 : memref<128x64xf32, #tpu.memory_space<vmem>>) dst(%dma_wait3A_235 : memref<6144x64xf32, #tpu.memory_space<vmem_shared>>)
    %mul3A_236 = arith.constant 128 : i32
    %mul3A_237 = arith.muli %add3A, %mul3A_236 : i32
    %mul3A_238 = arith.constant 3 : i32
    %mul3A_239 = arith.muli %arg1, %mul3A_238 : i32
    %mul3A_240 = arith.constant 128 : i32
    %mul3A_241 = arith.muli %mul3A_239, %mul3A_240 : i32
    "tpu.region"() ({
      %run_scoped3A = tpu.sem_alloc : memref<!tpu.dma_semaphore, #tpu.memory_space<semaphore_mem>>
      %dma_start3A_246 = arith.constant 0 : i32
      %dma_start3A_247 = tpu.memref_slice %arg6[%mul3A_237, %dma_start3A_246] : memref<4096x64xf32, #tpu.memory_space<hbm>> -> memref<128x64xf32, #tpu.memory_space<hbm>>
      %dma_start3A_248 = arith.constant 0 : i32
      %dma_start3A_249 = tpu.memref_slice %arg19[%mul3A_241, %dma_start3A_248] : memref<6144x64xf32, #tpu.memory_space<vmem_shared>> -> memref<128x64xf32, #tpu.memory_space<vmem_shared>>
      tpu.enqueue_dma source(%dma_start3A_249 : memref<128x64xf32, #tpu.memory_space<vmem_shared>>) target(%dma_start3A_247 : memref<128x64xf32, #tpu.memory_space<hbm>>) target_semaphore(%run_scoped3A : memref<!tpu.dma_semaphore, #tpu.memory_space<semaphore_mem>>)
      %dma_wait3A_250 = arith.constant 0 : i32
      %dma_wait3A_251 = tpu.memref_slice %arg6[%mul3A_237, %dma_wait3A_250] : memref<4096x64xf32, #tpu.memory_space<hbm>> -> memref<128x64xf32, #tpu.memory_space<hbm>>
      %dma_wait3A_252 = arith.constant 0 : i32
      %dma_wait3A_253 = tpu.memref_slice %arg19[%mul3A_241, %dma_wait3A_252] : memref<6144x64xf32, #tpu.memory_space<vmem_shared>> -> memref<128x64xf32, #tpu.memory_space<vmem_shared>>
      tpu.wait_dma2 semaphore(%run_scoped3A : memref<!tpu.dma_semaphore, #tpu.memory_space<semaphore_mem>>) src(%dma_wait3A_253 : memref<128x64xf32, #tpu.memory_space<vmem_shared>>) dst(%dma_wait3A_251 : memref<128x64xf32, #tpu.memory_space<hbm>>)
      tpu.yield
    }) : () -> ()
    %add3A_242 = arith.constant 128 : i32
    %add3A_243 = arith.addi %mul3A_241, %add3A_242 : i32
    "tpu.region"() ({
      %run_scoped3A = tpu.sem_alloc : memref<!tpu.dma_semaphore, #tpu.memory_space<semaphore_mem>>
      %dma_start3A_246 = arith.constant 0 : i32
      %dma_start3A_247 = tpu.memref_slice %arg7[%mul3A_237, %dma_start3A_246] : memref<4096x64xf32, #tpu.memory_space<hbm>> -> memref<128x64xf32, #tpu.memory_space<hbm>>
      %dma_start3A_248 = arith.constant 0 : i32
      %dma_start3A_249 = tpu.memref_slice %arg19[%add3A_243, %dma_start3A_248] : memref<6144x64xf32, #tpu.memory_space<vmem_shared>> -> memref<128x64xf32, #tpu.memory_space<vmem_shared>>
      tpu.enqueue_dma source(%dma_start3A_249 : memref<128x64xf32, #tpu.memory_space<vmem_shared>>) target(%dma_start3A_247 : memref<128x64xf32, #tpu.memory_space<hbm>>) target_semaphore(%run_scoped3A : memref<!tpu.dma_semaphore, #tpu.memory_space<semaphore_mem>>)
      %dma_wait3A_250 = arith.constant 0 : i32
      %dma_wait3A_251 = tpu.memref_slice %arg7[%mul3A_237, %dma_wait3A_250] : memref<4096x64xf32, #tpu.memory_space<hbm>> -> memref<128x64xf32, #tpu.memory_space<hbm>>
      %dma_wait3A_252 = arith.constant 0 : i32
      %dma_wait3A_253 = tpu.memref_slice %arg19[%add3A_243, %dma_wait3A_252] : memref<6144x64xf32, #tpu.memory_space<vmem_shared>> -> memref<128x64xf32, #tpu.memory_space<vmem_shared>>
      tpu.wait_dma2 semaphore(%run_scoped3A : memref<!tpu.dma_semaphore, #tpu.memory_space<semaphore_mem>>) src(%dma_wait3A_253 : memref<128x64xf32, #tpu.memory_space<vmem_shared>>) dst(%dma_wait3A_251 : memref<128x64xf32, #tpu.memory_space<hbm>>)
      tpu.yield
    }) : () -> ()
    %add3A_244 = arith.constant 256 : i32
    %add3A_245 = arith.addi %mul3A_241, %add3A_244 : i32
    "tpu.region"() ({
      %run_scoped3A = tpu.sem_alloc : memref<!tpu.dma_semaphore, #tpu.memory_space<semaphore_mem>>
      %dma_start3A_246 = arith.constant 0 : i32
      %dma_start3A_247 = tpu.memref_slice %arg8[%mul3A_237, %dma_start3A_246] : memref<4096x64xf32, #tpu.memory_space<hbm>> -> memref<128x64xf32, #tpu.memory_space<hbm>>
      %dma_start3A_248 = arith.constant 0 : i32
      %dma_start3A_249 = tpu.memref_slice %arg19[%add3A_245, %dma_start3A_248] : memref<6144x64xf32, #tpu.memory_space<vmem_shared>> -> memref<128x64xf32, #tpu.memory_space<vmem_shared>>
      tpu.enqueue_dma source(%dma_start3A_249 : memref<128x64xf32, #tpu.memory_space<vmem_shared>>) target(%dma_start3A_247 : memref<128x64xf32, #tpu.memory_space<hbm>>) target_semaphore(%run_scoped3A : memref<!tpu.dma_semaphore, #tpu.memory_space<semaphore_mem>>)
      %dma_wait3A_250 = arith.constant 0 : i32
      %dma_wait3A_251 = tpu.memref_slice %arg8[%mul3A_237, %dma_wait3A_250] : memref<4096x64xf32, #tpu.memory_space<hbm>> -> memref<128x64xf32, #tpu.memory_space<hbm>>
      %dma_wait3A_252 = arith.constant 0 : i32
      %dma_wait3A_253 = tpu.memref_slice %arg19[%add3A_245, %dma_wait3A_252] : memref<6144x64xf32, #tpu.memory_space<vmem_shared>> -> memref<128x64xf32, #tpu.memory_space<vmem_shared>>
      tpu.wait_dma2 semaphore(%run_scoped3A : memref<!tpu.dma_semaphore, #tpu.memory_space<semaphore_mem>>) src(%dma_wait3A_253 : memref<128x64xf32, #tpu.memory_space<vmem_shared>>) dst(%dma_wait3A_251 : memref<128x64xf32, #tpu.memory_space<hbm>>)
      tpu.yield
    }) : () -> ()
    return
  }
}

module attributes {stable_mosaic.version = 14 : i64} {
  func.func @body(%arg0: i32, %arg1: memref<500000x128xf32, #tpu.memory_space<any>>, %arg2: memref<64x512xf32, #tpu.memory_space<vmem>>, %arg3: memref<256x128xf32, #tpu.memory_space<vmem>>) attributes {dimension_semantics = [#tpu.dimension_semantics<arbitrary>], iteration_bounds = array<i64: 1>, scalar_prefetch = 0 : i64, scratch_operands = 0 : i64, tpu.core_type = #tpu.core_type<tc>, window_params = [{}, {transform_indices = @transform_1, window_bounds = array<i64: 64, 512>}, {transform_indices = @transform_2, window_bounds = array<i64: 256, 128>}]} {
    %iota3A = tpu.iota {dimensions = array<i32: 0>} : vector<128x128xi32>
    %iota3A_0 = tpu.iota {dimensions = array<i32: 1>} : vector<128x128xi32>
    %eq3A = arith.cmpi eq, %iota3A, %iota3A_0 : vector<128x128xi32>
    %convert_element_type3A = arith.extui %eq3A : vector<128x128xi1> to vector<128x128xi32>
    %convert_element_type3A_1 = arith.sitofp %convert_element_type3A : vector<128x128xi32> to vector<128x128xf32>
    %get3A = arith.constant 0 : index
    %get3A_2 = arith.constant 0 : index
    %get3A_3 = vector.load %arg2[%get3A, %get3A_2] : memref<64x512xf32, #tpu.memory_space<vmem>>, vector<64x128xf32>
    %get3A_4 = arith.constant 0 : index
    %get3A_5 = arith.constant 128 : index
    %get3A_6 = vector.load %arg2[%get3A_4, %get3A_5] : memref<64x512xf32, #tpu.memory_space<vmem>>, vector<64x128xf32>
    %concatenate3A = tpu.concatenate %get3A_3, %get3A_6 in 0 : vector<64x128xf32>, vector<64x128xf32> -> vector<128x128xf32>
    %bitcast_convert_type3A = tpu.bitcast %concatenate3A : vector<128x128xf32> -> vector<128x128xi32>
    %and3A = arith.constant -65536 : i32
    %and3A_7 = vector.broadcast %and3A : i32 to vector<128x128xi32>
    %and3A_8 = arith.andi %bitcast_convert_type3A, %and3A_7 : vector<128x128xi32>
    %bitcast_convert_type3A_9 = tpu.bitcast %and3A_8 : vector<128x128xi32> -> vector<128x128xf32>
    %sub3A = arith.subf %concatenate3A, %bitcast_convert_type3A_9 : vector<128x128xf32>
    %dot_general3A = arith.constant dense<0.000000e+00> : vector<128x128xf32>
    %dot_general3A_10 = tpu.matmul %bitcast_convert_type3A_9, %convert_element_type3A_1, %dot_general3A {dimension_numbers = #tpu.dot_dimension_numbers<[0], [0], [1], [1], [0, 1, 1, 1], [], []>, transpose_lhs_hint = false} : vector<128x128xf32>, vector<128x128xf32>, vector<128x128xf32> -> vector<128x128xf32>
    %dot_general3A_11 = arith.constant dense<0.000000e+00> : vector<128x128xf32>
    %dot_general3A_12 = tpu.matmul %sub3A, %convert_element_type3A_1, %dot_general3A_11 {dimension_numbers = #tpu.dot_dimension_numbers<[0], [0], [1], [1], [0, 1, 1, 1], [], []>, transpose_lhs_hint = false} : vector<128x128xf32>, vector<128x128xf32>, vector<128x128xf32> -> vector<128x128xf32>
    %add3A = arith.addf %dot_general3A_10, %dot_general3A_12 : vector<128x128xf32>
    %swap3A = arith.constant 0 : index
    %swap3A_13 = arith.constant 0 : index
    %swap3A_14 = vector.load %arg3[%swap3A, %swap3A_13] : memref<256x128xf32, #tpu.memory_space<vmem>>, vector<128x128xf32>
    tpu.vector_store %arg3[%swap3A, %swap3A_13], %add3A {strides = array<i32>} : memref<256x128xf32, #tpu.memory_space<vmem>>, vector<128x128xf32>,
    %get3A_15 = arith.constant 0 : index
    %get3A_16 = arith.constant 256 : index
    %get3A_17 = vector.load %arg2[%get3A_15, %get3A_16] : memref<64x512xf32, #tpu.memory_space<vmem>>, vector<64x128xf32>
    %get3A_18 = arith.constant 0 : index
    %get3A_19 = arith.constant 384 : index
    %get3A_20 = vector.load %arg2[%get3A_18, %get3A_19] : memref<64x512xf32, #tpu.memory_space<vmem>>, vector<64x128xf32>
    %concatenate3A_21 = tpu.concatenate %get3A_17, %get3A_20 in 0 : vector<64x128xf32>, vector<64x128xf32> -> vector<128x128xf32>
    %bitcast_convert_type3A_22 = tpu.bitcast %concatenate3A_21 : vector<128x128xf32> -> vector<128x128xi32>
    %and3A_23 = arith.constant -65536 : i32
    %and3A_24 = vector.broadcast %and3A_23 : i32 to vector<128x128xi32>
    %and3A_25 = arith.andi %bitcast_convert_type3A_22, %and3A_24 : vector<128x128xi32>
    %bitcast_convert_type3A_26 = tpu.bitcast %and3A_25 : vector<128x128xi32> -> vector<128x128xf32>
    %sub3A_27 = arith.subf %concatenate3A_21, %bitcast_convert_type3A_26 : vector<128x128xf32>
    %dot_general3A_28 = arith.constant dense<0.000000e+00> : vector<128x128xf32>
    %dot_general3A_29 = tpu.matmul %bitcast_convert_type3A_26, %convert_element_type3A_1, %dot_general3A_28 {dimension_numbers = #tpu.dot_dimension_numbers<[0], [0], [1], [1], [0, 1, 1, 1], [], []>, transpose_lhs_hint = false} : vector<128x128xf32>, vector<128x128xf32>, vector<128x128xf32> -> vector<128x128xf32>
    %dot_general3A_30 = arith.constant dense<0.000000e+00> : vector<128x128xf32>
    %dot_general3A_31 = tpu.matmul %sub3A_27, %convert_element_type3A_1, %dot_general3A_30 {dimension_numbers = #tpu.dot_dimension_numbers<[0], [0], [1], [1], [0, 1, 1, 1], [], []>, transpose_lhs_hint = false} : vector<128x128xf32>, vector<128x128xf32>, vector<128x128xf32> -> vector<128x128xf32>
    %add3A_32 = arith.addf %dot_general3A_29, %dot_general3A_31 : vector<128x128xf32>
    %swap3A_33 = arith.constant 128 : index
    %swap3A_34 = arith.constant 0 : index
    %swap3A_35 = vector.load %arg3[%swap3A_33, %swap3A_34] : memref<256x128xf32, #tpu.memory_space<vmem>>, vector<128x128xf32>
    tpu.vector_store %arg3[%swap3A_33, %swap3A_34], %add3A_32 {strides = array<i32>} : memref<256x128xf32, #tpu.memory_space<vmem>>, vector<128x128xf32>,
    return
  }
  func.func @transform_1(%arg0: i32) -> (i32, i32) {
    %c0_i32 = arith.constant 0 : i32
    %c1952_i32 = arith.constant 1952 : i32
    %c0_i32_0 = arith.constant 0 : i32
    return %c0_i32, %c1952_i32 : i32, i32
  }
  func.func @transform_2(%arg0: i32) -> (i32, i32) {
    %c1952_i32 = arith.constant 1952 : i32
    %c0_i32 = arith.constant 0 : i32
    %c0_i32_0 = arith.constant 0 : i32
    return %c1952_i32, %c0_i32 : i32, i32
  }
}

module attributes {stable_mosaic.version = 14 : i64} {
  func.func @body(%arg0: i32, %arg1: memref<64x16384xf32, #tpu.memory_space<vmem>>, %arg2: memref<8192x128xf32, #tpu.memory_space<vmem>>) attributes {dimension_semantics = [#tpu.dimension_semantics<arbitrary>], iteration_bounds = array<i64: 61>, scalar_prefetch = 0 : i64, scratch_operands = 0 : i64, tpu.core_type = #tpu.core_type<tc>, window_params = [{transform_indices = @transform_0, window_bounds = array<i64: 64, 16384>}, {transform_indices = @transform_1, window_bounds = array<i64: 8192, 128>}]} {
    %iota3A = tpu.iota {dimensions = array<i32: 0>} : vector<128x128xi32>
    %iota3A_0 = tpu.iota {dimensions = array<i32: 1>} : vector<128x128xi32>
    %eq3A = arith.cmpi eq, %iota3A, %iota3A_0 : vector<128x128xi32>
    %convert_element_type3A = arith.extui %eq3A : vector<128x128xi1> to vector<128x128xi32>
    %convert_element_type3A_1 = arith.sitofp %convert_element_type3A : vector<128x128xi32> to vector<128x128xf32>
    %get3A = arith.constant 0 : index
    %get3A_2 = arith.constant 0 : index
    %get3A_3 = vector.load %arg1[%get3A, %get3A_2] : memref<64x16384xf32, #tpu.memory_space<vmem>>, vector<64x128xf32>
    %get3A_4 = arith.constant 0 : index
    %get3A_5 = arith.constant 128 : index
    %get3A_6 = vector.load %arg1[%get3A_4, %get3A_5] : memref<64x16384xf32, #tpu.memory_space<vmem>>, vector<64x128xf32>
    %concatenate3A = tpu.concatenate %get3A_3, %get3A_6 in 0 : vector<64x128xf32>, vector<64x128xf32> -> vector<128x128xf32>
    %bitcast_convert_type3A = tpu.bitcast %concatenate3A : vector<128x128xf32> -> vector<128x128xi32>
    %and3A = arith.constant -65536 : i32
    %and3A_7 = vector.broadcast %and3A : i32 to vector<128x128xi32>
    %and3A_8 = arith.andi %bitcast_convert_type3A, %and3A_7 : vector<128x128xi32>
    %bitcast_convert_type3A_9 = tpu.bitcast %and3A_8 : vector<128x128xi32> -> vector<128x128xf32>
    %sub3A = arith.subf %concatenate3A, %bitcast_convert_type3A_9 : vector<128x128xf32>
    %dot_general3A = arith.constant dense<0.000000e+00> : vector<128x128xf32>
    %dot_general3A_10 = tpu.matmul %bitcast_convert_type3A_9, %convert_element_type3A_1, %dot_general3A {dimension_numbers = #tpu.dot_dimension_numbers<[0], [0], [1], [1], [0, 1, 1, 1], [], []>, transpose_lhs_hint = false} : vector<128x128xf32>, vector<128x128xf32>, vector<128x128xf32> -> vector<128x128xf32>
    %dot_general3A_11 = arith.constant dense<0.000000e+00> : vector<128x128xf32>
    %dot_general3A_12 = tpu.matmul %sub3A, %convert_element_type3A_1, %dot_general3A_11 {dimension_numbers = #tpu.dot_dimension_numbers<[0], [0], [1], [1], [0, 1, 1, 1], [], []>, transpose_lhs_hint = false} : vector<128x128xf32>, vector<128x128xf32>, vector<128x128xf32> -> vector<128x128xf32>
    %add3A = arith.addf %dot_general3A_10, %dot_general3A_12 : vector<128x128xf32>
    %swap3A = arith.constant 0 : index
    %swap3A_13 = arith.constant 0 : index
    %swap3A_14 = vector.load %arg2[%swap3A, %swap3A_13] : memref<8192x128xf32, #tpu.memory_space<vmem>>, vector<128x128xf32>
    tpu.vector_store %arg2[%swap3A, %swap3A_13], %add3A {strides = array<i32>} : memref<8192x128xf32, #tpu.memory_space<vmem>>, vector<128x128xf32>,
    %get3A_15 = arith.constant 0 : index
    %get3A_16 = arith.constant 256 : index
    %get3A_17 = vector.load %arg1[%get3A_15, %get3A_16] : memref<64x16384xf32, #tpu.memory_space<vmem>>, vector<64x128xf32>
    %get3A_18 = arith.constant 0 : index
    %get3A_19 = arith.constant 384 : index
    %get3A_20 = vector.load %arg1[%get3A_18, %get3A_19] : memref<64x16384xf32, #tpu.memory_space<vmem>>, vector<64x128xf32>
    %concatenate3A_21 = tpu.concatenate %get3A_17, %get3A_20 in 0 : vector<64x128xf32>, vector<64x128xf32> -> vector<128x128xf32>
    %bitcast_convert_type3A_22 = tpu.bitcast %concatenate3A_21 : vector<128x128xf32> -> vector<128x128xi32>
    %and3A_23 = arith.constant -65536 : i32
    %and3A_24 = vector.broadcast %and3A_23 : i32 to vector<128x128xi32>
    %and3A_25 = arith.andi %bitcast_convert_type3A_22, %and3A_24 : vector<128x128xi32>
    %bitcast_convert_type3A_26 = tpu.bitcast %and3A_25 : vector<128x128xi32> -> vector<128x128xf32>
    %sub3A_27 = arith.subf %concatenate3A_21, %bitcast_convert_type3A_26 : vector<128x128xf32>
    %dot_general3A_28 = arith.constant dense<0.000000e+00> : vector<128x128xf32>
    %dot_general3A_29 = tpu.matmul %bitcast_convert_type3A_26, %convert_element_type3A_1, %dot_general3A_28 {dimension_numbers = #tpu.dot_dimension_numbers<[0], [0], [1], [1], [0, 1, 1, 1], [], []>, transpose_lhs_hint = false} : vector<128x128xf32>, vector<128x128xf32>, vector<128x128xf32> -> vector<128x128xf32>
    %dot_general3A_30 = arith.constant dense<0.000000e+00> : vector<128x128xf32>
    %dot_general3A_31 = tpu.matmul %sub3A_27, %convert_element_type3A_1, %dot_general3A_30 {dimension_numbers = #tpu.dot_dimension_numbers<[0], [0], [1], [1], [0, 1, 1, 1], [], []>, transpose_lhs_hint = false} : vector<128x128xf32>, vector<128x128xf32>, vector<128x128xf32> -> vector<128x128xf32>
    %add3A_32 = arith.addf %dot_general3A_29, %dot_general3A_31 : vector<128x128xf32>
    %swap3A_33 = arith.constant 128 : index
    %swap3A_34 = arith.constant 0 : index
    %swap3A_35 = vector.load %arg2[%swap3A_33, %swap3A_34] : memref<8192x128xf32, #tpu.memory_space<vmem>>, vector<128x128xf32>
    tpu.vector_store %arg2[%swap3A_33, %swap3A_34], %add3A_32 {strides = array<i32>} : memref<8192x128xf32, #tpu.memory_space<vmem>>, vector<128x128xf32>,
    %get3A_36 = arith.constant 0 : index
    %get3A_37 = arith.constant 512 : index
    %get3A_38 = vector.load %arg1[%get3A_36, %get3A_37] : memref<64x16384xf32, #tpu.memory_space<vmem>>, vector<64x128xf32>
    %get3A_39 = arith.constant 0 : index
    %get3A_40 = arith.constant 640 : index
    %get3A_41 = vector.load %arg1[%get3A_39, %get3A_40] : memref<64x16384xf32, #tpu.memory_space<vmem>>, vector<64x128xf32>
    %concatenate3A_42 = tpu.concatenate %get3A_38, %get3A_41 in 0 : vector<64x128xf32>, vector<64x128xf32> -> vector<128x128xf32>
    %bitcast_convert_type3A_43 = tpu.bitcast %concatenate3A_42 : vector<128x128xf32> -> vector<128x128xi32>
    %and3A_44 = arith.constant -65536 : i32
    %and3A_45 = vector.broadcast %and3A_44 : i32 to vector<128x128xi32>
    %and3A_46 = arith.andi %bitcast_convert_type3A_43, %and3A_45 : vector<128x128xi32>
    %bitcast_convert_type3A_47 = tpu.bitcast %and3A_46 : vector<128x128xi32> -> vector<128x128xf32>
    %sub3A_48 = arith.subf %concatenate3A_42, %bitcast_convert_type3A_47 : vector<128x128xf32>
    %dot_general3A_49 = arith.constant dense<0.000000e+00> : vector<128x128xf32>
    %dot_general3A_50 = tpu.matmul %bitcast_convert_type3A_47, %convert_element_type3A_1, %dot_general3A_49 {dimension_numbers = #tpu.dot_dimension_numbers<[0], [0], [1], [1], [0, 1, 1, 1], [], []>, transpose_lhs_hint = false} : vector<128x128xf32>, vector<128x128xf32>, vector<128x128xf32> -> vector<128x128xf32>
    %dot_general3A_51 = arith.constant dense<0.000000e+00> : vector<128x128xf32>
    %dot_general3A_52 = tpu.matmul %sub3A_48, %convert_element_type3A_1, %dot_general3A_51 {dimension_numbers = #tpu.dot_dimension_numbers<[0], [0], [1], [1], [0, 1, 1, 1], [], []>, transpose_lhs_hint = false} : vector<128x128xf32>, vector<128x128xf32>, vector<128x128xf32> -> vector<128x128xf32>
    %add3A_53 = arith.addf %dot_general3A_50, %dot_general3A_52 : vector<128x128xf32>
    %swap3A_54 = arith.constant 256 : index
    %swap3A_55 = arith.constant 0 : index
    %swap3A_56 = vector.load %arg2[%swap3A_54, %swap3A_55] : memref<8192x128xf32, #tpu.memory_space<vmem>>, vector<128x128xf32>
    tpu.vector_store %arg2[%swap3A_54, %swap3A_55], %add3A_53 {strides = array<i32>} : memref<8192x128xf32, #tpu.memory_space<vmem>>, vector<128x128xf32>,
    %get3A_57 = arith.constant 0 : index
    %get3A_58 = arith.constant 768 : index
    %get3A_59 = vector.load %arg1[%get3A_57, %get3A_58] : memref<64x16384xf32, #tpu.memory_space<vmem>>, vector<64x128xf32>
    %get3A_60 = arith.constant 0 : index
    %get3A_61 = arith.constant 896 : index
    %get3A_62 = vector.load %arg1[%get3A_60, %get3A_61] : memref<64x16384xf32, #tpu.memory_space<vmem>>, vector<64x128xf32>
    %concatenate3A_63 = tpu.concatenate %get3A_59, %get3A_62 in 0 : vector<64x128xf32>, vector<64x128xf32> -> vector<128x128xf32>
    %bitcast_convert_type3A_64 = tpu.bitcast %concatenate3A_63 : vector<128x128xf32> -> vector<128x128xi32>
    %and3A_65 = arith.constant -65536 : i32
    %and3A_66 = vector.broadcast %and3A_65 : i32 to vector<128x128xi32>
    %and3A_67 = arith.andi %bitcast_convert_type3A_64, %and3A_66 : vector<128x128xi32>
    %bitcast_convert_type3A_68 = tpu.bitcast %and3A_67 : vector<128x128xi32> -> vector<128x128xf32>
    %sub3A_69 = arith.subf %concatenate3A_63, %bitcast_convert_type3A_68 : vector<128x128xf32>
    %dot_general3A_70 = arith.constant dense<0.000000e+00> : vector<128x128xf32>
    %dot_general3A_71 = tpu.matmul %bitcast_convert_type3A_68, %convert_element_type3A_1, %dot_general3A_70 {dimension_numbers = #tpu.dot_dimension_numbers<[0], [0], [1], [1], [0, 1, 1, 1], [], []>, transpose_lhs_hint = false} : vector<128x128xf32>, vector<128x128xf32>, vector<128x128xf32> -> vector<128x128xf32>
    %dot_general3A_72 = arith.constant dense<0.000000e+00> : vector<128x128xf32>
    %dot_general3A_73 = tpu.matmul %sub3A_69, %convert_element_type3A_1, %dot_general3A_72 {dimension_numbers = #tpu.dot_dimension_numbers<[0], [0], [1], [1], [0, 1, 1, 1], [], []>, transpose_lhs_hint = false} : vector<128x128xf32>, vector<128x128xf32>, vector<128x128xf32> -> vector<128x128xf32>
    %add3A_74 = arith.addf %dot_general3A_71, %dot_general3A_73 : vector<128x128xf32>
    %swap3A_75 = arith.constant 384 : index
    %swap3A_76 = arith.constant 0 : index
    %swap3A_77 = vector.load %arg2[%swap3A_75, %swap3A_76] : memref<8192x128xf32, #tpu.memory_space<vmem>>, vector<128x128xf32>
    tpu.vector_store %arg2[%swap3A_75, %swap3A_76], %add3A_74 {strides = array<i32>} : memref<8192x128xf32, #tpu.memory_space<vmem>>, vector<128x128xf32>,
    %get3A_78 = arith.constant 0 : index
    %get3A_79 = arith.constant 1024 : index
    %get3A_80 = vector.load %arg1[%get3A_78, %get3A_79] : memref<64x16384xf32, #tpu.memory_space<vmem>>, vector<64x128xf32>
    %get3A_81 = arith.constant 0 : index
    %get3A_82 = arith.constant 1152 : index
    %get3A_83 = vector.load %arg1[%get3A_81, %get3A_82] : memref<64x16384xf32, #tpu.memory_space<vmem>>, vector<64x128xf32>
    %concatenate3A_84 = tpu.concatenate %get3A_80, %get3A_83 in 0 : vector<64x128xf32>, vector<64x128xf32> -> vector<128x128xf32>
    %bitcast_convert_type3A_85 = tpu.bitcast %concatenate3A_84 : vector<128x128xf32> -> vector<128x128xi32>
    %and3A_86 = arith.constant -65536 : i32
    %and3A_87 = vector.broadcast %and3A_86 : i32 to vector<128x128xi32>
    %and3A_88 = arith.andi %bitcast_convert_type3A_85, %and3A_87 : vector<128x128xi32>
    %bitcast_convert_type3A_89 = tpu.bitcast %and3A_88 : vector<128x128xi32> -> vector<128x128xf32>
    %sub3A_90 = arith.subf %concatenate3A_84, %bitcast_convert_type3A_89 : vector<128x128xf32>
    %dot_general3A_91 = arith.constant dense<0.000000e+00> : vector<128x128xf32>
    %dot_general3A_92 = tpu.matmul %bitcast_convert_type3A_89, %convert_element_type3A_1, %dot_general3A_91 {dimension_numbers = #tpu.dot_dimension_numbers<[0], [0], [1], [1], [0, 1, 1, 1], [], []>, transpose_lhs_hint = false} : vector<128x128xf32>, vector<128x128xf32>, vector<128x128xf32> -> vector<128x128xf32>
    %dot_general3A_93 = arith.constant dense<0.000000e+00> : vector<128x128xf32>
    %dot_general3A_94 = tpu.matmul %sub3A_90, %convert_element_type3A_1, %dot_general3A_93 {dimension_numbers = #tpu.dot_dimension_numbers<[0], [0], [1], [1], [0, 1, 1, 1], [], []>, transpose_lhs_hint = false} : vector<128x128xf32>, vector<128x128xf32>, vector<128x128xf32> -> vector<128x128xf32>
    %add3A_95 = arith.addf %dot_general3A_92, %dot_general3A_94 : vector<128x128xf32>
    %swap3A_96 = arith.constant 512 : index
    %swap3A_97 = arith.constant 0 : index
    %swap3A_98 = vector.load %arg2[%swap3A_96, %swap3A_97] : memref<8192x128xf32, #tpu.memory_space<vmem>>, vector<128x128xf32>
    tpu.vector_store %arg2[%swap3A_96, %swap3A_97], %add3A_95 {strides = array<i32>} : memref<8192x128xf32, #tpu.memory_space<vmem>>, vector<128x128xf32>,
    %get3A_99 = arith.constant 0 : index
    %get3A_100 = arith.constant 1280 : index
    %get3A_101 = vector.load %arg1[%get3A_99, %get3A_100] : memref<64x16384xf32, #tpu.memory_space<vmem>>, vector<64x128xf32>
    %get3A_102 = arith.constant 0 : index
    %get3A_103 = arith.constant 1408 : index
    %get3A_104 = vector.load %arg1[%get3A_102, %get3A_103] : memref<64x16384xf32, #tpu.memory_space<vmem>>, vector<64x128xf32>
    %concatenate3A_105 = tpu.concatenate %get3A_101, %get3A_104 in 0 : vector<64x128xf32>, vector<64x128xf32> -> vector<128x128xf32>
    %bitcast_convert_type3A_106 = tpu.bitcast %concatenate3A_105 : vector<128x128xf32> -> vector<128x128xi32>
    %and3A_107 = arith.constant -65536 : i32
    %and3A_108 = vector.broadcast %and3A_107 : i32 to vector<128x128xi32>
    %and3A_109 = arith.andi %bitcast_convert_type3A_106, %and3A_108 : vector<128x128xi32>
    %bitcast_convert_type3A_110 = tpu.bitcast %and3A_109 : vector<128x128xi32> -> vector<128x128xf32>
    %sub3A_111 = arith.subf %concatenate3A_105, %bitcast_convert_type3A_110 : vector<128x128xf32>
    %dot_general3A_112 = arith.constant dense<0.000000e+00> : vector<128x128xf32>
    %dot_general3A_113 = tpu.matmul %bitcast_convert_type3A_110, %convert_element_type3A_1, %dot_general3A_112 {dimension_numbers = #tpu.dot_dimension_numbers<[0], [0], [1], [1], [0, 1, 1, 1], [], []>, transpose_lhs_hint = false} : vector<128x128xf32>, vector<128x128xf32>, vector<128x128xf32> -> vector<128x128xf32>
    %dot_general3A_114 = arith.constant dense<0.000000e+00> : vector<128x128xf32>
    %dot_general3A_115 = tpu.matmul %sub3A_111, %convert_element_type3A_1, %dot_general3A_114 {dimension_numbers = #tpu.dot_dimension_numbers<[0], [0], [1], [1], [0, 1, 1, 1], [], []>, transpose_lhs_hint = false} : vector<128x128xf32>, vector<128x128xf32>, vector<128x128xf32> -> vector<128x128xf32>
    %add3A_116 = arith.addf %dot_general3A_113, %dot_general3A_115 : vector<128x128xf32>
    %swap3A_117 = arith.constant 640 : index
    %swap3A_118 = arith.constant 0 : index
    %swap3A_119 = vector.load %arg2[%swap3A_117, %swap3A_118] : memref<8192x128xf32, #tpu.memory_space<vmem>>, vector<128x128xf32>
    tpu.vector_store %arg2[%swap3A_117, %swap3A_118], %add3A_116 {strides = array<i32>} : memref<8192x128xf32, #tpu.memory_space<vmem>>, vector<128x128xf32>,
    %get3A_120 = arith.constant 0 : index
    %get3A_121 = arith.constant 1536 : index
    %get3A_122 = vector.load %arg1[%get3A_120, %get3A_121] : memref<64x16384xf32, #tpu.memory_space<vmem>>, vector<64x128xf32>
    %get3A_123 = arith.constant 0 : index
    %get3A_124 = arith.constant 1664 : index
    %get3A_125 = vector.load %arg1[%get3A_123, %get3A_124] : memref<64x16384xf32, #tpu.memory_space<vmem>>, vector<64x128xf32>
    %concatenate3A_126 = tpu.concatenate %get3A_122, %get3A_125 in 0 : vector<64x128xf32>, vector<64x128xf32> -> vector<128x128xf32>
    %bitcast_convert_type3A_127 = tpu.bitcast %concatenate3A_126 : vector<128x128xf32> -> vector<128x128xi32>
    %and3A_128 = arith.constant -65536 : i32
    %and3A_129 = vector.broadcast %and3A_128 : i32 to vector<128x128xi32>
    %and3A_130 = arith.andi %bitcast_convert_type3A_127, %and3A_129 : vector<128x128xi32>
    %bitcast_convert_type3A_131 = tpu.bitcast %and3A_130 : vector<128x128xi32> -> vector<128x128xf32>
    %sub3A_132 = arith.subf %concatenate3A_126, %bitcast_convert_type3A_131 : vector<128x128xf32>
    %dot_general3A_133 = arith.constant dense<0.000000e+00> : vector<128x128xf32>
    %dot_general3A_134 = tpu.matmul %bitcast_convert_type3A_131, %convert_element_type3A_1, %dot_general3A_133 {dimension_numbers = #tpu.dot_dimension_numbers<[0], [0], [1], [1], [0, 1, 1, 1], [], []>, transpose_lhs_hint = false} : vector<128x128xf32>, vector<128x128xf32>, vector<128x128xf32> -> vector<128x128xf32>
    %dot_general3A_135 = arith.constant dense<0.000000e+00> : vector<128x128xf32>
    %dot_general3A_136 = tpu.matmul %sub3A_132, %convert_element_type3A_1, %dot_general3A_135 {dimension_numbers = #tpu.dot_dimension_numbers<[0], [0], [1], [1], [0, 1, 1, 1], [], []>, transpose_lhs_hint = false} : vector<128x128xf32>, vector<128x128xf32>, vector<128x128xf32> -> vector<128x128xf32>
    %add3A_137 = arith.addf %dot_general3A_134, %dot_general3A_136 : vector<128x128xf32>
    %swap3A_138 = arith.constant 768 : index
    %swap3A_139 = arith.constant 0 : index
    %swap3A_140 = vector.load %arg2[%swap3A_138, %swap3A_139] : memref<8192x128xf32, #tpu.memory_space<vmem>>, vector<128x128xf32>
    tpu.vector_store %arg2[%swap3A_138, %swap3A_139], %add3A_137 {strides = array<i32>} : memref<8192x128xf32, #tpu.memory_space<vmem>>, vector<128x128xf32>,
    %get3A_141 = arith.constant 0 : index
    %get3A_142 = arith.constant 1792 : index
    %get3A_143 = vector.load %arg1[%get3A_141, %get3A_142] : memref<64x16384xf32, #tpu.memory_space<vmem>>, vector<64x128xf32>
    %get3A_144 = arith.constant 0 : index
    %get3A_145 = arith.constant 1920 : index
    %get3A_146 = vector.load %arg1[%get3A_144, %get3A_145] : memref<64x16384xf32, #tpu.memory_space<vmem>>, vector<64x128xf32>
    %concatenate3A_147 = tpu.concatenate %get3A_143, %get3A_146 in 0 : vector<64x128xf32>, vector<64x128xf32> -> vector<128x128xf32>
    %bitcast_convert_type3A_148 = tpu.bitcast %concatenate3A_147 : vector<128x128xf32> -> vector<128x128xi32>
    %and3A_149 = arith.constant -65536 : i32
    %and3A_150 = vector.broadcast %and3A_149 : i32 to vector<128x128xi32>
    %and3A_151 = arith.andi %bitcast_convert_type3A_148, %and3A_150 : vector<128x128xi32>
    %bitcast_convert_type3A_152 = tpu.bitcast %and3A_151 : vector<128x128xi32> -> vector<128x128xf32>
    %sub3A_153 = arith.subf %concatenate3A_147, %bitcast_convert_type3A_152 : vector<128x128xf32>
    %dot_general3A_154 = arith.constant dense<0.000000e+00> : vector<128x128xf32>
    %dot_general3A_155 = tpu.matmul %bitcast_convert_type3A_152, %convert_element_type3A_1, %dot_general3A_154 {dimension_numbers = #tpu.dot_dimension_numbers<[0], [0], [1], [1], [0, 1, 1, 1], [], []>, transpose_lhs_hint = false} : vector<128x128xf32>, vector<128x128xf32>, vector<128x128xf32> -> vector<128x128xf32>
    %dot_general3A_156 = arith.constant dense<0.000000e+00> : vector<128x128xf32>
    %dot_general3A_157 = tpu.matmul %sub3A_153, %convert_element_type3A_1, %dot_general3A_156 {dimension_numbers = #tpu.dot_dimension_numbers<[0], [0], [1], [1], [0, 1, 1, 1], [], []>, transpose_lhs_hint = false} : vector<128x128xf32>, vector<128x128xf32>, vector<128x128xf32> -> vector<128x128xf32>
    %add3A_158 = arith.addf %dot_general3A_155, %dot_general3A_157 : vector<128x128xf32>
    %swap3A_159 = arith.constant 896 : index
    %swap3A_160 = arith.constant 0 : index
    %swap3A_161 = vector.load %arg2[%swap3A_159, %swap3A_160] : memref<8192x128xf32, #tpu.memory_space<vmem>>, vector<128x128xf32>
    tpu.vector_store %arg2[%swap3A_159, %swap3A_160], %add3A_158 {strides = array<i32>} : memref<8192x128xf32, #tpu.memory_space<vmem>>, vector<128x128xf32>,
    %get3A_162 = arith.constant 0 : index
    %get3A_163 = arith.constant 2048 : index
    %get3A_164 = vector.load %arg1[%get3A_162, %get3A_163] : memref<64x16384xf32, #tpu.memory_space<vmem>>, vector<64x128xf32>
    %get3A_165 = arith.constant 0 : index
    %get3A_166 = arith.constant 2176 : index
    %get3A_167 = vector.load %arg1[%get3A_165, %get3A_166] : memref<64x16384xf32, #tpu.memory_space<vmem>>, vector<64x128xf32>
    %concatenate3A_168 = tpu.concatenate %get3A_164, %get3A_167 in 0 : vector<64x128xf32>, vector<64x128xf32> -> vector<128x128xf32>
    %bitcast_convert_type3A_169 = tpu.bitcast %concatenate3A_168 : vector<128x128xf32> -> vector<128x128xi32>
    %and3A_170 = arith.constant -65536 : i32
    %and3A_171 = vector.broadcast %and3A_170 : i32 to vector<128x128xi32>
    %and3A_172 = arith.andi %bitcast_convert_type3A_169, %and3A_171 : vector<128x128xi32>
    %bitcast_convert_type3A_173 = tpu.bitcast %and3A_172 : vector<128x128xi32> -> vector<128x128xf32>
    %sub3A_174 = arith.subf %concatenate3A_168, %bitcast_convert_type3A_173 : vector<128x128xf32>
    %dot_general3A_175 = arith.constant dense<0.000000e+00> : vector<128x128xf32>
    %dot_general3A_176 = tpu.matmul %bitcast_convert_type3A_173, %convert_element_type3A_1, %dot_general3A_175 {dimension_numbers = #tpu.dot_dimension_numbers<[0], [0], [1], [1], [0, 1, 1, 1], [], []>, transpose_lhs_hint = false} : vector<128x128xf32>, vector<128x128xf32>, vector<128x128xf32> -> vector<128x128xf32>
    %dot_general3A_177 = arith.constant dense<0.000000e+00> : vector<128x128xf32>
    %dot_general3A_178 = tpu.matmul %sub3A_174, %convert_element_type3A_1, %dot_general3A_177 {dimension_numbers = #tpu.dot_dimension_numbers<[0], [0], [1], [1], [0, 1, 1, 1], [], []>, transpose_lhs_hint = false} : vector<128x128xf32>, vector<128x128xf32>, vector<128x128xf32> -> vector<128x128xf32>
    %add3A_179 = arith.addf %dot_general3A_176, %dot_general3A_178 : vector<128x128xf32>
    %swap3A_180 = arith.constant 1024 : index
    %swap3A_181 = arith.constant 0 : index
    %swap3A_182 = vector.load %arg2[%swap3A_180, %swap3A_181] : memref<8192x128xf32, #tpu.memory_space<vmem>>, vector<128x128xf32>
    tpu.vector_store %arg2[%swap3A_180, %swap3A_181], %add3A_179 {strides = array<i32>} : memref<8192x128xf32, #tpu.memory_space<vmem>>, vector<128x128xf32>,
    %get3A_183 = arith.constant 0 : index
    %get3A_184 = arith.constant 2304 : index
    %get3A_185 = vector.load %arg1[%get3A_183, %get3A_184] : memref<64x16384xf32, #tpu.memory_space<vmem>>, vector<64x128xf32>
    %get3A_186 = arith.constant 0 : index
    %get3A_187 = arith.constant 2432 : index
    %get3A_188 = vector.load %arg1[%get3A_186, %get3A_187] : memref<64x16384xf32, #tpu.memory_space<vmem>>, vector<64x128xf32>
    %concatenate3A_189 = tpu.concatenate %get3A_185, %get3A_188 in 0 : vector<64x128xf32>, vector<64x128xf32> -> vector<128x128xf32>
    %bitcast_convert_type3A_190 = tpu.bitcast %concatenate3A_189 : vector<128x128xf32> -> vector<128x128xi32>
    %and3A_191 = arith.constant -65536 : i32
    %and3A_192 = vector.broadcast %and3A_191 : i32 to vector<128x128xi32>
    %and3A_193 = arith.andi %bitcast_convert_type3A_190, %and3A_192 : vector<128x128xi32>
    %bitcast_convert_type3A_194 = tpu.bitcast %and3A_193 : vector<128x128xi32> -> vector<128x128xf32>
    %sub3A_195 = arith.subf %concatenate3A_189, %bitcast_convert_type3A_194 : vector<128x128xf32>
    %dot_general3A_196 = arith.constant dense<0.000000e+00> : vector<128x128xf32>
    %dot_general3A_197 = tpu.matmul %bitcast_convert_type3A_194, %convert_element_type3A_1, %dot_general3A_196 {dimension_numbers = #tpu.dot_dimension_numbers<[0], [0], [1], [1], [0, 1, 1, 1], [], []>, transpose_lhs_hint = false} : vector<128x128xf32>, vector<128x128xf32>, vector<128x128xf32> -> vector<128x128xf32>
    %dot_general3A_198 = arith.constant dense<0.000000e+00> : vector<128x128xf32>
    %dot_general3A_199 = tpu.matmul %sub3A_195, %convert_element_type3A_1, %dot_general3A_198 {dimension_numbers = #tpu.dot_dimension_numbers<[0], [0], [1], [1], [0, 1, 1, 1], [], []>, transpose_lhs_hint = false} : vector<128x128xf32>, vector<128x128xf32>, vector<128x128xf32> -> vector<128x128xf32>
    %add3A_200 = arith.addf %dot_general3A_197, %dot_general3A_199 : vector<128x128xf32>
    %swap3A_201 = arith.constant 1152 : index
    %swap3A_202 = arith.constant 0 : index
    %swap3A_203 = vector.load %arg2[%swap3A_201, %swap3A_202] : memref<8192x128xf32, #tpu.memory_space<vmem>>, vector<128x128xf32>
    tpu.vector_store %arg2[%swap3A_201, %swap3A_202], %add3A_200 {strides = array<i32>} : memref<8192x128xf32, #tpu.memory_space<vmem>>, vector<128x128xf32>,
    %get3A_204 = arith.constant 0 : index
    %get3A_205 = arith.constant 2560 : index
    %get3A_206 = vector.load %arg1[%get3A_204, %get3A_205] : memref<64x16384xf32, #tpu.memory_space<vmem>>, vector<64x128xf32>
    %get3A_207 = arith.constant 0 : index
    %get3A_208 = arith.constant 2688 : index
    %get3A_209 = vector.load %arg1[%get3A_207, %get3A_208] : memref<64x16384xf32, #tpu.memory_space<vmem>>, vector<64x128xf32>
    %concatenate3A_210 = tpu.concatenate %get3A_206, %get3A_209 in 0 : vector<64x128xf32>, vector<64x128xf32> -> vector<128x128xf32>
    %bitcast_convert_type3A_211 = tpu.bitcast %concatenate3A_210 : vector<128x128xf32> -> vector<128x128xi32>
    %and3A_212 = arith.constant -65536 : i32
    %and3A_213 = vector.broadcast %and3A_212 : i32 to vector<128x128xi32>
    %and3A_214 = arith.andi %bitcast_convert_type3A_211, %and3A_213 : vector<128x128xi32>
    %bitcast_convert_type3A_215 = tpu.bitcast %and3A_214 : vector<128x128xi32> -> vector<128x128xf32>
    %sub3A_216 = arith.subf %concatenate3A_210, %bitcast_convert_type3A_215 : vector<128x128xf32>
    %dot_general3A_217 = arith.constant dense<0.000000e+00> : vector<128x128xf32>
    %dot_general3A_218 = tpu.matmul %bitcast_convert_type3A_215, %convert_element_type3A_1, %dot_general3A_217 {dimension_numbers = #tpu.dot_dimension_numbers<[0], [0], [1], [1], [0, 1, 1, 1], [], []>, transpose_lhs_hint = false} : vector<128x128xf32>, vector<128x128xf32>, vector<128x128xf32> -> vector<128x128xf32>
    %dot_general3A_219 = arith.constant dense<0.000000e+00> : vector<128x128xf32>
    %dot_general3A_220 = tpu.matmul %sub3A_216, %convert_element_type3A_1, %dot_general3A_219 {dimension_numbers = #tpu.dot_dimension_numbers<[0], [0], [1], [1], [0, 1, 1, 1], [], []>, transpose_lhs_hint = false} : vector<128x128xf32>, vector<128x128xf32>, vector<128x128xf32> -> vector<128x128xf32>
    %add3A_221 = arith.addf %dot_general3A_218, %dot_general3A_220 : vector<128x128xf32>
    %swap3A_222 = arith.constant 1280 : index
    %swap3A_223 = arith.constant 0 : index
    %swap3A_224 = vector.load %arg2[%swap3A_222, %swap3A_223] : memref<8192x128xf32, #tpu.memory_space<vmem>>, vector<128x128xf32>
    tpu.vector_store %arg2[%swap3A_222, %swap3A_223], %add3A_221 {strides = array<i32>} : memref<8192x128xf32, #tpu.memory_space<vmem>>, vector<128x128xf32>,
    %get3A_225 = arith.constant 0 : index
    %get3A_226 = arith.constant 2816 : index
    %get3A_227 = vector.load %arg1[%get3A_225, %get3A_226] : memref<64x16384xf32, #tpu.memory_space<vmem>>, vector<64x128xf32>
    %get3A_228 = arith.constant 0 : index
    %get3A_229 = arith.constant 2944 : index
    %get3A_230 = vector.load %arg1[%get3A_228, %get3A_229] : memref<64x16384xf32, #tpu.memory_space<vmem>>, vector<64x128xf32>
    %concatenate3A_231 = tpu.concatenate %get3A_227, %get3A_230 in 0 : vector<64x128xf32>, vector<64x128xf32> -> vector<128x128xf32>
    %bitcast_convert_type3A_232 = tpu.bitcast %concatenate3A_231 : vector<128x128xf32> -> vector<128x128xi32>
    %and3A_233 = arith.constant -65536 : i32
    %and3A_234 = vector.broadcast %and3A_233 : i32 to vector<128x128xi32>
    %and3A_235 = arith.andi %bitcast_convert_type3A_232, %and3A_234 : vector<128x128xi32>
    %bitcast_convert_type3A_236 = tpu.bitcast %and3A_235 : vector<128x128xi32> -> vector<128x128xf32>
    %sub3A_237 = arith.subf %concatenate3A_231, %bitcast_convert_type3A_236 : vector<128x128xf32>
    %dot_general3A_238 = arith.constant dense<0.000000e+00> : vector<128x128xf32>
    %dot_general3A_239 = tpu.matmul %bitcast_convert_type3A_236, %convert_element_type3A_1, %dot_general3A_238 {dimension_numbers = #tpu.dot_dimension_numbers<[0], [0], [1], [1], [0, 1, 1, 1], [], []>, transpose_lhs_hint = false} : vector<128x128xf32>, vector<128x128xf32>, vector<128x128xf32> -> vector<128x128xf32>
    %dot_general3A_240 = arith.constant dense<0.000000e+00> : vector<128x128xf32>
    %dot_general3A_241 = tpu.matmul %sub3A_237, %convert_element_type3A_1, %dot_general3A_240 {dimension_numbers = #tpu.dot_dimension_numbers<[0], [0], [1], [1], [0, 1, 1, 1], [], []>, transpose_lhs_hint = false} : vector<128x128xf32>, vector<128x128xf32>, vector<128x128xf32> -> vector<128x128xf32>
    %add3A_242 = arith.addf %dot_general3A_239, %dot_general3A_241 : vector<128x128xf32>
    %swap3A_243 = arith.constant 1408 : index
    %swap3A_244 = arith.constant 0 : index
    %swap3A_245 = vector.load %arg2[%swap3A_243, %swap3A_244] : memref<8192x128xf32, #tpu.memory_space<vmem>>, vector<128x128xf32>
    tpu.vector_store %arg2[%swap3A_243, %swap3A_244], %add3A_242 {strides = array<i32>} : memref<8192x128xf32, #tpu.memory_space<vmem>>, vector<128x128xf32>,
    %get3A_246 = arith.constant 0 : index
    %get3A_247 = arith.constant 3072 : index
    %get3A_248 = vector.load %arg1[%get3A_246, %get3A_247] : memref<64x16384xf32, #tpu.memory_space<vmem>>, vector<64x128xf32>
    %get3A_249 = arith.constant 0 : index
    %get3A_250 = arith.constant 3200 : index
    %get3A_251 = vector.load %arg1[%get3A_249, %get3A_250] : memref<64x16384xf32, #tpu.memory_space<vmem>>, vector<64x128xf32>
    %concatenate3A_252 = tpu.concatenate %get3A_248, %get3A_251 in 0 : vector<64x128xf32>, vector<64x128xf32> -> vector<128x128xf32>
    %bitcast_convert_type3A_253 = tpu.bitcast %concatenate3A_252 : vector<128x128xf32> -> vector<128x128xi32>
    %and3A_254 = arith.constant -65536 : i32
    %and3A_255 = vector.broadcast %and3A_254 : i32 to vector<128x128xi32>
    %and3A_256 = arith.andi %bitcast_convert_type3A_253, %and3A_255 : vector<128x128xi32>
    %bitcast_convert_type3A_257 = tpu.bitcast %and3A_256 : vector<128x128xi32> -> vector<128x128xf32>
    %sub3A_258 = arith.subf %concatenate3A_252, %bitcast_convert_type3A_257 : vector<128x128xf32>
    %dot_general3A_259 = arith.constant dense<0.000000e+00> : vector<128x128xf32>
    %dot_general3A_260 = tpu.matmul %bitcast_convert_type3A_257, %convert_element_type3A_1, %dot_general3A_259 {dimension_numbers = #tpu.dot_dimension_numbers<[0], [0], [1], [1], [0, 1, 1, 1], [], []>, transpose_lhs_hint = false} : vector<128x128xf32>, vector<128x128xf32>, vector<128x128xf32> -> vector<128x128xf32>
    %dot_general3A_261 = arith.constant dense<0.000000e+00> : vector<128x128xf32>
    %dot_general3A_262 = tpu.matmul %sub3A_258, %convert_element_type3A_1, %dot_general3A_261 {dimension_numbers = #tpu.dot_dimension_numbers<[0], [0], [1], [1], [0, 1, 1, 1], [], []>, transpose_lhs_hint = false} : vector<128x128xf32>, vector<128x128xf32>, vector<128x128xf32> -> vector<128x128xf32>
    %add3A_263 = arith.addf %dot_general3A_260, %dot_general3A_262 : vector<128x128xf32>
    %swap3A_264 = arith.constant 1536 : index
    %swap3A_265 = arith.constant 0 : index
    %swap3A_266 = vector.load %arg2[%swap3A_264, %swap3A_265] : memref<8192x128xf32, #tpu.memory_space<vmem>>, vector<128x128xf32>
    tpu.vector_store %arg2[%swap3A_264, %swap3A_265], %add3A_263 {strides = array<i32>} : memref<8192x128xf32, #tpu.memory_space<vmem>>, vector<128x128xf32>,
    %get3A_267 = arith.constant 0 : index
    %get3A_268 = arith.constant 3328 : index
    %get3A_269 = vector.load %arg1[%get3A_267, %get3A_268] : memref<64x16384xf32, #tpu.memory_space<vmem>>, vector<64x128xf32>
    %get3A_270 = arith.constant 0 : index
    %get3A_271 = arith.constant 3456 : index
    %get3A_272 = vector.load %arg1[%get3A_270, %get3A_271] : memref<64x16384xf32, #tpu.memory_space<vmem>>, vector<64x128xf32>
    %concatenate3A_273 = tpu.concatenate %get3A_269, %get3A_272 in 0 : vector<64x128xf32>, vector<64x128xf32> -> vector<128x128xf32>
    %bitcast_convert_type3A_274 = tpu.bitcast %concatenate3A_273 : vector<128x128xf32> -> vector<128x128xi32>
    %and3A_275 = arith.constant -65536 : i32
    %and3A_276 = vector.broadcast %and3A_275 : i32 to vector<128x128xi32>
    %and3A_277 = arith.andi %bitcast_convert_type3A_274, %and3A_276 : vector<128x128xi32>
    %bitcast_convert_type3A_278 = tpu.bitcast %and3A_277 : vector<128x128xi32> -> vector<128x128xf32>
    %sub3A_279 = arith.subf %concatenate3A_273, %bitcast_convert_type3A_278 : vector<128x128xf32>
    %dot_general3A_280 = arith.constant dense<0.000000e+00> : vector<128x128xf32>
    %dot_general3A_281 = tpu.matmul %bitcast_convert_type3A_278, %convert_element_type3A_1, %dot_general3A_280 {dimension_numbers = #tpu.dot_dimension_numbers<[0], [0], [1], [1], [0, 1, 1, 1], [], []>, transpose_lhs_hint = false} : vector<128x128xf32>, vector<128x128xf32>, vector<128x128xf32> -> vector<128x128xf32>
    %dot_general3A_282 = arith.constant dense<0.000000e+00> : vector<128x128xf32>
    %dot_general3A_283 = tpu.matmul %sub3A_279, %convert_element_type3A_1, %dot_general3A_282 {dimension_numbers = #tpu.dot_dimension_numbers<[0], [0], [1], [1], [0, 1, 1, 1], [], []>, transpose_lhs_hint = false} : vector<128x128xf32>, vector<128x128xf32>, vector<128x128xf32> -> vector<128x128xf32>
    %add3A_284 = arith.addf %dot_general3A_281, %dot_general3A_283 : vector<128x128xf32>
    %swap3A_285 = arith.constant 1664 : index
    %swap3A_286 = arith.constant 0 : index
    %swap3A_287 = vector.load %arg2[%swap3A_285, %swap3A_286] : memref<8192x128xf32, #tpu.memory_space<vmem>>, vector<128x128xf32>
    tpu.vector_store %arg2[%swap3A_285, %swap3A_286], %add3A_284 {strides = array<i32>} : memref<8192x128xf32, #tpu.memory_space<vmem>>, vector<128x128xf32>,
    %get3A_288 = arith.constant 0 : index
    %get3A_289 = arith.constant 3584 : index
    %get3A_290 = vector.load %arg1[%get3A_288, %get3A_289] : memref<64x16384xf32, #tpu.memory_space<vmem>>, vector<64x128xf32>
    %get3A_291 = arith.constant 0 : index
    %get3A_292 = arith.constant 3712 : index
    %get3A_293 = vector.load %arg1[%get3A_291, %get3A_292] : memref<64x16384xf32, #tpu.memory_space<vmem>>, vector<64x128xf32>
    %concatenate3A_294 = tpu.concatenate %get3A_290, %get3A_293 in 0 : vector<64x128xf32>, vector<64x128xf32> -> vector<128x128xf32>
    %bitcast_convert_type3A_295 = tpu.bitcast %concatenate3A_294 : vector<128x128xf32> -> vector<128x128xi32>
    %and3A_296 = arith.constant -65536 : i32
    %and3A_297 = vector.broadcast %and3A_296 : i32 to vector<128x128xi32>
    %and3A_298 = arith.andi %bitcast_convert_type3A_295, %and3A_297 : vector<128x128xi32>
    %bitcast_convert_type3A_299 = tpu.bitcast %and3A_298 : vector<128x128xi32> -> vector<128x128xf32>
    %sub3A_300 = arith.subf %concatenate3A_294, %bitcast_convert_type3A_299 : vector<128x128xf32>
    %dot_general3A_301 = arith.constant dense<0.000000e+00> : vector<128x128xf32>
    %dot_general3A_302 = tpu.matmul %bitcast_convert_type3A_299, %convert_element_type3A_1, %dot_general3A_301 {dimension_numbers = #tpu.dot_dimension_numbers<[0], [0], [1], [1], [0, 1, 1, 1], [], []>, transpose_lhs_hint = false} : vector<128x128xf32>, vector<128x128xf32>, vector<128x128xf32> -> vector<128x128xf32>
    %dot_general3A_303 = arith.constant dense<0.000000e+00> : vector<128x128xf32>
    %dot_general3A_304 = tpu.matmul %sub3A_300, %convert_element_type3A_1, %dot_general3A_303 {dimension_numbers = #tpu.dot_dimension_numbers<[0], [0], [1], [1], [0, 1, 1, 1], [], []>, transpose_lhs_hint = false} : vector<128x128xf32>, vector<128x128xf32>, vector<128x128xf32> -> vector<128x128xf32>
    %add3A_305 = arith.addf %dot_general3A_302, %dot_general3A_304 : vector<128x128xf32>
    %swap3A_306 = arith.constant 1792 : index
    %swap3A_307 = arith.constant 0 : index
    %swap3A_308 = vector.load %arg2[%swap3A_306, %swap3A_307] : memref<8192x128xf32, #tpu.memory_space<vmem>>, vector<128x128xf32>
    tpu.vector_store %arg2[%swap3A_306, %swap3A_307], %add3A_305 {strides = array<i32>} : memref<8192x128xf32, #tpu.memory_space<vmem>>, vector<128x128xf32>,
    %get3A_309 = arith.constant 0 : index
    %get3A_310 = arith.constant 3840 : index
    %get3A_311 = vector.load %arg1[%get3A_309, %get3A_310] : memref<64x16384xf32, #tpu.memory_space<vmem>>, vector<64x128xf32>
    %get3A_312 = arith.constant 0 : index
    %get3A_313 = arith.constant 3968 : index
    %get3A_314 = vector.load %arg1[%get3A_312, %get3A_313] : memref<64x16384xf32, #tpu.memory_space<vmem>>, vector<64x128xf32>
    %concatenate3A_315 = tpu.concatenate %get3A_311, %get3A_314 in 0 : vector<64x128xf32>, vector<64x128xf32> -> vector<128x128xf32>
    %bitcast_convert_type3A_316 = tpu.bitcast %concatenate3A_315 : vector<128x128xf32> -> vector<128x128xi32>
    %and3A_317 = arith.constant -65536 : i32
    %and3A_318 = vector.broadcast %and3A_317 : i32 to vector<128x128xi32>
    %and3A_319 = arith.andi %bitcast_convert_type3A_316, %and3A_318 : vector<128x128xi32>
    %bitcast_convert_type3A_320 = tpu.bitcast %and3A_319 : vector<128x128xi32> -> vector<128x128xf32>
    %sub3A_321 = arith.subf %concatenate3A_315, %bitcast_convert_type3A_320 : vector<128x128xf32>
    %dot_general3A_322 = arith.constant dense<0.000000e+00> : vector<128x128xf32>
    %dot_general3A_323 = tpu.matmul %bitcast_convert_type3A_320, %convert_element_type3A_1, %dot_general3A_322 {dimension_numbers = #tpu.dot_dimension_numbers<[0], [0], [1], [1], [0, 1, 1, 1], [], []>, transpose_lhs_hint = false} : vector<128x128xf32>, vector<128x128xf32>, vector<128x128xf32> -> vector<128x128xf32>
    %dot_general3A_324 = arith.constant dense<0.000000e+00> : vector<128x128xf32>
    %dot_general3A_325 = tpu.matmul %sub3A_321, %convert_element_type3A_1, %dot_general3A_324 {dimension_numbers = #tpu.dot_dimension_numbers<[0], [0], [1], [1], [0, 1, 1, 1], [], []>, transpose_lhs_hint = false} : vector<128x128xf32>, vector<128x128xf32>, vector<128x128xf32> -> vector<128x128xf32>
    %add3A_326 = arith.addf %dot_general3A_323, %dot_general3A_325 : vector<128x128xf32>
    %swap3A_327 = arith.constant 1920 : index
    %swap3A_328 = arith.constant 0 : index
    %swap3A_329 = vector.load %arg2[%swap3A_327, %swap3A_328] : memref<8192x128xf32, #tpu.memory_space<vmem>>, vector<128x128xf32>
    tpu.vector_store %arg2[%swap3A_327, %swap3A_328], %add3A_326 {strides = array<i32>} : memref<8192x128xf32, #tpu.memory_space<vmem>>, vector<128x128xf32>,
    %get3A_330 = arith.constant 0 : index
    %get3A_331 = arith.constant 4096 : index
    %get3A_332 = vector.load %arg1[%get3A_330, %get3A_331] : memref<64x16384xf32, #tpu.memory_space<vmem>>, vector<64x128xf32>
    %get3A_333 = arith.constant 0 : index
    %get3A_334 = arith.constant 4224 : index
    %get3A_335 = vector.load %arg1[%get3A_333, %get3A_334] : memref<64x16384xf32, #tpu.memory_space<vmem>>, vector<64x128xf32>
    %concatenate3A_336 = tpu.concatenate %get3A_332, %get3A_335 in 0 : vector<64x128xf32>, vector<64x128xf32> -> vector<128x128xf32>
    %bitcast_convert_type3A_337 = tpu.bitcast %concatenate3A_336 : vector<128x128xf32> -> vector<128x128xi32>
    %and3A_338 = arith.constant -65536 : i32
    %and3A_339 = vector.broadcast %and3A_338 : i32 to vector<128x128xi32>
    %and3A_340 = arith.andi %bitcast_convert_type3A_337, %and3A_339 : vector<128x128xi32>
    %bitcast_convert_type3A_341 = tpu.bitcast %and3A_340 : vector<128x128xi32> -> vector<128x128xf32>
    %sub3A_342 = arith.subf %concatenate3A_336, %bitcast_convert_type3A_341 : vector<128x128xf32>
    %dot_general3A_343 = arith.constant dense<0.000000e+00> : vector<128x128xf32>
    %dot_general3A_344 = tpu.matmul %bitcast_convert_type3A_341, %convert_element_type3A_1, %dot_general3A_343 {dimension_numbers = #tpu.dot_dimension_numbers<[0], [0], [1], [1], [0, 1, 1, 1], [], []>, transpose_lhs_hint = false} : vector<128x128xf32>, vector<128x128xf32>, vector<128x128xf32> -> vector<128x128xf32>
    %dot_general3A_345 = arith.constant dense<0.000000e+00> : vector<128x128xf32>
    %dot_general3A_346 = tpu.matmul %sub3A_342, %convert_element_type3A_1, %dot_general3A_345 {dimension_numbers = #tpu.dot_dimension_numbers<[0], [0], [1], [1], [0, 1, 1, 1], [], []>, transpose_lhs_hint = false} : vector<128x128xf32>, vector<128x128xf32>, vector<128x128xf32> -> vector<128x128xf32>
    %add3A_347 = arith.addf %dot_general3A_344, %dot_general3A_346 : vector<128x128xf32>
    %swap3A_348 = arith.constant 2048 : index
    %swap3A_349 = arith.constant 0 : index
    %swap3A_350 = vector.load %arg2[%swap3A_348, %swap3A_349] : memref<8192x128xf32, #tpu.memory_space<vmem>>, vector<128x128xf32>
    tpu.vector_store %arg2[%swap3A_348, %swap3A_349], %add3A_347 {strides = array<i32>} : memref<8192x128xf32, #tpu.memory_space<vmem>>, vector<128x128xf32>,
    %get3A_351 = arith.constant 0 : index
    %get3A_352 = arith.constant 4352 : index
    %get3A_353 = vector.load %arg1[%get3A_351, %get3A_352] : memref<64x16384xf32, #tpu.memory_space<vmem>>, vector<64x128xf32>
    %get3A_354 = arith.constant 0 : index
    %get3A_355 = arith.constant 4480 : index
    %get3A_356 = vector.load %arg1[%get3A_354, %get3A_355] : memref<64x16384xf32, #tpu.memory_space<vmem>>, vector<64x128xf32>
    %concatenate3A_357 = tpu.concatenate %get3A_353, %get3A_356 in 0 : vector<64x128xf32>, vector<64x128xf32> -> vector<128x128xf32>
    %bitcast_convert_type3A_358 = tpu.bitcast %concatenate3A_357 : vector<128x128xf32> -> vector<128x128xi32>
    %and3A_359 = arith.constant -65536 : i32
    %and3A_360 = vector.broadcast %and3A_359 : i32 to vector<128x128xi32>
    %and3A_361 = arith.andi %bitcast_convert_type3A_358, %and3A_360 : vector<128x128xi32>
    %bitcast_convert_type3A_362 = tpu.bitcast %and3A_361 : vector<128x128xi32> -> vector<128x128xf32>
    %sub3A_363 = arith.subf %concatenate3A_357, %bitcast_convert_type3A_362 : vector<128x128xf32>
    %dot_general3A_364 = arith.constant dense<0.000000e+00> : vector<128x128xf32>
    %dot_general3A_365 = tpu.matmul %bitcast_convert_type3A_362, %convert_element_type3A_1, %dot_general3A_364 {dimension_numbers = #tpu.dot_dimension_numbers<[0], [0], [1], [1], [0, 1, 1, 1], [], []>, transpose_lhs_hint = false} : vector<128x128xf32>, vector<128x128xf32>, vector<128x128xf32> -> vector<128x128xf32>
    %dot_general3A_366 = arith.constant dense<0.000000e+00> : vector<128x128xf32>
    %dot_general3A_367 = tpu.matmul %sub3A_363, %convert_element_type3A_1, %dot_general3A_366 {dimension_numbers = #tpu.dot_dimension_numbers<[0], [0], [1], [1], [0, 1, 1, 1], [], []>, transpose_lhs_hint = false} : vector<128x128xf32>, vector<128x128xf32>, vector<128x128xf32> -> vector<128x128xf32>
    %add3A_368 = arith.addf %dot_general3A_365, %dot_general3A_367 : vector<128x128xf32>
    %swap3A_369 = arith.constant 2176 : index
    %swap3A_370 = arith.constant 0 : index
    %swap3A_371 = vector.load %arg2[%swap3A_369, %swap3A_370] : memref<8192x128xf32, #tpu.memory_space<vmem>>, vector<128x128xf32>
    tpu.vector_store %arg2[%swap3A_369, %swap3A_370], %add3A_368 {strides = array<i32>} : memref<8192x128xf32, #tpu.memory_space<vmem>>, vector<128x128xf32>,
    %get3A_372 = arith.constant 0 : index
    %get3A_373 = arith.constant 4608 : index
    %get3A_374 = vector.load %arg1[%get3A_372, %get3A_373] : memref<64x16384xf32, #tpu.memory_space<vmem>>, vector<64x128xf32>
    %get3A_375 = arith.constant 0 : index
    %get3A_376 = arith.constant 4736 : index
    %get3A_377 = vector.load %arg1[%get3A_375, %get3A_376] : memref<64x16384xf32, #tpu.memory_space<vmem>>, vector<64x128xf32>
    %concatenate3A_378 = tpu.concatenate %get3A_374, %get3A_377 in 0 : vector<64x128xf32>, vector<64x128xf32> -> vector<128x128xf32>
    %bitcast_convert_type3A_379 = tpu.bitcast %concatenate3A_378 : vector<128x128xf32> -> vector<128x128xi32>
    %and3A_380 = arith.constant -65536 : i32
    %and3A_381 = vector.broadcast %and3A_380 : i32 to vector<128x128xi32>
    %and3A_382 = arith.andi %bitcast_convert_type3A_379, %and3A_381 : vector<128x128xi32>
    %bitcast_convert_type3A_383 = tpu.bitcast %and3A_382 : vector<128x128xi32> -> vector<128x128xf32>
    %sub3A_384 = arith.subf %concatenate3A_378, %bitcast_convert_type3A_383 : vector<128x128xf32>
    %dot_general3A_385 = arith.constant dense<0.000000e+00> : vector<128x128xf32>
    %dot_general3A_386 = tpu.matmul %bitcast_convert_type3A_383, %convert_element_type3A_1, %dot_general3A_385 {dimension_numbers = #tpu.dot_dimension_numbers<[0], [0], [1], [1], [0, 1, 1, 1], [], []>, transpose_lhs_hint = false} : vector<128x128xf32>, vector<128x128xf32>, vector<128x128xf32> -> vector<128x128xf32>
    %dot_general3A_387 = arith.constant dense<0.000000e+00> : vector<128x128xf32>
    %dot_general3A_388 = tpu.matmul %sub3A_384, %convert_element_type3A_1, %dot_general3A_387 {dimension_numbers = #tpu.dot_dimension_numbers<[0], [0], [1], [1], [0, 1, 1, 1], [], []>, transpose_lhs_hint = false} : vector<128x128xf32>, vector<128x128xf32>, vector<128x128xf32> -> vector<128x128xf32>
    %add3A_389 = arith.addf %dot_general3A_386, %dot_general3A_388 : vector<128x128xf32>
    %swap3A_390 = arith.constant 2304 : index
    %swap3A_391 = arith.constant 0 : index
    %swap3A_392 = vector.load %arg2[%swap3A_390, %swap3A_391] : memref<8192x128xf32, #tpu.memory_space<vmem>>, vector<128x128xf32>
    tpu.vector_store %arg2[%swap3A_390, %swap3A_391], %add3A_389 {strides = array<i32>} : memref<8192x128xf32, #tpu.memory_space<vmem>>, vector<128x128xf32>,
    %get3A_393 = arith.constant 0 : index
    %get3A_394 = arith.constant 4864 : index
    %get3A_395 = vector.load %arg1[%get3A_393, %get3A_394] : memref<64x16384xf32, #tpu.memory_space<vmem>>, vector<64x128xf32>
    %get3A_396 = arith.constant 0 : index
    %get3A_397 = arith.constant 4992 : index
    %get3A_398 = vector.load %arg1[%get3A_396, %get3A_397] : memref<64x16384xf32, #tpu.memory_space<vmem>>, vector<64x128xf32>
    %concatenate3A_399 = tpu.concatenate %get3A_395, %get3A_398 in 0 : vector<64x128xf32>, vector<64x128xf32> -> vector<128x128xf32>
    %bitcast_convert_type3A_400 = tpu.bitcast %concatenate3A_399 : vector<128x128xf32> -> vector<128x128xi32>
    %and3A_401 = arith.constant -65536 : i32
    %and3A_402 = vector.broadcast %and3A_401 : i32 to vector<128x128xi32>
    %and3A_403 = arith.andi %bitcast_convert_type3A_400, %and3A_402 : vector<128x128xi32>
    %bitcast_convert_type3A_404 = tpu.bitcast %and3A_403 : vector<128x128xi32> -> vector<128x128xf32>
    %sub3A_405 = arith.subf %concatenate3A_399, %bitcast_convert_type3A_404 : vector<128x128xf32>
    %dot_general3A_406 = arith.constant dense<0.000000e+00> : vector<128x128xf32>
    %dot_general3A_407 = tpu.matmul %bitcast_convert_type3A_404, %convert_element_type3A_1, %dot_general3A_406 {dimension_numbers = #tpu.dot_dimension_numbers<[0], [0], [1], [1], [0, 1, 1, 1], [], []>, transpose_lhs_hint = false} : vector<128x128xf32>, vector<128x128xf32>, vector<128x128xf32> -> vector<128x128xf32>
    %dot_general3A_408 = arith.constant dense<0.000000e+00> : vector<128x128xf32>
    %dot_general3A_409 = tpu.matmul %sub3A_405, %convert_element_type3A_1, %dot_general3A_408 {dimension_numbers = #tpu.dot_dimension_numbers<[0], [0], [1], [1], [0, 1, 1, 1], [], []>, transpose_lhs_hint = false} : vector<128x128xf32>, vector<128x128xf32>, vector<128x128xf32> -> vector<128x128xf32>
    %add3A_410 = arith.addf %dot_general3A_407, %dot_general3A_409 : vector<128x128xf32>
    %swap3A_411 = arith.constant 2432 : index
    %swap3A_412 = arith.constant 0 : index
    %swap3A_413 = vector.load %arg2[%swap3A_411, %swap3A_412] : memref<8192x128xf32, #tpu.memory_space<vmem>>, vector<128x128xf32>
    tpu.vector_store %arg2[%swap3A_411, %swap3A_412], %add3A_410 {strides = array<i32>} : memref<8192x128xf32, #tpu.memory_space<vmem>>, vector<128x128xf32>,
    %get3A_414 = arith.constant 0 : index
    %get3A_415 = arith.constant 5120 : index
    %get3A_416 = vector.load %arg1[%get3A_414, %get3A_415] : memref<64x16384xf32, #tpu.memory_space<vmem>>, vector<64x128xf32>
    %get3A_417 = arith.constant 0 : index
    %get3A_418 = arith.constant 5248 : index
    %get3A_419 = vector.load %arg1[%get3A_417, %get3A_418] : memref<64x16384xf32, #tpu.memory_space<vmem>>, vector<64x128xf32>
    %concatenate3A_420 = tpu.concatenate %get3A_416, %get3A_419 in 0 : vector<64x128xf32>, vector<64x128xf32> -> vector<128x128xf32>
    %bitcast_convert_type3A_421 = tpu.bitcast %concatenate3A_420 : vector<128x128xf32> -> vector<128x128xi32>
    %and3A_422 = arith.constant -65536 : i32
    %and3A_423 = vector.broadcast %and3A_422 : i32 to vector<128x128xi32>
    %and3A_424 = arith.andi %bitcast_convert_type3A_421, %and3A_423 : vector<128x128xi32>
    %bitcast_convert_type3A_425 = tpu.bitcast %and3A_424 : vector<128x128xi32> -> vector<128x128xf32>
    %sub3A_426 = arith.subf %concatenate3A_420, %bitcast_convert_type3A_425 : vector<128x128xf32>
    %dot_general3A_427 = arith.constant dense<0.000000e+00> : vector<128x128xf32>
    %dot_general3A_428 = tpu.matmul %bitcast_convert_type3A_425, %convert_element_type3A_1, %dot_general3A_427 {dimension_numbers = #tpu.dot_dimension_numbers<[0], [0], [1], [1], [0, 1, 1, 1], [], []>, transpose_lhs_hint = false} : vector<128x128xf32>, vector<128x128xf32>, vector<128x128xf32> -> vector<128x128xf32>
    %dot_general3A_429 = arith.constant dense<0.000000e+00> : vector<128x128xf32>
    %dot_general3A_430 = tpu.matmul %sub3A_426, %convert_element_type3A_1, %dot_general3A_429 {dimension_numbers = #tpu.dot_dimension_numbers<[0], [0], [1], [1], [0, 1, 1, 1], [], []>, transpose_lhs_hint = false} : vector<128x128xf32>, vector<128x128xf32>, vector<128x128xf32> -> vector<128x128xf32>
    %add3A_431 = arith.addf %dot_general3A_428, %dot_general3A_430 : vector<128x128xf32>
    %swap3A_432 = arith.constant 2560 : index
    %swap3A_433 = arith.constant 0 : index
    %swap3A_434 = vector.load %arg2[%swap3A_432, %swap3A_433] : memref<8192x128xf32, #tpu.memory_space<vmem>>, vector<128x128xf32>
    tpu.vector_store %arg2[%swap3A_432, %swap3A_433], %add3A_431 {strides = array<i32>} : memref<8192x128xf32, #tpu.memory_space<vmem>>, vector<128x128xf32>,
    %get3A_435 = arith.constant 0 : index
    %get3A_436 = arith.constant 5376 : index
    %get3A_437 = vector.load %arg1[%get3A_435, %get3A_436] : memref<64x16384xf32, #tpu.memory_space<vmem>>, vector<64x128xf32>
    %get3A_438 = arith.constant 0 : index
    %get3A_439 = arith.constant 5504 : index
    %get3A_440 = vector.load %arg1[%get3A_438, %get3A_439] : memref<64x16384xf32, #tpu.memory_space<vmem>>, vector<64x128xf32>
    %concatenate3A_441 = tpu.concatenate %get3A_437, %get3A_440 in 0 : vector<64x128xf32>, vector<64x128xf32> -> vector<128x128xf32>
    %bitcast_convert_type3A_442 = tpu.bitcast %concatenate3A_441 : vector<128x128xf32> -> vector<128x128xi32>
    %and3A_443 = arith.constant -65536 : i32
    %and3A_444 = vector.broadcast %and3A_443 : i32 to vector<128x128xi32>
    %and3A_445 = arith.andi %bitcast_convert_type3A_442, %and3A_444 : vector<128x128xi32>
    %bitcast_convert_type3A_446 = tpu.bitcast %and3A_445 : vector<128x128xi32> -> vector<128x128xf32>
    %sub3A_447 = arith.subf %concatenate3A_441, %bitcast_convert_type3A_446 : vector<128x128xf32>
    %dot_general3A_448 = arith.constant dense<0.000000e+00> : vector<128x128xf32>
    %dot_general3A_449 = tpu.matmul %bitcast_convert_type3A_446, %convert_element_type3A_1, %dot_general3A_448 {dimension_numbers = #tpu.dot_dimension_numbers<[0], [0], [1], [1], [0, 1, 1, 1], [], []>, transpose_lhs_hint = false} : vector<128x128xf32>, vector<128x128xf32>, vector<128x128xf32> -> vector<128x128xf32>
    %dot_general3A_450 = arith.constant dense<0.000000e+00> : vector<128x128xf32>
    %dot_general3A_451 = tpu.matmul %sub3A_447, %convert_element_type3A_1, %dot_general3A_450 {dimension_numbers = #tpu.dot_dimension_numbers<[0], [0], [1], [1], [0, 1, 1, 1], [], []>, transpose_lhs_hint = false} : vector<128x128xf32>, vector<128x128xf32>, vector<128x128xf32> -> vector<128x128xf32>
    %add3A_452 = arith.addf %dot_general3A_449, %dot_general3A_451 : vector<128x128xf32>
    %swap3A_453 = arith.constant 2688 : index
    %swap3A_454 = arith.constant 0 : index
    %swap3A_455 = vector.load %arg2[%swap3A_453, %swap3A_454] : memref<8192x128xf32, #tpu.memory_space<vmem>>, vector<128x128xf32>
    tpu.vector_store %arg2[%swap3A_453, %swap3A_454], %add3A_452 {strides = array<i32>} : memref<8192x128xf32, #tpu.memory_space<vmem>>, vector<128x128xf32>,
    %get3A_456 = arith.constant 0 : index
    %get3A_457 = arith.constant 5632 : index
    %get3A_458 = vector.load %arg1[%get3A_456, %get3A_457] : memref<64x16384xf32, #tpu.memory_space<vmem>>, vector<64x128xf32>
    %get3A_459 = arith.constant 0 : index
    %get3A_460 = arith.constant 5760 : index
    %get3A_461 = vector.load %arg1[%get3A_459, %get3A_460] : memref<64x16384xf32, #tpu.memory_space<vmem>>, vector<64x128xf32>
    %concatenate3A_462 = tpu.concatenate %get3A_458, %get3A_461 in 0 : vector<64x128xf32>, vector<64x128xf32> -> vector<128x128xf32>
    %bitcast_convert_type3A_463 = tpu.bitcast %concatenate3A_462 : vector<128x128xf32> -> vector<128x128xi32>
    %and3A_464 = arith.constant -65536 : i32
    %and3A_465 = vector.broadcast %and3A_464 : i32 to vector<128x128xi32>
    %and3A_466 = arith.andi %bitcast_convert_type3A_463, %and3A_465 : vector<128x128xi32>
    %bitcast_convert_type3A_467 = tpu.bitcast %and3A_466 : vector<128x128xi32> -> vector<128x128xf32>
    %sub3A_468 = arith.subf %concatenate3A_462, %bitcast_convert_type3A_467 : vector<128x128xf32>
    %dot_general3A_469 = arith.constant dense<0.000000e+00> : vector<128x128xf32>
    %dot_general3A_470 = tpu.matmul %bitcast_convert_type3A_467, %convert_element_type3A_1, %dot_general3A_469 {dimension_numbers = #tpu.dot_dimension_numbers<[0], [0], [1], [1], [0, 1, 1, 1], [], []>, transpose_lhs_hint = false} : vector<128x128xf32>, vector<128x128xf32>, vector<128x128xf32> -> vector<128x128xf32>
    %dot_general3A_471 = arith.constant dense<0.000000e+00> : vector<128x128xf32>
    %dot_general3A_472 = tpu.matmul %sub3A_468, %convert_element_type3A_1, %dot_general3A_471 {dimension_numbers = #tpu.dot_dimension_numbers<[0], [0], [1], [1], [0, 1, 1, 1], [], []>, transpose_lhs_hint = false} : vector<128x128xf32>, vector<128x128xf32>, vector<128x128xf32> -> vector<128x128xf32>
    %add3A_473 = arith.addf %dot_general3A_470, %dot_general3A_472 : vector<128x128xf32>
    %swap3A_474 = arith.constant 2816 : index
    %swap3A_475 = arith.constant 0 : index
    %swap3A_476 = vector.load %arg2[%swap3A_474, %swap3A_475] : memref<8192x128xf32, #tpu.memory_space<vmem>>, vector<128x128xf32>
    tpu.vector_store %arg2[%swap3A_474, %swap3A_475], %add3A_473 {strides = array<i32>} : memref<8192x128xf32, #tpu.memory_space<vmem>>, vector<128x128xf32>,
    %get3A_477 = arith.constant 0 : index
    %get3A_478 = arith.constant 5888 : index
    %get3A_479 = vector.load %arg1[%get3A_477, %get3A_478] : memref<64x16384xf32, #tpu.memory_space<vmem>>, vector<64x128xf32>
    %get3A_480 = arith.constant 0 : index
    %get3A_481 = arith.constant 6016 : index
    %get3A_482 = vector.load %arg1[%get3A_480, %get3A_481] : memref<64x16384xf32, #tpu.memory_space<vmem>>, vector<64x128xf32>
    %concatenate3A_483 = tpu.concatenate %get3A_479, %get3A_482 in 0 : vector<64x128xf32>, vector<64x128xf32> -> vector<128x128xf32>
    %bitcast_convert_type3A_484 = tpu.bitcast %concatenate3A_483 : vector<128x128xf32> -> vector<128x128xi32>
    %and3A_485 = arith.constant -65536 : i32
    %and3A_486 = vector.broadcast %and3A_485 : i32 to vector<128x128xi32>
    %and3A_487 = arith.andi %bitcast_convert_type3A_484, %and3A_486 : vector<128x128xi32>
    %bitcast_convert_type3A_488 = tpu.bitcast %and3A_487 : vector<128x128xi32> -> vector<128x128xf32>
    %sub3A_489 = arith.subf %concatenate3A_483, %bitcast_convert_type3A_488 : vector<128x128xf32>
    %dot_general3A_490 = arith.constant dense<0.000000e+00> : vector<128x128xf32>
    %dot_general3A_491 = tpu.matmul %bitcast_convert_type3A_488, %convert_element_type3A_1, %dot_general3A_490 {dimension_numbers = #tpu.dot_dimension_numbers<[0], [0], [1], [1], [0, 1, 1, 1], [], []>, transpose_lhs_hint = false} : vector<128x128xf32>, vector<128x128xf32>, vector<128x128xf32> -> vector<128x128xf32>
    %dot_general3A_492 = arith.constant dense<0.000000e+00> : vector<128x128xf32>
    %dot_general3A_493 = tpu.matmul %sub3A_489, %convert_element_type3A_1, %dot_general3A_492 {dimension_numbers = #tpu.dot_dimension_numbers<[0], [0], [1], [1], [0, 1, 1, 1], [], []>, transpose_lhs_hint = false} : vector<128x128xf32>, vector<128x128xf32>, vector<128x128xf32> -> vector<128x128xf32>
    %add3A_494 = arith.addf %dot_general3A_491, %dot_general3A_493 : vector<128x128xf32>
    %swap3A_495 = arith.constant 2944 : index
    %swap3A_496 = arith.constant 0 : index
    %swap3A_497 = vector.load %arg2[%swap3A_495, %swap3A_496] : memref<8192x128xf32, #tpu.memory_space<vmem>>, vector<128x128xf32>
    tpu.vector_store %arg2[%swap3A_495, %swap3A_496], %add3A_494 {strides = array<i32>} : memref<8192x128xf32, #tpu.memory_space<vmem>>, vector<128x128xf32>,
    %get3A_498 = arith.constant 0 : index
    %get3A_499 = arith.constant 6144 : index
    %get3A_500 = vector.load %arg1[%get3A_498, %get3A_499] : memref<64x16384xf32, #tpu.memory_space<vmem>>, vector<64x128xf32>
    %get3A_501 = arith.constant 0 : index
    %get3A_502 = arith.constant 6272 : index
    %get3A_503 = vector.load %arg1[%get3A_501, %get3A_502] : memref<64x16384xf32, #tpu.memory_space<vmem>>, vector<64x128xf32>
    %concatenate3A_504 = tpu.concatenate %get3A_500, %get3A_503 in 0 : vector<64x128xf32>, vector<64x128xf32> -> vector<128x128xf32>
    %bitcast_convert_type3A_505 = tpu.bitcast %concatenate3A_504 : vector<128x128xf32> -> vector<128x128xi32>
    %and3A_506 = arith.constant -65536 : i32
    %and3A_507 = vector.broadcast %and3A_506 : i32 to vector<128x128xi32>
    %and3A_508 = arith.andi %bitcast_convert_type3A_505, %and3A_507 : vector<128x128xi32>
    %bitcast_convert_type3A_509 = tpu.bitcast %and3A_508 : vector<128x128xi32> -> vector<128x128xf32>
    %sub3A_510 = arith.subf %concatenate3A_504, %bitcast_convert_type3A_509 : vector<128x128xf32>
    %dot_general3A_511 = arith.constant dense<0.000000e+00> : vector<128x128xf32>
    %dot_general3A_512 = tpu.matmul %bitcast_convert_type3A_509, %convert_element_type3A_1, %dot_general3A_511 {dimension_numbers = #tpu.dot_dimension_numbers<[0], [0], [1], [1], [0, 1, 1, 1], [], []>, transpose_lhs_hint = false} : vector<128x128xf32>, vector<128x128xf32>, vector<128x128xf32> -> vector<128x128xf32>
    %dot_general3A_513 = arith.constant dense<0.000000e+00> : vector<128x128xf32>
    %dot_general3A_514 = tpu.matmul %sub3A_510, %convert_element_type3A_1, %dot_general3A_513 {dimension_numbers = #tpu.dot_dimension_numbers<[0], [0], [1], [1], [0, 1, 1, 1], [], []>, transpose_lhs_hint = false} : vector<128x128xf32>, vector<128x128xf32>, vector<128x128xf32> -> vector<128x128xf32>
    %add3A_515 = arith.addf %dot_general3A_512, %dot_general3A_514 : vector<128x128xf32>
    %swap3A_516 = arith.constant 3072 : index
    %swap3A_517 = arith.constant 0 : index
    %swap3A_518 = vector.load %arg2[%swap3A_516, %swap3A_517] : memref<8192x128xf32, #tpu.memory_space<vmem>>, vector<128x128xf32>
    tpu.vector_store %arg2[%swap3A_516, %swap3A_517], %add3A_515 {strides = array<i32>} : memref<8192x128xf32, #tpu.memory_space<vmem>>, vector<128x128xf32>,
    %get3A_519 = arith.constant 0 : index
    %get3A_520 = arith.constant 6400 : index
    %get3A_521 = vector.load %arg1[%get3A_519, %get3A_520] : memref<64x16384xf32, #tpu.memory_space<vmem>>, vector<64x128xf32>
    %get3A_522 = arith.constant 0 : index
    %get3A_523 = arith.constant 6528 : index
    %get3A_524 = vector.load %arg1[%get3A_522, %get3A_523] : memref<64x16384xf32, #tpu.memory_space<vmem>>, vector<64x128xf32>
    %concatenate3A_525 = tpu.concatenate %get3A_521, %get3A_524 in 0 : vector<64x128xf32>, vector<64x128xf32> -> vector<128x128xf32>
    %bitcast_convert_type3A_526 = tpu.bitcast %concatenate3A_525 : vector<128x128xf32> -> vector<128x128xi32>
    %and3A_527 = arith.constant -65536 : i32
    %and3A_528 = vector.broadcast %and3A_527 : i32 to vector<128x128xi32>
    %and3A_529 = arith.andi %bitcast_convert_type3A_526, %and3A_528 : vector<128x128xi32>
    %bitcast_convert_type3A_530 = tpu.bitcast %and3A_529 : vector<128x128xi32> -> vector<128x128xf32>
    %sub3A_531 = arith.subf %concatenate3A_525, %bitcast_convert_type3A_530 : vector<128x128xf32>
    %dot_general3A_532 = arith.constant dense<0.000000e+00> : vector<128x128xf32>
    %dot_general3A_533 = tpu.matmul %bitcast_convert_type3A_530, %convert_element_type3A_1, %dot_general3A_532 {dimension_numbers = #tpu.dot_dimension_numbers<[0], [0], [1], [1], [0, 1, 1, 1], [], []>, transpose_lhs_hint = false} : vector<128x128xf32>, vector<128x128xf32>, vector<128x128xf32> -> vector<128x128xf32>
    %dot_general3A_534 = arith.constant dense<0.000000e+00> : vector<128x128xf32>
    %dot_general3A_535 = tpu.matmul %sub3A_531, %convert_element_type3A_1, %dot_general3A_534 {dimension_numbers = #tpu.dot_dimension_numbers<[0], [0], [1], [1], [0, 1, 1, 1], [], []>, transpose_lhs_hint = false} : vector<128x128xf32>, vector<128x128xf32>, vector<128x128xf32> -> vector<128x128xf32>
    %add3A_536 = arith.addf %dot_general3A_533, %dot_general3A_535 : vector<128x128xf32>
    %swap3A_537 = arith.constant 3200 : index
    %swap3A_538 = arith.constant 0 : index
    %swap3A_539 = vector.load %arg2[%swap3A_537, %swap3A_538] : memref<8192x128xf32, #tpu.memory_space<vmem>>, vector<128x128xf32>
    tpu.vector_store %arg2[%swap3A_537, %swap3A_538], %add3A_536 {strides = array<i32>} : memref<8192x128xf32, #tpu.memory_space<vmem>>, vector<128x128xf32>,
    %get3A_540 = arith.constant 0 : index
    %get3A_541 = arith.constant 6656 : index
    %get3A_542 = vector.load %arg1[%get3A_540, %get3A_541] : memref<64x16384xf32, #tpu.memory_space<vmem>>, vector<64x128xf32>
    %get3A_543 = arith.constant 0 : index
    %get3A_544 = arith.constant 6784 : index
    %get3A_545 = vector.load %arg1[%get3A_543, %get3A_544] : memref<64x16384xf32, #tpu.memory_space<vmem>>, vector<64x128xf32>
    %concatenate3A_546 = tpu.concatenate %get3A_542, %get3A_545 in 0 : vector<64x128xf32>, vector<64x128xf32> -> vector<128x128xf32>
    %bitcast_convert_type3A_547 = tpu.bitcast %concatenate3A_546 : vector<128x128xf32> -> vector<128x128xi32>
    %and3A_548 = arith.constant -65536 : i32
    %and3A_549 = vector.broadcast %and3A_548 : i32 to vector<128x128xi32>
    %and3A_550 = arith.andi %bitcast_convert_type3A_547, %and3A_549 : vector<128x128xi32>
    %bitcast_convert_type3A_551 = tpu.bitcast %and3A_550 : vector<128x128xi32> -> vector<128x128xf32>
    %sub3A_552 = arith.subf %concatenate3A_546, %bitcast_convert_type3A_551 : vector<128x128xf32>
    %dot_general3A_553 = arith.constant dense<0.000000e+00> : vector<128x128xf32>
    %dot_general3A_554 = tpu.matmul %bitcast_convert_type3A_551, %convert_element_type3A_1, %dot_general3A_553 {dimension_numbers = #tpu.dot_dimension_numbers<[0], [0], [1], [1], [0, 1, 1, 1], [], []>, transpose_lhs_hint = false} : vector<128x128xf32>, vector<128x128xf32>, vector<128x128xf32> -> vector<128x128xf32>
    %dot_general3A_555 = arith.constant dense<0.000000e+00> : vector<128x128xf32>
    %dot_general3A_556 = tpu.matmul %sub3A_552, %convert_element_type3A_1, %dot_general3A_555 {dimension_numbers = #tpu.dot_dimension_numbers<[0], [0], [1], [1], [0, 1, 1, 1], [], []>, transpose_lhs_hint = false} : vector<128x128xf32>, vector<128x128xf32>, vector<128x128xf32> -> vector<128x128xf32>
    %add3A_557 = arith.addf %dot_general3A_554, %dot_general3A_556 : vector<128x128xf32>
    %swap3A_558 = arith.constant 3328 : index
    %swap3A_559 = arith.constant 0 : index
    %swap3A_560 = vector.load %arg2[%swap3A_558, %swap3A_559] : memref<8192x128xf32, #tpu.memory_space<vmem>>, vector<128x128xf32>
    tpu.vector_store %arg2[%swap3A_558, %swap3A_559], %add3A_557 {strides = array<i32>} : memref<8192x128xf32, #tpu.memory_space<vmem>>, vector<128x128xf32>,
    %get3A_561 = arith.constant 0 : index
    %get3A_562 = arith.constant 6912 : index
    %get3A_563 = vector.load %arg1[%get3A_561, %get3A_562] : memref<64x16384xf32, #tpu.memory_space<vmem>>, vector<64x128xf32>
    %get3A_564 = arith.constant 0 : index
    %get3A_565 = arith.constant 7040 : index
    %get3A_566 = vector.load %arg1[%get3A_564, %get3A_565] : memref<64x16384xf32, #tpu.memory_space<vmem>>, vector<64x128xf32>
    %concatenate3A_567 = tpu.concatenate %get3A_563, %get3A_566 in 0 : vector<64x128xf32>, vector<64x128xf32> -> vector<128x128xf32>
    %bitcast_convert_type3A_568 = tpu.bitcast %concatenate3A_567 : vector<128x128xf32> -> vector<128x128xi32>
    %and3A_569 = arith.constant -65536 : i32
    %and3A_570 = vector.broadcast %and3A_569 : i32 to vector<128x128xi32>
    %and3A_571 = arith.andi %bitcast_convert_type3A_568, %and3A_570 : vector<128x128xi32>
    %bitcast_convert_type3A_572 = tpu.bitcast %and3A_571 : vector<128x128xi32> -> vector<128x128xf32>
    %sub3A_573 = arith.subf %concatenate3A_567, %bitcast_convert_type3A_572 : vector<128x128xf32>
    %dot_general3A_574 = arith.constant dense<0.000000e+00> : vector<128x128xf32>
    %dot_general3A_575 = tpu.matmul %bitcast_convert_type3A_572, %convert_element_type3A_1, %dot_general3A_574 {dimension_numbers = #tpu.dot_dimension_numbers<[0], [0], [1], [1], [0, 1, 1, 1], [], []>, transpose_lhs_hint = false} : vector<128x128xf32>, vector<128x128xf32>, vector<128x128xf32> -> vector<128x128xf32>
    %dot_general3A_576 = arith.constant dense<0.000000e+00> : vector<128x128xf32>
    %dot_general3A_577 = tpu.matmul %sub3A_573, %convert_element_type3A_1, %dot_general3A_576 {dimension_numbers = #tpu.dot_dimension_numbers<[0], [0], [1], [1], [0, 1, 1, 1], [], []>, transpose_lhs_hint = false} : vector<128x128xf32>, vector<128x128xf32>, vector<128x128xf32> -> vector<128x128xf32>
    %add3A_578 = arith.addf %dot_general3A_575, %dot_general3A_577 : vector<128x128xf32>
    %swap3A_579 = arith.constant 3456 : index
    %swap3A_580 = arith.constant 0 : index
    %swap3A_581 = vector.load %arg2[%swap3A_579, %swap3A_580] : memref<8192x128xf32, #tpu.memory_space<vmem>>, vector<128x128xf32>
    tpu.vector_store %arg2[%swap3A_579, %swap3A_580], %add3A_578 {strides = array<i32>} : memref<8192x128xf32, #tpu.memory_space<vmem>>, vector<128x128xf32>,
    %get3A_582 = arith.constant 0 : index
    %get3A_583 = arith.constant 7168 : index
    %get3A_584 = vector.load %arg1[%get3A_582, %get3A_583] : memref<64x16384xf32, #tpu.memory_space<vmem>>, vector<64x128xf32>
    %get3A_585 = arith.constant 0 : index
    %get3A_586 = arith.constant 7296 : index
    %get3A_587 = vector.load %arg1[%get3A_585, %get3A_586] : memref<64x16384xf32, #tpu.memory_space<vmem>>, vector<64x128xf32>
    %concatenate3A_588 = tpu.concatenate %get3A_584, %get3A_587 in 0 : vector<64x128xf32>, vector<64x128xf32> -> vector<128x128xf32>
    %bitcast_convert_type3A_589 = tpu.bitcast %concatenate3A_588 : vector<128x128xf32> -> vector<128x128xi32>
    %and3A_590 = arith.constant -65536 : i32
    %and3A_591 = vector.broadcast %and3A_590 : i32 to vector<128x128xi32>
    %and3A_592 = arith.andi %bitcast_convert_type3A_589, %and3A_591 : vector<128x128xi32>
    %bitcast_convert_type3A_593 = tpu.bitcast %and3A_592 : vector<128x128xi32> -> vector<128x128xf32>
    %sub3A_594 = arith.subf %concatenate3A_588, %bitcast_convert_type3A_593 : vector<128x128xf32>
    %dot_general3A_595 = arith.constant dense<0.000000e+00> : vector<128x128xf32>
    %dot_general3A_596 = tpu.matmul %bitcast_convert_type3A_593, %convert_element_type3A_1, %dot_general3A_595 {dimension_numbers = #tpu.dot_dimension_numbers<[0], [0], [1], [1], [0, 1, 1, 1], [], []>, transpose_lhs_hint = false} : vector<128x128xf32>, vector<128x128xf32>, vector<128x128xf32> -> vector<128x128xf32>
    %dot_general3A_597 = arith.constant dense<0.000000e+00> : vector<128x128xf32>
    %dot_general3A_598 = tpu.matmul %sub3A_594, %convert_element_type3A_1, %dot_general3A_597 {dimension_numbers = #tpu.dot_dimension_numbers<[0], [0], [1], [1], [0, 1, 1, 1], [], []>, transpose_lhs_hint = false} : vector<128x128xf32>, vector<128x128xf32>, vector<128x128xf32> -> vector<128x128xf32>
    %add3A_599 = arith.addf %dot_general3A_596, %dot_general3A_598 : vector<128x128xf32>
    %swap3A_600 = arith.constant 3584 : index
    %swap3A_601 = arith.constant 0 : index
    %swap3A_602 = vector.load %arg2[%swap3A_600, %swap3A_601] : memref<8192x128xf32, #tpu.memory_space<vmem>>, vector<128x128xf32>
    tpu.vector_store %arg2[%swap3A_600, %swap3A_601], %add3A_599 {strides = array<i32>} : memref<8192x128xf32, #tpu.memory_space<vmem>>, vector<128x128xf32>,
    %get3A_603 = arith.constant 0 : index
    %get3A_604 = arith.constant 7424 : index
    %get3A_605 = vector.load %arg1[%get3A_603, %get3A_604] : memref<64x16384xf32, #tpu.memory_space<vmem>>, vector<64x128xf32>
    %get3A_606 = arith.constant 0 : index
    %get3A_607 = arith.constant 7552 : index
    %get3A_608 = vector.load %arg1[%get3A_606, %get3A_607] : memref<64x16384xf32, #tpu.memory_space<vmem>>, vector<64x128xf32>
    %concatenate3A_609 = tpu.concatenate %get3A_605, %get3A_608 in 0 : vector<64x128xf32>, vector<64x128xf32> -> vector<128x128xf32>
    %bitcast_convert_type3A_610 = tpu.bitcast %concatenate3A_609 : vector<128x128xf32> -> vector<128x128xi32>
    %and3A_611 = arith.constant -65536 : i32
    %and3A_612 = vector.broadcast %and3A_611 : i32 to vector<128x128xi32>
    %and3A_613 = arith.andi %bitcast_convert_type3A_610, %and3A_612 : vector<128x128xi32>
    %bitcast_convert_type3A_614 = tpu.bitcast %and3A_613 : vector<128x128xi32> -> vector<128x128xf32>
    %sub3A_615 = arith.subf %concatenate3A_609, %bitcast_convert_type3A_614 : vector<128x128xf32>
    %dot_general3A_616 = arith.constant dense<0.000000e+00> : vector<128x128xf32>
    %dot_general3A_617 = tpu.matmul %bitcast_convert_type3A_614, %convert_element_type3A_1, %dot_general3A_616 {dimension_numbers = #tpu.dot_dimension_numbers<[0], [0], [1], [1], [0, 1, 1, 1], [], []>, transpose_lhs_hint = false} : vector<128x128xf32>, vector<128x128xf32>, vector<128x128xf32> -> vector<128x128xf32>
    %dot_general3A_618 = arith.constant dense<0.000000e+00> : vector<128x128xf32>
    %dot_general3A_619 = tpu.matmul %sub3A_615, %convert_element_type3A_1, %dot_general3A_618 {dimension_numbers = #tpu.dot_dimension_numbers<[0], [0], [1], [1], [0, 1, 1, 1], [], []>, transpose_lhs_hint = false} : vector<128x128xf32>, vector<128x128xf32>, vector<128x128xf32> -> vector<128x128xf32>
    %add3A_620 = arith.addf %dot_general3A_617, %dot_general3A_619 : vector<128x128xf32>
    %swap3A_621 = arith.constant 3712 : index
    %swap3A_622 = arith.constant 0 : index
    %swap3A_623 = vector.load %arg2[%swap3A_621, %swap3A_622] : memref<8192x128xf32, #tpu.memory_space<vmem>>, vector<128x128xf32>
    tpu.vector_store %arg2[%swap3A_621, %swap3A_622], %add3A_620 {strides = array<i32>} : memref<8192x128xf32, #tpu.memory_space<vmem>>, vector<128x128xf32>,
    %get3A_624 = arith.constant 0 : index
    %get3A_625 = arith.constant 7680 : index
    %get3A_626 = vector.load %arg1[%get3A_624, %get3A_625] : memref<64x16384xf32, #tpu.memory_space<vmem>>, vector<64x128xf32>
    %get3A_627 = arith.constant 0 : index
    %get3A_628 = arith.constant 7808 : index
    %get3A_629 = vector.load %arg1[%get3A_627, %get3A_628] : memref<64x16384xf32, #tpu.memory_space<vmem>>, vector<64x128xf32>
    %concatenate3A_630 = tpu.concatenate %get3A_626, %get3A_629 in 0 : vector<64x128xf32>, vector<64x128xf32> -> vector<128x128xf32>
    %bitcast_convert_type3A_631 = tpu.bitcast %concatenate3A_630 : vector<128x128xf32> -> vector<128x128xi32>
    %and3A_632 = arith.constant -65536 : i32
    %and3A_633 = vector.broadcast %and3A_632 : i32 to vector<128x128xi32>
    %and3A_634 = arith.andi %bitcast_convert_type3A_631, %and3A_633 : vector<128x128xi32>
    %bitcast_convert_type3A_635 = tpu.bitcast %and3A_634 : vector<128x128xi32> -> vector<128x128xf32>
    %sub3A_636 = arith.subf %concatenate3A_630, %bitcast_convert_type3A_635 : vector<128x128xf32>
    %dot_general3A_637 = arith.constant dense<0.000000e+00> : vector<128x128xf32>
    %dot_general3A_638 = tpu.matmul %bitcast_convert_type3A_635, %convert_element_type3A_1, %dot_general3A_637 {dimension_numbers = #tpu.dot_dimension_numbers<[0], [0], [1], [1], [0, 1, 1, 1], [], []>, transpose_lhs_hint = false} : vector<128x128xf32>, vector<128x128xf32>, vector<128x128xf32> -> vector<128x128xf32>
    %dot_general3A_639 = arith.constant dense<0.000000e+00> : vector<128x128xf32>
    %dot_general3A_640 = tpu.matmul %sub3A_636, %convert_element_type3A_1, %dot_general3A_639 {dimension_numbers = #tpu.dot_dimension_numbers<[0], [0], [1], [1], [0, 1, 1, 1], [], []>, transpose_lhs_hint = false} : vector<128x128xf32>, vector<128x128xf32>, vector<128x128xf32> -> vector<128x128xf32>
    %add3A_641 = arith.addf %dot_general3A_638, %dot_general3A_640 : vector<128x128xf32>
    %swap3A_642 = arith.constant 3840 : index
    %swap3A_643 = arith.constant 0 : index
    %swap3A_644 = vector.load %arg2[%swap3A_642, %swap3A_643] : memref<8192x128xf32, #tpu.memory_space<vmem>>, vector<128x128xf32>
    tpu.vector_store %arg2[%swap3A_642, %swap3A_643], %add3A_641 {strides = array<i32>} : memref<8192x128xf32, #tpu.memory_space<vmem>>, vector<128x128xf32>,
    %get3A_645 = arith.constant 0 : index
    %get3A_646 = arith.constant 7936 : index
    %get3A_647 = vector.load %arg1[%get3A_645, %get3A_646] : memref<64x16384xf32, #tpu.memory_space<vmem>>, vector<64x128xf32>
    %get3A_648 = arith.constant 0 : index
    %get3A_649 = arith.constant 8064 : index
    %get3A_650 = vector.load %arg1[%get3A_648, %get3A_649] : memref<64x16384xf32, #tpu.memory_space<vmem>>, vector<64x128xf32>
    %concatenate3A_651 = tpu.concatenate %get3A_647, %get3A_650 in 0 : vector<64x128xf32>, vector<64x128xf32> -> vector<128x128xf32>
    %bitcast_convert_type3A_652 = tpu.bitcast %concatenate3A_651 : vector<128x128xf32> -> vector<128x128xi32>
    %and3A_653 = arith.constant -65536 : i32
    %and3A_654 = vector.broadcast %and3A_653 : i32 to vector<128x128xi32>
    %and3A_655 = arith.andi %bitcast_convert_type3A_652, %and3A_654 : vector<128x128xi32>
    %bitcast_convert_type3A_656 = tpu.bitcast %and3A_655 : vector<128x128xi32> -> vector<128x128xf32>
    %sub3A_657 = arith.subf %concatenate3A_651, %bitcast_convert_type3A_656 : vector<128x128xf32>
    %dot_general3A_658 = arith.constant dense<0.000000e+00> : vector<128x128xf32>
    %dot_general3A_659 = tpu.matmul %bitcast_convert_type3A_656, %convert_element_type3A_1, %dot_general3A_658 {dimension_numbers = #tpu.dot_dimension_numbers<[0], [0], [1], [1], [0, 1, 1, 1], [], []>, transpose_lhs_hint = false} : vector<128x128xf32>, vector<128x128xf32>, vector<128x128xf32> -> vector<128x128xf32>
    %dot_general3A_660 = arith.constant dense<0.000000e+00> : vector<128x128xf32>
    %dot_general3A_661 = tpu.matmul %sub3A_657, %convert_element_type3A_1, %dot_general3A_660 {dimension_numbers = #tpu.dot_dimension_numbers<[0], [0], [1], [1], [0, 1, 1, 1], [], []>, transpose_lhs_hint = false} : vector<128x128xf32>, vector<128x128xf32>, vector<128x128xf32> -> vector<128x128xf32>
    %add3A_662 = arith.addf %dot_general3A_659, %dot_general3A_661 : vector<128x128xf32>
    %swap3A_663 = arith.constant 3968 : index
    %swap3A_664 = arith.constant 0 : index
    %swap3A_665 = vector.load %arg2[%swap3A_663, %swap3A_664] : memref<8192x128xf32, #tpu.memory_space<vmem>>, vector<128x128xf32>
    tpu.vector_store %arg2[%swap3A_663, %swap3A_664], %add3A_662 {strides = array<i32>} : memref<8192x128xf32, #tpu.memory_space<vmem>>, vector<128x128xf32>,
    %get3A_666 = arith.constant 0 : index
    %get3A_667 = arith.constant 8192 : index
    %get3A_668 = vector.load %arg1[%get3A_666, %get3A_667] : memref<64x16384xf32, #tpu.memory_space<vmem>>, vector<64x128xf32>
    %get3A_669 = arith.constant 0 : index
    %get3A_670 = arith.constant 8320 : index
    %get3A_671 = vector.load %arg1[%get3A_669, %get3A_670] : memref<64x16384xf32, #tpu.memory_space<vmem>>, vector<64x128xf32>
    %concatenate3A_672 = tpu.concatenate %get3A_668, %get3A_671 in 0 : vector<64x128xf32>, vector<64x128xf32> -> vector<128x128xf32>
    %bitcast_convert_type3A_673 = tpu.bitcast %concatenate3A_672 : vector<128x128xf32> -> vector<128x128xi32>
    %and3A_674 = arith.constant -65536 : i32
    %and3A_675 = vector.broadcast %and3A_674 : i32 to vector<128x128xi32>
    %and3A_676 = arith.andi %bitcast_convert_type3A_673, %and3A_675 : vector<128x128xi32>
    %bitcast_convert_type3A_677 = tpu.bitcast %and3A_676 : vector<128x128xi32> -> vector<128x128xf32>
    %sub3A_678 = arith.subf %concatenate3A_672, %bitcast_convert_type3A_677 : vector<128x128xf32>
    %dot_general3A_679 = arith.constant dense<0.000000e+00> : vector<128x128xf32>
    %dot_general3A_680 = tpu.matmul %bitcast_convert_type3A_677, %convert_element_type3A_1, %dot_general3A_679 {dimension_numbers = #tpu.dot_dimension_numbers<[0], [0], [1], [1], [0, 1, 1, 1], [], []>, transpose_lhs_hint = false} : vector<128x128xf32>, vector<128x128xf32>, vector<128x128xf32> -> vector<128x128xf32>
    %dot_general3A_681 = arith.constant dense<0.000000e+00> : vector<128x128xf32>
    %dot_general3A_682 = tpu.matmul %sub3A_678, %convert_element_type3A_1, %dot_general3A_681 {dimension_numbers = #tpu.dot_dimension_numbers<[0], [0], [1], [1], [0, 1, 1, 1], [], []>, transpose_lhs_hint = false} : vector<128x128xf32>, vector<128x128xf32>, vector<128x128xf32> -> vector<128x128xf32>
    %add3A_683 = arith.addf %dot_general3A_680, %dot_general3A_682 : vector<128x128xf32>
    %swap3A_684 = arith.constant 4096 : index
    %swap3A_685 = arith.constant 0 : index
    %swap3A_686 = vector.load %arg2[%swap3A_684, %swap3A_685] : memref<8192x128xf32, #tpu.memory_space<vmem>>, vector<128x128xf32>
    tpu.vector_store %arg2[%swap3A_684, %swap3A_685], %add3A_683 {strides = array<i32>} : memref<8192x128xf32, #tpu.memory_space<vmem>>, vector<128x128xf32>,
    %get3A_687 = arith.constant 0 : index
    %get3A_688 = arith.constant 8448 : index
    %get3A_689 = vector.load %arg1[%get3A_687, %get3A_688] : memref<64x16384xf32, #tpu.memory_space<vmem>>, vector<64x128xf32>
    %get3A_690 = arith.constant 0 : index
    %get3A_691 = arith.constant 8576 : index
    %get3A_692 = vector.load %arg1[%get3A_690, %get3A_691] : memref<64x16384xf32, #tpu.memory_space<vmem>>, vector<64x128xf32>
    %concatenate3A_693 = tpu.concatenate %get3A_689, %get3A_692 in 0 : vector<64x128xf32>, vector<64x128xf32> -> vector<128x128xf32>
    %bitcast_convert_type3A_694 = tpu.bitcast %concatenate3A_693 : vector<128x128xf32> -> vector<128x128xi32>
    %and3A_695 = arith.constant -65536 : i32
    %and3A_696 = vector.broadcast %and3A_695 : i32 to vector<128x128xi32>
    %and3A_697 = arith.andi %bitcast_convert_type3A_694, %and3A_696 : vector<128x128xi32>
    %bitcast_convert_type3A_698 = tpu.bitcast %and3A_697 : vector<128x128xi32> -> vector<128x128xf32>
    %sub3A_699 = arith.subf %concatenate3A_693, %bitcast_convert_type3A_698 : vector<128x128xf32>
    %dot_general3A_700 = arith.constant dense<0.000000e+00> : vector<128x128xf32>
    %dot_general3A_701 = tpu.matmul %bitcast_convert_type3A_698, %convert_element_type3A_1, %dot_general3A_700 {dimension_numbers = #tpu.dot_dimension_numbers<[0], [0], [1], [1], [0, 1, 1, 1], [], []>, transpose_lhs_hint = false} : vector<128x128xf32>, vector<128x128xf32>, vector<128x128xf32> -> vector<128x128xf32>
    %dot_general3A_702 = arith.constant dense<0.000000e+00> : vector<128x128xf32>
    %dot_general3A_703 = tpu.matmul %sub3A_699, %convert_element_type3A_1, %dot_general3A_702 {dimension_numbers = #tpu.dot_dimension_numbers<[0], [0], [1], [1], [0, 1, 1, 1], [], []>, transpose_lhs_hint = false} : vector<128x128xf32>, vector<128x128xf32>, vector<128x128xf32> -> vector<128x128xf32>
    %add3A_704 = arith.addf %dot_general3A_701, %dot_general3A_703 : vector<128x128xf32>
    %swap3A_705 = arith.constant 4224 : index
    %swap3A_706 = arith.constant 0 : index
    %swap3A_707 = vector.load %arg2[%swap3A_705, %swap3A_706] : memref<8192x128xf32, #tpu.memory_space<vmem>>, vector<128x128xf32>
    tpu.vector_store %arg2[%swap3A_705, %swap3A_706], %add3A_704 {strides = array<i32>} : memref<8192x128xf32, #tpu.memory_space<vmem>>, vector<128x128xf32>,
    %get3A_708 = arith.constant 0 : index
    %get3A_709 = arith.constant 8704 : index
    %get3A_710 = vector.load %arg1[%get3A_708, %get3A_709] : memref<64x16384xf32, #tpu.memory_space<vmem>>, vector<64x128xf32>
    %get3A_711 = arith.constant 0 : index
    %get3A_712 = arith.constant 8832 : index
    %get3A_713 = vector.load %arg1[%get3A_711, %get3A_712] : memref<64x16384xf32, #tpu.memory_space<vmem>>, vector<64x128xf32>
    %concatenate3A_714 = tpu.concatenate %get3A_710, %get3A_713 in 0 : vector<64x128xf32>, vector<64x128xf32> -> vector<128x128xf32>
    %bitcast_convert_type3A_715 = tpu.bitcast %concatenate3A_714 : vector<128x128xf32> -> vector<128x128xi32>
    %and3A_716 = arith.constant -65536 : i32
    %and3A_717 = vector.broadcast %and3A_716 : i32 to vector<128x128xi32>
    %and3A_718 = arith.andi %bitcast_convert_type3A_715, %and3A_717 : vector<128x128xi32>
    %bitcast_convert_type3A_719 = tpu.bitcast %and3A_718 : vector<128x128xi32> -> vector<128x128xf32>
    %sub3A_720 = arith.subf %concatenate3A_714, %bitcast_convert_type3A_719 : vector<128x128xf32>
    %dot_general3A_721 = arith.constant dense<0.000000e+00> : vector<128x128xf32>
    %dot_general3A_722 = tpu.matmul %bitcast_convert_type3A_719, %convert_element_type3A_1, %dot_general3A_721 {dimension_numbers = #tpu.dot_dimension_numbers<[0], [0], [1], [1], [0, 1, 1, 1], [], []>, transpose_lhs_hint = false} : vector<128x128xf32>, vector<128x128xf32>, vector<128x128xf32> -> vector<128x128xf32>
    %dot_general3A_723 = arith.constant dense<0.000000e+00> : vector<128x128xf32>
    %dot_general3A_724 = tpu.matmul %sub3A_720, %convert_element_type3A_1, %dot_general3A_723 {dimension_numbers = #tpu.dot_dimension_numbers<[0], [0], [1], [1], [0, 1, 1, 1], [], []>, transpose_lhs_hint = false} : vector<128x128xf32>, vector<128x128xf32>, vector<128x128xf32> -> vector<128x128xf32>
    %add3A_725 = arith.addf %dot_general3A_722, %dot_general3A_724 : vector<128x128xf32>
    %swap3A_726 = arith.constant 4352 : index
    %swap3A_727 = arith.constant 0 : index
    %swap3A_728 = vector.load %arg2[%swap3A_726, %swap3A_727] : memref<8192x128xf32, #tpu.memory_space<vmem>>, vector<128x128xf32>
    tpu.vector_store %arg2[%swap3A_726, %swap3A_727], %add3A_725 {strides = array<i32>} : memref<8192x128xf32, #tpu.memory_space<vmem>>, vector<128x128xf32>,
    %get3A_729 = arith.constant 0 : index
    %get3A_730 = arith.constant 8960 : index
    %get3A_731 = vector.load %arg1[%get3A_729, %get3A_730] : memref<64x16384xf32, #tpu.memory_space<vmem>>, vector<64x128xf32>
    %get3A_732 = arith.constant 0 : index
    %get3A_733 = arith.constant 9088 : index
    %get3A_734 = vector.load %arg1[%get3A_732, %get3A_733] : memref<64x16384xf32, #tpu.memory_space<vmem>>, vector<64x128xf32>
    %concatenate3A_735 = tpu.concatenate %get3A_731, %get3A_734 in 0 : vector<64x128xf32>, vector<64x128xf32> -> vector<128x128xf32>
    %bitcast_convert_type3A_736 = tpu.bitcast %concatenate3A_735 : vector<128x128xf32> -> vector<128x128xi32>
    %and3A_737 = arith.constant -65536 : i32
    %and3A_738 = vector.broadcast %and3A_737 : i32 to vector<128x128xi32>
    %and3A_739 = arith.andi %bitcast_convert_type3A_736, %and3A_738 : vector<128x128xi32>
    %bitcast_convert_type3A_740 = tpu.bitcast %and3A_739 : vector<128x128xi32> -> vector<128x128xf32>
    %sub3A_741 = arith.subf %concatenate3A_735, %bitcast_convert_type3A_740 : vector<128x128xf32>
    %dot_general3A_742 = arith.constant dense<0.000000e+00> : vector<128x128xf32>
    %dot_general3A_743 = tpu.matmul %bitcast_convert_type3A_740, %convert_element_type3A_1, %dot_general3A_742 {dimension_numbers = #tpu.dot_dimension_numbers<[0], [0], [1], [1], [0, 1, 1, 1], [], []>, transpose_lhs_hint = false} : vector<128x128xf32>, vector<128x128xf32>, vector<128x128xf32> -> vector<128x128xf32>
    %dot_general3A_744 = arith.constant dense<0.000000e+00> : vector<128x128xf32>
    %dot_general3A_745 = tpu.matmul %sub3A_741, %convert_element_type3A_1, %dot_general3A_744 {dimension_numbers = #tpu.dot_dimension_numbers<[0], [0], [1], [1], [0, 1, 1, 1], [], []>, transpose_lhs_hint = false} : vector<128x128xf32>, vector<128x128xf32>, vector<128x128xf32> -> vector<128x128xf32>
    %add3A_746 = arith.addf %dot_general3A_743, %dot_general3A_745 : vector<128x128xf32>
    %swap3A_747 = arith.constant 4480 : index
    %swap3A_748 = arith.constant 0 : index
    %swap3A_749 = vector.load %arg2[%swap3A_747, %swap3A_748] : memref<8192x128xf32, #tpu.memory_space<vmem>>, vector<128x128xf32>
    tpu.vector_store %arg2[%swap3A_747, %swap3A_748], %add3A_746 {strides = array<i32>} : memref<8192x128xf32, #tpu.memory_space<vmem>>, vector<128x128xf32>,
    %get3A_750 = arith.constant 0 : index
    %get3A_751 = arith.constant 9216 : index
    %get3A_752 = vector.load %arg1[%get3A_750, %get3A_751] : memref<64x16384xf32, #tpu.memory_space<vmem>>, vector<64x128xf32>
    %get3A_753 = arith.constant 0 : index
    %get3A_754 = arith.constant 9344 : index
    %get3A_755 = vector.load %arg1[%get3A_753, %get3A_754] : memref<64x16384xf32, #tpu.memory_space<vmem>>, vector<64x128xf32>
    %concatenate3A_756 = tpu.concatenate %get3A_752, %get3A_755 in 0 : vector<64x128xf32>, vector<64x128xf32> -> vector<128x128xf32>
    %bitcast_convert_type3A_757 = tpu.bitcast %concatenate3A_756 : vector<128x128xf32> -> vector<128x128xi32>
    %and3A_758 = arith.constant -65536 : i32
    %and3A_759 = vector.broadcast %and3A_758 : i32 to vector<128x128xi32>
    %and3A_760 = arith.andi %bitcast_convert_type3A_757, %and3A_759 : vector<128x128xi32>
    %bitcast_convert_type3A_761 = tpu.bitcast %and3A_760 : vector<128x128xi32> -> vector<128x128xf32>
    %sub3A_762 = arith.subf %concatenate3A_756, %bitcast_convert_type3A_761 : vector<128x128xf32>
    %dot_general3A_763 = arith.constant dense<0.000000e+00> : vector<128x128xf32>
    %dot_general3A_764 = tpu.matmul %bitcast_convert_type3A_761, %convert_element_type3A_1, %dot_general3A_763 {dimension_numbers = #tpu.dot_dimension_numbers<[0], [0], [1], [1], [0, 1, 1, 1], [], []>, transpose_lhs_hint = false} : vector<128x128xf32>, vector<128x128xf32>, vector<128x128xf32> -> vector<128x128xf32>
    %dot_general3A_765 = arith.constant dense<0.000000e+00> : vector<128x128xf32>
    %dot_general3A_766 = tpu.matmul %sub3A_762, %convert_element_type3A_1, %dot_general3A_765 {dimension_numbers = #tpu.dot_dimension_numbers<[0], [0], [1], [1], [0, 1, 1, 1], [], []>, transpose_lhs_hint = false} : vector<128x128xf32>, vector<128x128xf32>, vector<128x128xf32> -> vector<128x128xf32>
    %add3A_767 = arith.addf %dot_general3A_764, %dot_general3A_766 : vector<128x128xf32>
    %swap3A_768 = arith.constant 4608 : index
    %swap3A_769 = arith.constant 0 : index
    %swap3A_770 = vector.load %arg2[%swap3A_768, %swap3A_769] : memref<8192x128xf32, #tpu.memory_space<vmem>>, vector<128x128xf32>
    tpu.vector_store %arg2[%swap3A_768, %swap3A_769], %add3A_767 {strides = array<i32>} : memref<8192x128xf32, #tpu.memory_space<vmem>>, vector<128x128xf32>,
    %get3A_771 = arith.constant 0 : index
    %get3A_772 = arith.constant 9472 : index
    %get3A_773 = vector.load %arg1[%get3A_771, %get3A_772] : memref<64x16384xf32, #tpu.memory_space<vmem>>, vector<64x128xf32>
    %get3A_774 = arith.constant 0 : index
    %get3A_775 = arith.constant 9600 : index
    %get3A_776 = vector.load %arg1[%get3A_774, %get3A_775] : memref<64x16384xf32, #tpu.memory_space<vmem>>, vector<64x128xf32>
    %concatenate3A_777 = tpu.concatenate %get3A_773, %get3A_776 in 0 : vector<64x128xf32>, vector<64x128xf32> -> vector<128x128xf32>
    %bitcast_convert_type3A_778 = tpu.bitcast %concatenate3A_777 : vector<128x128xf32> -> vector<128x128xi32>
    %and3A_779 = arith.constant -65536 : i32
    %and3A_780 = vector.broadcast %and3A_779 : i32 to vector<128x128xi32>
    %and3A_781 = arith.andi %bitcast_convert_type3A_778, %and3A_780 : vector<128x128xi32>
    %bitcast_convert_type3A_782 = tpu.bitcast %and3A_781 : vector<128x128xi32> -> vector<128x128xf32>
    %sub3A_783 = arith.subf %concatenate3A_777, %bitcast_convert_type3A_782 : vector<128x128xf32>
    %dot_general3A_784 = arith.constant dense<0.000000e+00> : vector<128x128xf32>
    %dot_general3A_785 = tpu.matmul %bitcast_convert_type3A_782, %convert_element_type3A_1, %dot_general3A_784 {dimension_numbers = #tpu.dot_dimension_numbers<[0], [0], [1], [1], [0, 1, 1, 1], [], []>, transpose_lhs_hint = false} : vector<128x128xf32>, vector<128x128xf32>, vector<128x128xf32> -> vector<128x128xf32>
    %dot_general3A_786 = arith.constant dense<0.000000e+00> : vector<128x128xf32>
    %dot_general3A_787 = tpu.matmul %sub3A_783, %convert_element_type3A_1, %dot_general3A_786 {dimension_numbers = #tpu.dot_dimension_numbers<[0], [0], [1], [1], [0, 1, 1, 1], [], []>, transpose_lhs_hint = false} : vector<128x128xf32>, vector<128x128xf32>, vector<128x128xf32> -> vector<128x128xf32>
    %add3A_788 = arith.addf %dot_general3A_785, %dot_general3A_787 : vector<128x128xf32>
    %swap3A_789 = arith.constant 4736 : index
    %swap3A_790 = arith.constant 0 : index
    %swap3A_791 = vector.load %arg2[%swap3A_789, %swap3A_790] : memref<8192x128xf32, #tpu.memory_space<vmem>>, vector<128x128xf32>
    tpu.vector_store %arg2[%swap3A_789, %swap3A_790], %add3A_788 {strides = array<i32>} : memref<8192x128xf32, #tpu.memory_space<vmem>>, vector<128x128xf32>,
    %get3A_792 = arith.constant 0 : index
    %get3A_793 = arith.constant 9728 : index
    %get3A_794 = vector.load %arg1[%get3A_792, %get3A_793] : memref<64x16384xf32, #tpu.memory_space<vmem>>, vector<64x128xf32>
    %get3A_795 = arith.constant 0 : index
    %get3A_796 = arith.constant 9856 : index
    %get3A_797 = vector.load %arg1[%get3A_795, %get3A_796] : memref<64x16384xf32, #tpu.memory_space<vmem>>, vector<64x128xf32>
    %concatenate3A_798 = tpu.concatenate %get3A_794, %get3A_797 in 0 : vector<64x128xf32>, vector<64x128xf32> -> vector<128x128xf32>
    %bitcast_convert_type3A_799 = tpu.bitcast %concatenate3A_798 : vector<128x128xf32> -> vector<128x128xi32>
    %and3A_800 = arith.constant -65536 : i32
    %and3A_801 = vector.broadcast %and3A_800 : i32 to vector<128x128xi32>
    %and3A_802 = arith.andi %bitcast_convert_type3A_799, %and3A_801 : vector<128x128xi32>
    %bitcast_convert_type3A_803 = tpu.bitcast %and3A_802 : vector<128x128xi32> -> vector<128x128xf32>
    %sub3A_804 = arith.subf %concatenate3A_798, %bitcast_convert_type3A_803 : vector<128x128xf32>
    %dot_general3A_805 = arith.constant dense<0.000000e+00> : vector<128x128xf32>
    %dot_general3A_806 = tpu.matmul %bitcast_convert_type3A_803, %convert_element_type3A_1, %dot_general3A_805 {dimension_numbers = #tpu.dot_dimension_numbers<[0], [0], [1], [1], [0, 1, 1, 1], [], []>, transpose_lhs_hint = false} : vector<128x128xf32>, vector<128x128xf32>, vector<128x128xf32> -> vector<128x128xf32>
    %dot_general3A_807 = arith.constant dense<0.000000e+00> : vector<128x128xf32>
    %dot_general3A_808 = tpu.matmul %sub3A_804, %convert_element_type3A_1, %dot_general3A_807 {dimension_numbers = #tpu.dot_dimension_numbers<[0], [0], [1], [1], [0, 1, 1, 1], [], []>, transpose_lhs_hint = false} : vector<128x128xf32>, vector<128x128xf32>, vector<128x128xf32> -> vector<128x128xf32>
    %add3A_809 = arith.addf %dot_general3A_806, %dot_general3A_808 : vector<128x128xf32>
    %swap3A_810 = arith.constant 4864 : index
    %swap3A_811 = arith.constant 0 : index
    %swap3A_812 = vector.load %arg2[%swap3A_810, %swap3A_811] : memref<8192x128xf32, #tpu.memory_space<vmem>>, vector<128x128xf32>
    tpu.vector_store %arg2[%swap3A_810, %swap3A_811], %add3A_809 {strides = array<i32>} : memref<8192x128xf32, #tpu.memory_space<vmem>>, vector<128x128xf32>,
    %get3A_813 = arith.constant 0 : index
    %get3A_814 = arith.constant 9984 : index
    %get3A_815 = vector.load %arg1[%get3A_813, %get3A_814] : memref<64x16384xf32, #tpu.memory_space<vmem>>, vector<64x128xf32>
    %get3A_816 = arith.constant 0 : index
    %get3A_817 = arith.constant 10112 : index
    %get3A_818 = vector.load %arg1[%get3A_816, %get3A_817] : memref<64x16384xf32, #tpu.memory_space<vmem>>, vector<64x128xf32>
    %concatenate3A_819 = tpu.concatenate %get3A_815, %get3A_818 in 0 : vector<64x128xf32>, vector<64x128xf32> -> vector<128x128xf32>
    %bitcast_convert_type3A_820 = tpu.bitcast %concatenate3A_819 : vector<128x128xf32> -> vector<128x128xi32>
    %and3A_821 = arith.constant -65536 : i32
    %and3A_822 = vector.broadcast %and3A_821 : i32 to vector<128x128xi32>
    %and3A_823 = arith.andi %bitcast_convert_type3A_820, %and3A_822 : vector<128x128xi32>
    %bitcast_convert_type3A_824 = tpu.bitcast %and3A_823 : vector<128x128xi32> -> vector<128x128xf32>
    %sub3A_825 = arith.subf %concatenate3A_819, %bitcast_convert_type3A_824 : vector<128x128xf32>
    %dot_general3A_826 = arith.constant dense<0.000000e+00> : vector<128x128xf32>
    %dot_general3A_827 = tpu.matmul %bitcast_convert_type3A_824, %convert_element_type3A_1, %dot_general3A_826 {dimension_numbers = #tpu.dot_dimension_numbers<[0], [0], [1], [1], [0, 1, 1, 1], [], []>, transpose_lhs_hint = false} : vector<128x128xf32>, vector<128x128xf32>, vector<128x128xf32> -> vector<128x128xf32>
    %dot_general3A_828 = arith.constant dense<0.000000e+00> : vector<128x128xf32>
    %dot_general3A_829 = tpu.matmul %sub3A_825, %convert_element_type3A_1, %dot_general3A_828 {dimension_numbers = #tpu.dot_dimension_numbers<[0], [0], [1], [1], [0, 1, 1, 1], [], []>, transpose_lhs_hint = false} : vector<128x128xf32>, vector<128x128xf32>, vector<128x128xf32> -> vector<128x128xf32>
    %add3A_830 = arith.addf %dot_general3A_827, %dot_general3A_829 : vector<128x128xf32>
    %swap3A_831 = arith.constant 4992 : index
    %swap3A_832 = arith.constant 0 : index
    %swap3A_833 = vector.load %arg2[%swap3A_831, %swap3A_832] : memref<8192x128xf32, #tpu.memory_space<vmem>>, vector<128x128xf32>
    tpu.vector_store %arg2[%swap3A_831, %swap3A_832], %add3A_830 {strides = array<i32>} : memref<8192x128xf32, #tpu.memory_space<vmem>>, vector<128x128xf32>,
    %get3A_834 = arith.constant 0 : index
    %get3A_835 = arith.constant 10240 : index
    %get3A_836 = vector.load %arg1[%get3A_834, %get3A_835] : memref<64x16384xf32, #tpu.memory_space<vmem>>, vector<64x128xf32>
    %get3A_837 = arith.constant 0 : index
    %get3A_838 = arith.constant 10368 : index
    %get3A_839 = vector.load %arg1[%get3A_837, %get3A_838] : memref<64x16384xf32, #tpu.memory_space<vmem>>, vector<64x128xf32>
    %concatenate3A_840 = tpu.concatenate %get3A_836, %get3A_839 in 0 : vector<64x128xf32>, vector<64x128xf32> -> vector<128x128xf32>
    %bitcast_convert_type3A_841 = tpu.bitcast %concatenate3A_840 : vector<128x128xf32> -> vector<128x128xi32>
    %and3A_842 = arith.constant -65536 : i32
    %and3A_843 = vector.broadcast %and3A_842 : i32 to vector<128x128xi32>
    %and3A_844 = arith.andi %bitcast_convert_type3A_841, %and3A_843 : vector<128x128xi32>
    %bitcast_convert_type3A_845 = tpu.bitcast %and3A_844 : vector<128x128xi32> -> vector<128x128xf32>
    %sub3A_846 = arith.subf %concatenate3A_840, %bitcast_convert_type3A_845 : vector<128x128xf32>
    %dot_general3A_847 = arith.constant dense<0.000000e+00> : vector<128x128xf32>
    %dot_general3A_848 = tpu.matmul %bitcast_convert_type3A_845, %convert_element_type3A_1, %dot_general3A_847 {dimension_numbers = #tpu.dot_dimension_numbers<[0], [0], [1], [1], [0, 1, 1, 1], [], []>, transpose_lhs_hint = false} : vector<128x128xf32>, vector<128x128xf32>, vector<128x128xf32> -> vector<128x128xf32>
    %dot_general3A_849 = arith.constant dense<0.000000e+00> : vector<128x128xf32>
    %dot_general3A_850 = tpu.matmul %sub3A_846, %convert_element_type3A_1, %dot_general3A_849 {dimension_numbers = #tpu.dot_dimension_numbers<[0], [0], [1], [1], [0, 1, 1, 1], [], []>, transpose_lhs_hint = false} : vector<128x128xf32>, vector<128x128xf32>, vector<128x128xf32> -> vector<128x128xf32>
    %add3A_851 = arith.addf %dot_general3A_848, %dot_general3A_850 : vector<128x128xf32>
    %swap3A_852 = arith.constant 5120 : index
    %swap3A_853 = arith.constant 0 : index
    %swap3A_854 = vector.load %arg2[%swap3A_852, %swap3A_853] : memref<8192x128xf32, #tpu.memory_space<vmem>>, vector<128x128xf32>
    tpu.vector_store %arg2[%swap3A_852, %swap3A_853], %add3A_851 {strides = array<i32>} : memref<8192x128xf32, #tpu.memory_space<vmem>>, vector<128x128xf32>,
    %get3A_855 = arith.constant 0 : index
    %get3A_856 = arith.constant 10496 : index
    %get3A_857 = vector.load %arg1[%get3A_855, %get3A_856] : memref<64x16384xf32, #tpu.memory_space<vmem>>, vector<64x128xf32>
    %get3A_858 = arith.constant 0 : index
    %get3A_859 = arith.constant 10624 : index
    %get3A_860 = vector.load %arg1[%get3A_858, %get3A_859] : memref<64x16384xf32, #tpu.memory_space<vmem>>, vector<64x128xf32>
    %concatenate3A_861 = tpu.concatenate %get3A_857, %get3A_860 in 0 : vector<64x128xf32>, vector<64x128xf32> -> vector<128x128xf32>
    %bitcast_convert_type3A_862 = tpu.bitcast %concatenate3A_861 : vector<128x128xf32> -> vector<128x128xi32>
    %and3A_863 = arith.constant -65536 : i32
    %and3A_864 = vector.broadcast %and3A_863 : i32 to vector<128x128xi32>
    %and3A_865 = arith.andi %bitcast_convert_type3A_862, %and3A_864 : vector<128x128xi32>
    %bitcast_convert_type3A_866 = tpu.bitcast %and3A_865 : vector<128x128xi32> -> vector<128x128xf32>
    %sub3A_867 = arith.subf %concatenate3A_861, %bitcast_convert_type3A_866 : vector<128x128xf32>
    %dot_general3A_868 = arith.constant dense<0.000000e+00> : vector<128x128xf32>
    %dot_general3A_869 = tpu.matmul %bitcast_convert_type3A_866, %convert_element_type3A_1, %dot_general3A_868 {dimension_numbers = #tpu.dot_dimension_numbers<[0], [0], [1], [1], [0, 1, 1, 1], [], []>, transpose_lhs_hint = false} : vector<128x128xf32>, vector<128x128xf32>, vector<128x128xf32> -> vector<128x128xf32>
    %dot_general3A_870 = arith.constant dense<0.000000e+00> : vector<128x128xf32>
    %dot_general3A_871 = tpu.matmul %sub3A_867, %convert_element_type3A_1, %dot_general3A_870 {dimension_numbers = #tpu.dot_dimension_numbers<[0], [0], [1], [1], [0, 1, 1, 1], [], []>, transpose_lhs_hint = false} : vector<128x128xf32>, vector<128x128xf32>, vector<128x128xf32> -> vector<128x128xf32>
    %add3A_872 = arith.addf %dot_general3A_869, %dot_general3A_871 : vector<128x128xf32>
    %swap3A_873 = arith.constant 5248 : index
    %swap3A_874 = arith.constant 0 : index
    %swap3A_875 = vector.load %arg2[%swap3A_873, %swap3A_874] : memref<8192x128xf32, #tpu.memory_space<vmem>>, vector<128x128xf32>
    tpu.vector_store %arg2[%swap3A_873, %swap3A_874], %add3A_872 {strides = array<i32>} : memref<8192x128xf32, #tpu.memory_space<vmem>>, vector<128x128xf32>,
    %get3A_876 = arith.constant 0 : index
    %get3A_877 = arith.constant 10752 : index
    %get3A_878 = vector.load %arg1[%get3A_876, %get3A_877] : memref<64x16384xf32, #tpu.memory_space<vmem>>, vector<64x128xf32>
    %get3A_879 = arith.constant 0 : index
    %get3A_880 = arith.constant 10880 : index
    %get3A_881 = vector.load %arg1[%get3A_879, %get3A_880] : memref<64x16384xf32, #tpu.memory_space<vmem>>, vector<64x128xf32>
    %concatenate3A_882 = tpu.concatenate %get3A_878, %get3A_881 in 0 : vector<64x128xf32>, vector<64x128xf32> -> vector<128x128xf32>
    %bitcast_convert_type3A_883 = tpu.bitcast %concatenate3A_882 : vector<128x128xf32> -> vector<128x128xi32>
    %and3A_884 = arith.constant -65536 : i32
    %and3A_885 = vector.broadcast %and3A_884 : i32 to vector<128x128xi32>
    %and3A_886 = arith.andi %bitcast_convert_type3A_883, %and3A_885 : vector<128x128xi32>
    %bitcast_convert_type3A_887 = tpu.bitcast %and3A_886 : vector<128x128xi32> -> vector<128x128xf32>
    %sub3A_888 = arith.subf %concatenate3A_882, %bitcast_convert_type3A_887 : vector<128x128xf32>
    %dot_general3A_889 = arith.constant dense<0.000000e+00> : vector<128x128xf32>
    %dot_general3A_890 = tpu.matmul %bitcast_convert_type3A_887, %convert_element_type3A_1, %dot_general3A_889 {dimension_numbers = #tpu.dot_dimension_numbers<[0], [0], [1], [1], [0, 1, 1, 1], [], []>, transpose_lhs_hint = false} : vector<128x128xf32>, vector<128x128xf32>, vector<128x128xf32> -> vector<128x128xf32>
    %dot_general3A_891 = arith.constant dense<0.000000e+00> : vector<128x128xf32>
    %dot_general3A_892 = tpu.matmul %sub3A_888, %convert_element_type3A_1, %dot_general3A_891 {dimension_numbers = #tpu.dot_dimension_numbers<[0], [0], [1], [1], [0, 1, 1, 1], [], []>, transpose_lhs_hint = false} : vector<128x128xf32>, vector<128x128xf32>, vector<128x128xf32> -> vector<128x128xf32>
    %add3A_893 = arith.addf %dot_general3A_890, %dot_general3A_892 : vector<128x128xf32>
    %swap3A_894 = arith.constant 5376 : index
    %swap3A_895 = arith.constant 0 : index
    %swap3A_896 = vector.load %arg2[%swap3A_894, %swap3A_895] : memref<8192x128xf32, #tpu.memory_space<vmem>>, vector<128x128xf32>
    tpu.vector_store %arg2[%swap3A_894, %swap3A_895], %add3A_893 {strides = array<i32>} : memref<8192x128xf32, #tpu.memory_space<vmem>>, vector<128x128xf32>,
    %get3A_897 = arith.constant 0 : index
    %get3A_898 = arith.constant 11008 : index
    %get3A_899 = vector.load %arg1[%get3A_897, %get3A_898] : memref<64x16384xf32, #tpu.memory_space<vmem>>, vector<64x128xf32>
    %get3A_900 = arith.constant 0 : index
    %get3A_901 = arith.constant 11136 : index
    %get3A_902 = vector.load %arg1[%get3A_900, %get3A_901] : memref<64x16384xf32, #tpu.memory_space<vmem>>, vector<64x128xf32>
    %concatenate3A_903 = tpu.concatenate %get3A_899, %get3A_902 in 0 : vector<64x128xf32>, vector<64x128xf32> -> vector<128x128xf32>
    %bitcast_convert_type3A_904 = tpu.bitcast %concatenate3A_903 : vector<128x128xf32> -> vector<128x128xi32>
    %and3A_905 = arith.constant -65536 : i32
    %and3A_906 = vector.broadcast %and3A_905 : i32 to vector<128x128xi32>
    %and3A_907 = arith.andi %bitcast_convert_type3A_904, %and3A_906 : vector<128x128xi32>
    %bitcast_convert_type3A_908 = tpu.bitcast %and3A_907 : vector<128x128xi32> -> vector<128x128xf32>
    %sub3A_909 = arith.subf %concatenate3A_903, %bitcast_convert_type3A_908 : vector<128x128xf32>
    %dot_general3A_910 = arith.constant dense<0.000000e+00> : vector<128x128xf32>
    %dot_general3A_911 = tpu.matmul %bitcast_convert_type3A_908, %convert_element_type3A_1, %dot_general3A_910 {dimension_numbers = #tpu.dot_dimension_numbers<[0], [0], [1], [1], [0, 1, 1, 1], [], []>, transpose_lhs_hint = false} : vector<128x128xf32>, vector<128x128xf32>, vector<128x128xf32> -> vector<128x128xf32>
    %dot_general3A_912 = arith.constant dense<0.000000e+00> : vector<128x128xf32>
    %dot_general3A_913 = tpu.matmul %sub3A_909, %convert_element_type3A_1, %dot_general3A_912 {dimension_numbers = #tpu.dot_dimension_numbers<[0], [0], [1], [1], [0, 1, 1, 1], [], []>, transpose_lhs_hint = false} : vector<128x128xf32>, vector<128x128xf32>, vector<128x128xf32> -> vector<128x128xf32>
    %add3A_914 = arith.addf %dot_general3A_911, %dot_general3A_913 : vector<128x128xf32>
    %swap3A_915 = arith.constant 5504 : index
    %swap3A_916 = arith.constant 0 : index
    %swap3A_917 = vector.load %arg2[%swap3A_915, %swap3A_916] : memref<8192x128xf32, #tpu.memory_space<vmem>>, vector<128x128xf32>
    tpu.vector_store %arg2[%swap3A_915, %swap3A_916], %add3A_914 {strides = array<i32>} : memref<8192x128xf32, #tpu.memory_space<vmem>>, vector<128x128xf32>,
    %get3A_918 = arith.constant 0 : index
    %get3A_919 = arith.constant 11264 : index
    %get3A_920 = vector.load %arg1[%get3A_918, %get3A_919] : memref<64x16384xf32, #tpu.memory_space<vmem>>, vector<64x128xf32>
    %get3A_921 = arith.constant 0 : index
    %get3A_922 = arith.constant 11392 : index
    %get3A_923 = vector.load %arg1[%get3A_921, %get3A_922] : memref<64x16384xf32, #tpu.memory_space<vmem>>, vector<64x128xf32>
    %concatenate3A_924 = tpu.concatenate %get3A_920, %get3A_923 in 0 : vector<64x128xf32>, vector<64x128xf32> -> vector<128x128xf32>
    %bitcast_convert_type3A_925 = tpu.bitcast %concatenate3A_924 : vector<128x128xf32> -> vector<128x128xi32>
    %and3A_926 = arith.constant -65536 : i32
    %and3A_927 = vector.broadcast %and3A_926 : i32 to vector<128x128xi32>
    %and3A_928 = arith.andi %bitcast_convert_type3A_925, %and3A_927 : vector<128x128xi32>
    %bitcast_convert_type3A_929 = tpu.bitcast %and3A_928 : vector<128x128xi32> -> vector<128x128xf32>
    %sub3A_930 = arith.subf %concatenate3A_924, %bitcast_convert_type3A_929 : vector<128x128xf32>
    %dot_general3A_931 = arith.constant dense<0.000000e+00> : vector<128x128xf32>
    %dot_general3A_932 = tpu.matmul %bitcast_convert_type3A_929, %convert_element_type3A_1, %dot_general3A_931 {dimension_numbers = #tpu.dot_dimension_numbers<[0], [0], [1], [1], [0, 1, 1, 1], [], []>, transpose_lhs_hint = false} : vector<128x128xf32>, vector<128x128xf32>, vector<128x128xf32> -> vector<128x128xf32>
    %dot_general3A_933 = arith.constant dense<0.000000e+00> : vector<128x128xf32>
    %dot_general3A_934 = tpu.matmul %sub3A_930, %convert_element_type3A_1, %dot_general3A_933 {dimension_numbers = #tpu.dot_dimension_numbers<[0], [0], [1], [1], [0, 1, 1, 1], [], []>, transpose_lhs_hint = false} : vector<128x128xf32>, vector<128x128xf32>, vector<128x128xf32> -> vector<128x128xf32>
    %add3A_935 = arith.addf %dot_general3A_932, %dot_general3A_934 : vector<128x128xf32>
    %swap3A_936 = arith.constant 5632 : index
    %swap3A_937 = arith.constant 0 : index
    %swap3A_938 = vector.load %arg2[%swap3A_936, %swap3A_937] : memref<8192x128xf32, #tpu.memory_space<vmem>>, vector<128x128xf32>
    tpu.vector_store %arg2[%swap3A_936, %swap3A_937], %add3A_935 {strides = array<i32>} : memref<8192x128xf32, #tpu.memory_space<vmem>>, vector<128x128xf32>,
    %get3A_939 = arith.constant 0 : index
    %get3A_940 = arith.constant 11520 : index
    %get3A_941 = vector.load %arg1[%get3A_939, %get3A_940] : memref<64x16384xf32, #tpu.memory_space<vmem>>, vector<64x128xf32>
    %get3A_942 = arith.constant 0 : index
    %get3A_943 = arith.constant 11648 : index
    %get3A_944 = vector.load %arg1[%get3A_942, %get3A_943] : memref<64x16384xf32, #tpu.memory_space<vmem>>, vector<64x128xf32>
    %concatenate3A_945 = tpu.concatenate %get3A_941, %get3A_944 in 0 : vector<64x128xf32>, vector<64x128xf32> -> vector<128x128xf32>
    %bitcast_convert_type3A_946 = tpu.bitcast %concatenate3A_945 : vector<128x128xf32> -> vector<128x128xi32>
    %and3A_947 = arith.constant -65536 : i32
    %and3A_948 = vector.broadcast %and3A_947 : i32 to vector<128x128xi32>
    %and3A_949 = arith.andi %bitcast_convert_type3A_946, %and3A_948 : vector<128x128xi32>
    %bitcast_convert_type3A_950 = tpu.bitcast %and3A_949 : vector<128x128xi32> -> vector<128x128xf32>
    %sub3A_951 = arith.subf %concatenate3A_945, %bitcast_convert_type3A_950 : vector<128x128xf32>
    %dot_general3A_952 = arith.constant dense<0.000000e+00> : vector<128x128xf32>
    %dot_general3A_953 = tpu.matmul %bitcast_convert_type3A_950, %convert_element_type3A_1, %dot_general3A_952 {dimension_numbers = #tpu.dot_dimension_numbers<[0], [0], [1], [1], [0, 1, 1, 1], [], []>, transpose_lhs_hint = false} : vector<128x128xf32>, vector<128x128xf32>, vector<128x128xf32> -> vector<128x128xf32>
    %dot_general3A_954 = arith.constant dense<0.000000e+00> : vector<128x128xf32>
    %dot_general3A_955 = tpu.matmul %sub3A_951, %convert_element_type3A_1, %dot_general3A_954 {dimension_numbers = #tpu.dot_dimension_numbers<[0], [0], [1], [1], [0, 1, 1, 1], [], []>, transpose_lhs_hint = false} : vector<128x128xf32>, vector<128x128xf32>, vector<128x128xf32> -> vector<128x128xf32>
    %add3A_956 = arith.addf %dot_general3A_953, %dot_general3A_955 : vector<128x128xf32>
    %swap3A_957 = arith.constant 5760 : index
    %swap3A_958 = arith.constant 0 : index
    %swap3A_959 = vector.load %arg2[%swap3A_957, %swap3A_958] : memref<8192x128xf32, #tpu.memory_space<vmem>>, vector<128x128xf32>
    tpu.vector_store %arg2[%swap3A_957, %swap3A_958], %add3A_956 {strides = array<i32>} : memref<8192x128xf32, #tpu.memory_space<vmem>>, vector<128x128xf32>,
    %get3A_960 = arith.constant 0 : index
    %get3A_961 = arith.constant 11776 : index
    %get3A_962 = vector.load %arg1[%get3A_960, %get3A_961] : memref<64x16384xf32, #tpu.memory_space<vmem>>, vector<64x128xf32>
    %get3A_963 = arith.constant 0 : index
    %get3A_964 = arith.constant 11904 : index
    %get3A_965 = vector.load %arg1[%get3A_963, %get3A_964] : memref<64x16384xf32, #tpu.memory_space<vmem>>, vector<64x128xf32>
    %concatenate3A_966 = tpu.concatenate %get3A_962, %get3A_965 in 0 : vector<64x128xf32>, vector<64x128xf32> -> vector<128x128xf32>
    %bitcast_convert_type3A_967 = tpu.bitcast %concatenate3A_966 : vector<128x128xf32> -> vector<128x128xi32>
    %and3A_968 = arith.constant -65536 : i32
    %and3A_969 = vector.broadcast %and3A_968 : i32 to vector<128x128xi32>
    %and3A_970 = arith.andi %bitcast_convert_type3A_967, %and3A_969 : vector<128x128xi32>
    %bitcast_convert_type3A_971 = tpu.bitcast %and3A_970 : vector<128x128xi32> -> vector<128x128xf32>
    %sub3A_972 = arith.subf %concatenate3A_966, %bitcast_convert_type3A_971 : vector<128x128xf32>
    %dot_general3A_973 = arith.constant dense<0.000000e+00> : vector<128x128xf32>
    %dot_general3A_974 = tpu.matmul %bitcast_convert_type3A_971, %convert_element_type3A_1, %dot_general3A_973 {dimension_numbers = #tpu.dot_dimension_numbers<[0], [0], [1], [1], [0, 1, 1, 1], [], []>, transpose_lhs_hint = false} : vector<128x128xf32>, vector<128x128xf32>, vector<128x128xf32> -> vector<128x128xf32>
    %dot_general3A_975 = arith.constant dense<0.000000e+00> : vector<128x128xf32>
    %dot_general3A_976 = tpu.matmul %sub3A_972, %convert_element_type3A_1, %dot_general3A_975 {dimension_numbers = #tpu.dot_dimension_numbers<[0], [0], [1], [1], [0, 1, 1, 1], [], []>, transpose_lhs_hint = false} : vector<128x128xf32>, vector<128x128xf32>, vector<128x128xf32> -> vector<128x128xf32>
    %add3A_977 = arith.addf %dot_general3A_974, %dot_general3A_976 : vector<128x128xf32>
    %swap3A_978 = arith.constant 5888 : index
    %swap3A_979 = arith.constant 0 : index
    %swap3A_980 = vector.load %arg2[%swap3A_978, %swap3A_979] : memref<8192x128xf32, #tpu.memory_space<vmem>>, vector<128x128xf32>
    tpu.vector_store %arg2[%swap3A_978, %swap3A_979], %add3A_977 {strides = array<i32>} : memref<8192x128xf32, #tpu.memory_space<vmem>>, vector<128x128xf32>,
    %get3A_981 = arith.constant 0 : index
    %get3A_982 = arith.constant 12032 : index
    %get3A_983 = vector.load %arg1[%get3A_981, %get3A_982] : memref<64x16384xf32, #tpu.memory_space<vmem>>, vector<64x128xf32>
    %get3A_984 = arith.constant 0 : index
    %get3A_985 = arith.constant 12160 : index
    %get3A_986 = vector.load %arg1[%get3A_984, %get3A_985] : memref<64x16384xf32, #tpu.memory_space<vmem>>, vector<64x128xf32>
    %concatenate3A_987 = tpu.concatenate %get3A_983, %get3A_986 in 0 : vector<64x128xf32>, vector<64x128xf32> -> vector<128x128xf32>
    %bitcast_convert_type3A_988 = tpu.bitcast %concatenate3A_987 : vector<128x128xf32> -> vector<128x128xi32>
    %and3A_989 = arith.constant -65536 : i32
    %and3A_990 = vector.broadcast %and3A_989 : i32 to vector<128x128xi32>
    %and3A_991 = arith.andi %bitcast_convert_type3A_988, %and3A_990 : vector<128x128xi32>
    %bitcast_convert_type3A_992 = tpu.bitcast %and3A_991 : vector<128x128xi32> -> vector<128x128xf32>
    %sub3A_993 = arith.subf %concatenate3A_987, %bitcast_convert_type3A_992 : vector<128x128xf32>
    %dot_general3A_994 = arith.constant dense<0.000000e+00> : vector<128x128xf32>
    %dot_general3A_995 = tpu.matmul %bitcast_convert_type3A_992, %convert_element_type3A_1, %dot_general3A_994 {dimension_numbers = #tpu.dot_dimension_numbers<[0], [0], [1], [1], [0, 1, 1, 1], [], []>, transpose_lhs_hint = false} : vector<128x128xf32>, vector<128x128xf32>, vector<128x128xf32> -> vector<128x128xf32>
    %dot_general3A_996 = arith.constant dense<0.000000e+00> : vector<128x128xf32>
    %dot_general3A_997 = tpu.matmul %sub3A_993, %convert_element_type3A_1, %dot_general3A_996 {dimension_numbers = #tpu.dot_dimension_numbers<[0], [0], [1], [1], [0, 1, 1, 1], [], []>, transpose_lhs_hint = false} : vector<128x128xf32>, vector<128x128xf32>, vector<128x128xf32> -> vector<128x128xf32>
    %add3A_998 = arith.addf %dot_general3A_995, %dot_general3A_997 : vector<128x128xf32>
    %swap3A_999 = arith.constant 6016 : index
    %swap3A_1000 = arith.constant 0 : index
    %swap3A_1001 = vector.load %arg2[%swap3A_999, %swap3A_1000] : memref<8192x128xf32, #tpu.memory_space<vmem>>, vector<128x128xf32>
    tpu.vector_store %arg2[%swap3A_999, %swap3A_1000], %add3A_998 {strides = array<i32>} : memref<8192x128xf32, #tpu.memory_space<vmem>>, vector<128x128xf32>,
    %get3A_1002 = arith.constant 0 : index
    %get3A_1003 = arith.constant 12288 : index
    %get3A_1004 = vector.load %arg1[%get3A_1002, %get3A_1003] : memref<64x16384xf32, #tpu.memory_space<vmem>>, vector<64x128xf32>
    %get3A_1005 = arith.constant 0 : index
    %get3A_1006 = arith.constant 12416 : index
    %get3A_1007 = vector.load %arg1[%get3A_1005, %get3A_1006] : memref<64x16384xf32, #tpu.memory_space<vmem>>, vector<64x128xf32>
    %concatenate3A_1008 = tpu.concatenate %get3A_1004, %get3A_1007 in 0 : vector<64x128xf32>, vector<64x128xf32> -> vector<128x128xf32>
    %bitcast_convert_type3A_1009 = tpu.bitcast %concatenate3A_1008 : vector<128x128xf32> -> vector<128x128xi32>
    %and3A_1010 = arith.constant -65536 : i32
    %and3A_1011 = vector.broadcast %and3A_1010 : i32 to vector<128x128xi32>
    %and3A_1012 = arith.andi %bitcast_convert_type3A_1009, %and3A_1011 : vector<128x128xi32>
    %bitcast_convert_type3A_1013 = tpu.bitcast %and3A_1012 : vector<128x128xi32> -> vector<128x128xf32>
    %sub3A_1014 = arith.subf %concatenate3A_1008, %bitcast_convert_type3A_1013 : vector<128x128xf32>
    %dot_general3A_1015 = arith.constant dense<0.000000e+00> : vector<128x128xf32>
    %dot_general3A_1016 = tpu.matmul %bitcast_convert_type3A_1013, %convert_element_type3A_1, %dot_general3A_1015 {dimension_numbers = #tpu.dot_dimension_numbers<[0], [0], [1], [1], [0, 1, 1, 1], [], []>, transpose_lhs_hint = false} : vector<128x128xf32>, vector<128x128xf32>, vector<128x128xf32> -> vector<128x128xf32>
    %dot_general3A_1017 = arith.constant dense<0.000000e+00> : vector<128x128xf32>
    %dot_general3A_1018 = tpu.matmul %sub3A_1014, %convert_element_type3A_1, %dot_general3A_1017 {dimension_numbers = #tpu.dot_dimension_numbers<[0], [0], [1], [1], [0, 1, 1, 1], [], []>, transpose_lhs_hint = false} : vector<128x128xf32>, vector<128x128xf32>, vector<128x128xf32> -> vector<128x128xf32>
    %add3A_1019 = arith.addf %dot_general3A_1016, %dot_general3A_1018 : vector<128x128xf32>
    %swap3A_1020 = arith.constant 6144 : index
    %swap3A_1021 = arith.constant 0 : index
    %swap3A_1022 = vector.load %arg2[%swap3A_1020, %swap3A_1021] : memref<8192x128xf32, #tpu.memory_space<vmem>>, vector<128x128xf32>
    tpu.vector_store %arg2[%swap3A_1020, %swap3A_1021], %add3A_1019 {strides = array<i32>} : memref<8192x128xf32, #tpu.memory_space<vmem>>, vector<128x128xf32>,
    %get3A_1023 = arith.constant 0 : index
    %get3A_1024 = arith.constant 12544 : index
    %get3A_1025 = vector.load %arg1[%get3A_1023, %get3A_1024] : memref<64x16384xf32, #tpu.memory_space<vmem>>, vector<64x128xf32>
    %get3A_1026 = arith.constant 0 : index
    %get3A_1027 = arith.constant 12672 : index
    %get3A_1028 = vector.load %arg1[%get3A_1026, %get3A_1027] : memref<64x16384xf32, #tpu.memory_space<vmem>>, vector<64x128xf32>
    %concatenate3A_1029 = tpu.concatenate %get3A_1025, %get3A_1028 in 0 : vector<64x128xf32>, vector<64x128xf32> -> vector<128x128xf32>
    %bitcast_convert_type3A_1030 = tpu.bitcast %concatenate3A_1029 : vector<128x128xf32> -> vector<128x128xi32>
    %and3A_1031 = arith.constant -65536 : i32
    %and3A_1032 = vector.broadcast %and3A_1031 : i32 to vector<128x128xi32>
    %and3A_1033 = arith.andi %bitcast_convert_type3A_1030, %and3A_1032 : vector<128x128xi32>
    %bitcast_convert_type3A_1034 = tpu.bitcast %and3A_1033 : vector<128x128xi32> -> vector<128x128xf32>
    %sub3A_1035 = arith.subf %concatenate3A_1029, %bitcast_convert_type3A_1034 : vector<128x128xf32>
    %dot_general3A_1036 = arith.constant dense<0.000000e+00> : vector<128x128xf32>
    %dot_general3A_1037 = tpu.matmul %bitcast_convert_type3A_1034, %convert_element_type3A_1, %dot_general3A_1036 {dimension_numbers = #tpu.dot_dimension_numbers<[0], [0], [1], [1], [0, 1, 1, 1], [], []>, transpose_lhs_hint = false} : vector<128x128xf32>, vector<128x128xf32>, vector<128x128xf32> -> vector<128x128xf32>
    %dot_general3A_1038 = arith.constant dense<0.000000e+00> : vector<128x128xf32>
    %dot_general3A_1039 = tpu.matmul %sub3A_1035, %convert_element_type3A_1, %dot_general3A_1038 {dimension_numbers = #tpu.dot_dimension_numbers<[0], [0], [1], [1], [0, 1, 1, 1], [], []>, transpose_lhs_hint = false} : vector<128x128xf32>, vector<128x128xf32>, vector<128x128xf32> -> vector<128x128xf32>
    %add3A_1040 = arith.addf %dot_general3A_1037, %dot_general3A_1039 : vector<128x128xf32>
    %swap3A_1041 = arith.constant 6272 : index
    %swap3A_1042 = arith.constant 0 : index
    %swap3A_1043 = vector.load %arg2[%swap3A_1041, %swap3A_1042] : memref<8192x128xf32, #tpu.memory_space<vmem>>, vector<128x128xf32>
    tpu.vector_store %arg2[%swap3A_1041, %swap3A_1042], %add3A_1040 {strides = array<i32>} : memref<8192x128xf32, #tpu.memory_space<vmem>>, vector<128x128xf32>,
    %get3A_1044 = arith.constant 0 : index
    %get3A_1045 = arith.constant 12800 : index
    %get3A_1046 = vector.load %arg1[%get3A_1044, %get3A_1045] : memref<64x16384xf32, #tpu.memory_space<vmem>>, vector<64x128xf32>
    %get3A_1047 = arith.constant 0 : index
    %get3A_1048 = arith.constant 12928 : index
    %get3A_1049 = vector.load %arg1[%get3A_1047, %get3A_1048] : memref<64x16384xf32, #tpu.memory_space<vmem>>, vector<64x128xf32>
    %concatenate3A_1050 = tpu.concatenate %get3A_1046, %get3A_1049 in 0 : vector<64x128xf32>, vector<64x128xf32> -> vector<128x128xf32>
    %bitcast_convert_type3A_1051 = tpu.bitcast %concatenate3A_1050 : vector<128x128xf32> -> vector<128x128xi32>
    %and3A_1052 = arith.constant -65536 : i32
    %and3A_1053 = vector.broadcast %and3A_1052 : i32 to vector<128x128xi32>
    %and3A_1054 = arith.andi %bitcast_convert_type3A_1051, %and3A_1053 : vector<128x128xi32>
    %bitcast_convert_type3A_1055 = tpu.bitcast %and3A_1054 : vector<128x128xi32> -> vector<128x128xf32>
    %sub3A_1056 = arith.subf %concatenate3A_1050, %bitcast_convert_type3A_1055 : vector<128x128xf32>
    %dot_general3A_1057 = arith.constant dense<0.000000e+00> : vector<128x128xf32>
    %dot_general3A_1058 = tpu.matmul %bitcast_convert_type3A_1055, %convert_element_type3A_1, %dot_general3A_1057 {dimension_numbers = #tpu.dot_dimension_numbers<[0], [0], [1], [1], [0, 1, 1, 1], [], []>, transpose_lhs_hint = false} : vector<128x128xf32>, vector<128x128xf32>, vector<128x128xf32> -> vector<128x128xf32>
    %dot_general3A_1059 = arith.constant dense<0.000000e+00> : vector<128x128xf32>
    %dot_general3A_1060 = tpu.matmul %sub3A_1056, %convert_element_type3A_1, %dot_general3A_1059 {dimension_numbers = #tpu.dot_dimension_numbers<[0], [0], [1], [1], [0, 1, 1, 1], [], []>, transpose_lhs_hint = false} : vector<128x128xf32>, vector<128x128xf32>, vector<128x128xf32> -> vector<128x128xf32>
    %add3A_1061 = arith.addf %dot_general3A_1058, %dot_general3A_1060 : vector<128x128xf32>
    %swap3A_1062 = arith.constant 6400 : index
    %swap3A_1063 = arith.constant 0 : index
    %swap3A_1064 = vector.load %arg2[%swap3A_1062, %swap3A_1063] : memref<8192x128xf32, #tpu.memory_space<vmem>>, vector<128x128xf32>
    tpu.vector_store %arg2[%swap3A_1062, %swap3A_1063], %add3A_1061 {strides = array<i32>} : memref<8192x128xf32, #tpu.memory_space<vmem>>, vector<128x128xf32>,
    %get3A_1065 = arith.constant 0 : index
    %get3A_1066 = arith.constant 13056 : index
    %get3A_1067 = vector.load %arg1[%get3A_1065, %get3A_1066] : memref<64x16384xf32, #tpu.memory_space<vmem>>, vector<64x128xf32>
    %get3A_1068 = arith.constant 0 : index
    %get3A_1069 = arith.constant 13184 : index
    %get3A_1070 = vector.load %arg1[%get3A_1068, %get3A_1069] : memref<64x16384xf32, #tpu.memory_space<vmem>>, vector<64x128xf32>
    %concatenate3A_1071 = tpu.concatenate %get3A_1067, %get3A_1070 in 0 : vector<64x128xf32>, vector<64x128xf32> -> vector<128x128xf32>
    %bitcast_convert_type3A_1072 = tpu.bitcast %concatenate3A_1071 : vector<128x128xf32> -> vector<128x128xi32>
    %and3A_1073 = arith.constant -65536 : i32
    %and3A_1074 = vector.broadcast %and3A_1073 : i32 to vector<128x128xi32>
    %and3A_1075 = arith.andi %bitcast_convert_type3A_1072, %and3A_1074 : vector<128x128xi32>
    %bitcast_convert_type3A_1076 = tpu.bitcast %and3A_1075 : vector<128x128xi32> -> vector<128x128xf32>
    %sub3A_1077 = arith.subf %concatenate3A_1071, %bitcast_convert_type3A_1076 : vector<128x128xf32>
    %dot_general3A_1078 = arith.constant dense<0.000000e+00> : vector<128x128xf32>
    %dot_general3A_1079 = tpu.matmul %bitcast_convert_type3A_1076, %convert_element_type3A_1, %dot_general3A_1078 {dimension_numbers = #tpu.dot_dimension_numbers<[0], [0], [1], [1], [0, 1, 1, 1], [], []>, transpose_lhs_hint = false} : vector<128x128xf32>, vector<128x128xf32>, vector<128x128xf32> -> vector<128x128xf32>
    %dot_general3A_1080 = arith.constant dense<0.000000e+00> : vector<128x128xf32>
    %dot_general3A_1081 = tpu.matmul %sub3A_1077, %convert_element_type3A_1, %dot_general3A_1080 {dimension_numbers = #tpu.dot_dimension_numbers<[0], [0], [1], [1], [0, 1, 1, 1], [], []>, transpose_lhs_hint = false} : vector<128x128xf32>, vector<128x128xf32>, vector<128x128xf32> -> vector<128x128xf32>
    %add3A_1082 = arith.addf %dot_general3A_1079, %dot_general3A_1081 : vector<128x128xf32>
    %swap3A_1083 = arith.constant 6528 : index
    %swap3A_1084 = arith.constant 0 : index
    %swap3A_1085 = vector.load %arg2[%swap3A_1083, %swap3A_1084] : memref<8192x128xf32, #tpu.memory_space<vmem>>, vector<128x128xf32>
    tpu.vector_store %arg2[%swap3A_1083, %swap3A_1084], %add3A_1082 {strides = array<i32>} : memref<8192x128xf32, #tpu.memory_space<vmem>>, vector<128x128xf32>,
    %get3A_1086 = arith.constant 0 : index
    %get3A_1087 = arith.constant 13312 : index
    %get3A_1088 = vector.load %arg1[%get3A_1086, %get3A_1087] : memref<64x16384xf32, #tpu.memory_space<vmem>>, vector<64x128xf32>
    %get3A_1089 = arith.constant 0 : index
    %get3A_1090 = arith.constant 13440 : index
    %get3A_1091 = vector.load %arg1[%get3A_1089, %get3A_1090] : memref<64x16384xf32, #tpu.memory_space<vmem>>, vector<64x128xf32>
    %concatenate3A_1092 = tpu.concatenate %get3A_1088, %get3A_1091 in 0 : vector<64x128xf32>, vector<64x128xf32> -> vector<128x128xf32>
    %bitcast_convert_type3A_1093 = tpu.bitcast %concatenate3A_1092 : vector<128x128xf32> -> vector<128x128xi32>
    %and3A_1094 = arith.constant -65536 : i32
    %and3A_1095 = vector.broadcast %and3A_1094 : i32 to vector<128x128xi32>
    %and3A_1096 = arith.andi %bitcast_convert_type3A_1093, %and3A_1095 : vector<128x128xi32>
    %bitcast_convert_type3A_1097 = tpu.bitcast %and3A_1096 : vector<128x128xi32> -> vector<128x128xf32>
    %sub3A_1098 = arith.subf %concatenate3A_1092, %bitcast_convert_type3A_1097 : vector<128x128xf32>
    %dot_general3A_1099 = arith.constant dense<0.000000e+00> : vector<128x128xf32>
    %dot_general3A_1100 = tpu.matmul %bitcast_convert_type3A_1097, %convert_element_type3A_1, %dot_general3A_1099 {dimension_numbers = #tpu.dot_dimension_numbers<[0], [0], [1], [1], [0, 1, 1, 1], [], []>, transpose_lhs_hint = false} : vector<128x128xf32>, vector<128x128xf32>, vector<128x128xf32> -> vector<128x128xf32>
    %dot_general3A_1101 = arith.constant dense<0.000000e+00> : vector<128x128xf32>
    %dot_general3A_1102 = tpu.matmul %sub3A_1098, %convert_element_type3A_1, %dot_general3A_1101 {dimension_numbers = #tpu.dot_dimension_numbers<[0], [0], [1], [1], [0, 1, 1, 1], [], []>, transpose_lhs_hint = false} : vector<128x128xf32>, vector<128x128xf32>, vector<128x128xf32> -> vector<128x128xf32>
    %add3A_1103 = arith.addf %dot_general3A_1100, %dot_general3A_1102 : vector<128x128xf32>
    %swap3A_1104 = arith.constant 6656 : index
    %swap3A_1105 = arith.constant 0 : index
    %swap3A_1106 = vector.load %arg2[%swap3A_1104, %swap3A_1105] : memref<8192x128xf32, #tpu.memory_space<vmem>>, vector<128x128xf32>
    tpu.vector_store %arg2[%swap3A_1104, %swap3A_1105], %add3A_1103 {strides = array<i32>} : memref<8192x128xf32, #tpu.memory_space<vmem>>, vector<128x128xf32>,
    %get3A_1107 = arith.constant 0 : index
    %get3A_1108 = arith.constant 13568 : index
    %get3A_1109 = vector.load %arg1[%get3A_1107, %get3A_1108] : memref<64x16384xf32, #tpu.memory_space<vmem>>, vector<64x128xf32>
    %get3A_1110 = arith.constant 0 : index
    %get3A_1111 = arith.constant 13696 : index
    %get3A_1112 = vector.load %arg1[%get3A_1110, %get3A_1111] : memref<64x16384xf32, #tpu.memory_space<vmem>>, vector<64x128xf32>
    %concatenate3A_1113 = tpu.concatenate %get3A_1109, %get3A_1112 in 0 : vector<64x128xf32>, vector<64x128xf32> -> vector<128x128xf32>
    %bitcast_convert_type3A_1114 = tpu.bitcast %concatenate3A_1113 : vector<128x128xf32> -> vector<128x128xi32>
    %and3A_1115 = arith.constant -65536 : i32
    %and3A_1116 = vector.broadcast %and3A_1115 : i32 to vector<128x128xi32>
    %and3A_1117 = arith.andi %bitcast_convert_type3A_1114, %and3A_1116 : vector<128x128xi32>
    %bitcast_convert_type3A_1118 = tpu.bitcast %and3A_1117 : vector<128x128xi32> -> vector<128x128xf32>
    %sub3A_1119 = arith.subf %concatenate3A_1113, %bitcast_convert_type3A_1118 : vector<128x128xf32>
    %dot_general3A_1120 = arith.constant dense<0.000000e+00> : vector<128x128xf32>
    %dot_general3A_1121 = tpu.matmul %bitcast_convert_type3A_1118, %convert_element_type3A_1, %dot_general3A_1120 {dimension_numbers = #tpu.dot_dimension_numbers<[0], [0], [1], [1], [0, 1, 1, 1], [], []>, transpose_lhs_hint = false} : vector<128x128xf32>, vector<128x128xf32>, vector<128x128xf32> -> vector<128x128xf32>
    %dot_general3A_1122 = arith.constant dense<0.000000e+00> : vector<128x128xf32>
    %dot_general3A_1123 = tpu.matmul %sub3A_1119, %convert_element_type3A_1, %dot_general3A_1122 {dimension_numbers = #tpu.dot_dimension_numbers<[0], [0], [1], [1], [0, 1, 1, 1], [], []>, transpose_lhs_hint = false} : vector<128x128xf32>, vector<128x128xf32>, vector<128x128xf32> -> vector<128x128xf32>
    %add3A_1124 = arith.addf %dot_general3A_1121, %dot_general3A_1123 : vector<128x128xf32>
    %swap3A_1125 = arith.constant 6784 : index
    %swap3A_1126 = arith.constant 0 : index
    %swap3A_1127 = vector.load %arg2[%swap3A_1125, %swap3A_1126] : memref<8192x128xf32, #tpu.memory_space<vmem>>, vector<128x128xf32>
    tpu.vector_store %arg2[%swap3A_1125, %swap3A_1126], %add3A_1124 {strides = array<i32>} : memref<8192x128xf32, #tpu.memory_space<vmem>>, vector<128x128xf32>,
    %get3A_1128 = arith.constant 0 : index
    %get3A_1129 = arith.constant 13824 : index
    %get3A_1130 = vector.load %arg1[%get3A_1128, %get3A_1129] : memref<64x16384xf32, #tpu.memory_space<vmem>>, vector<64x128xf32>
    %get3A_1131 = arith.constant 0 : index
    %get3A_1132 = arith.constant 13952 : index
    %get3A_1133 = vector.load %arg1[%get3A_1131, %get3A_1132] : memref<64x16384xf32, #tpu.memory_space<vmem>>, vector<64x128xf32>
    %concatenate3A_1134 = tpu.concatenate %get3A_1130, %get3A_1133 in 0 : vector<64x128xf32>, vector<64x128xf32> -> vector<128x128xf32>
    %bitcast_convert_type3A_1135 = tpu.bitcast %concatenate3A_1134 : vector<128x128xf32> -> vector<128x128xi32>
    %and3A_1136 = arith.constant -65536 : i32
    %and3A_1137 = vector.broadcast %and3A_1136 : i32 to vector<128x128xi32>
    %and3A_1138 = arith.andi %bitcast_convert_type3A_1135, %and3A_1137 : vector<128x128xi32>
    %bitcast_convert_type3A_1139 = tpu.bitcast %and3A_1138 : vector<128x128xi32> -> vector<128x128xf32>
    %sub3A_1140 = arith.subf %concatenate3A_1134, %bitcast_convert_type3A_1139 : vector<128x128xf32>
    %dot_general3A_1141 = arith.constant dense<0.000000e+00> : vector<128x128xf32>
    %dot_general3A_1142 = tpu.matmul %bitcast_convert_type3A_1139, %convert_element_type3A_1, %dot_general3A_1141 {dimension_numbers = #tpu.dot_dimension_numbers<[0], [0], [1], [1], [0, 1, 1, 1], [], []>, transpose_lhs_hint = false} : vector<128x128xf32>, vector<128x128xf32>, vector<128x128xf32> -> vector<128x128xf32>
    %dot_general3A_1143 = arith.constant dense<0.000000e+00> : vector<128x128xf32>
    %dot_general3A_1144 = tpu.matmul %sub3A_1140, %convert_element_type3A_1, %dot_general3A_1143 {dimension_numbers = #tpu.dot_dimension_numbers<[0], [0], [1], [1], [0, 1, 1, 1], [], []>, transpose_lhs_hint = false} : vector<128x128xf32>, vector<128x128xf32>, vector<128x128xf32> -> vector<128x128xf32>
    %add3A_1145 = arith.addf %dot_general3A_1142, %dot_general3A_1144 : vector<128x128xf32>
    %swap3A_1146 = arith.constant 6912 : index
    %swap3A_1147 = arith.constant 0 : index
    %swap3A_1148 = vector.load %arg2[%swap3A_1146, %swap3A_1147] : memref<8192x128xf32, #tpu.memory_space<vmem>>, vector<128x128xf32>
    tpu.vector_store %arg2[%swap3A_1146, %swap3A_1147], %add3A_1145 {strides = array<i32>} : memref<8192x128xf32, #tpu.memory_space<vmem>>, vector<128x128xf32>,
    %get3A_1149 = arith.constant 0 : index
    %get3A_1150 = arith.constant 14080 : index
    %get3A_1151 = vector.load %arg1[%get3A_1149, %get3A_1150] : memref<64x16384xf32, #tpu.memory_space<vmem>>, vector<64x128xf32>
    %get3A_1152 = arith.constant 0 : index
    %get3A_1153 = arith.constant 14208 : index
    %get3A_1154 = vector.load %arg1[%get3A_1152, %get3A_1153] : memref<64x16384xf32, #tpu.memory_space<vmem>>, vector<64x128xf32>
    %concatenate3A_1155 = tpu.concatenate %get3A_1151, %get3A_1154 in 0 : vector<64x128xf32>, vector<64x128xf32> -> vector<128x128xf32>
    %bitcast_convert_type3A_1156 = tpu.bitcast %concatenate3A_1155 : vector<128x128xf32> -> vector<128x128xi32>
    %and3A_1157 = arith.constant -65536 : i32
    %and3A_1158 = vector.broadcast %and3A_1157 : i32 to vector<128x128xi32>
    %and3A_1159 = arith.andi %bitcast_convert_type3A_1156, %and3A_1158 : vector<128x128xi32>
    %bitcast_convert_type3A_1160 = tpu.bitcast %and3A_1159 : vector<128x128xi32> -> vector<128x128xf32>
    %sub3A_1161 = arith.subf %concatenate3A_1155, %bitcast_convert_type3A_1160 : vector<128x128xf32>
    %dot_general3A_1162 = arith.constant dense<0.000000e+00> : vector<128x128xf32>
    %dot_general3A_1163 = tpu.matmul %bitcast_convert_type3A_1160, %convert_element_type3A_1, %dot_general3A_1162 {dimension_numbers = #tpu.dot_dimension_numbers<[0], [0], [1], [1], [0, 1, 1, 1], [], []>, transpose_lhs_hint = false} : vector<128x128xf32>, vector<128x128xf32>, vector<128x128xf32> -> vector<128x128xf32>
    %dot_general3A_1164 = arith.constant dense<0.000000e+00> : vector<128x128xf32>
    %dot_general3A_1165 = tpu.matmul %sub3A_1161, %convert_element_type3A_1, %dot_general3A_1164 {dimension_numbers = #tpu.dot_dimension_numbers<[0], [0], [1], [1], [0, 1, 1, 1], [], []>, transpose_lhs_hint = false} : vector<128x128xf32>, vector<128x128xf32>, vector<128x128xf32> -> vector<128x128xf32>
    %add3A_1166 = arith.addf %dot_general3A_1163, %dot_general3A_1165 : vector<128x128xf32>
    %swap3A_1167 = arith.constant 7040 : index
    %swap3A_1168 = arith.constant 0 : index
    %swap3A_1169 = vector.load %arg2[%swap3A_1167, %swap3A_1168] : memref<8192x128xf32, #tpu.memory_space<vmem>>, vector<128x128xf32>
    tpu.vector_store %arg2[%swap3A_1167, %swap3A_1168], %add3A_1166 {strides = array<i32>} : memref<8192x128xf32, #tpu.memory_space<vmem>>, vector<128x128xf32>,
    %get3A_1170 = arith.constant 0 : index
    %get3A_1171 = arith.constant 14336 : index
    %get3A_1172 = vector.load %arg1[%get3A_1170, %get3A_1171] : memref<64x16384xf32, #tpu.memory_space<vmem>>, vector<64x128xf32>
    %get3A_1173 = arith.constant 0 : index
    %get3A_1174 = arith.constant 14464 : index
    %get3A_1175 = vector.load %arg1[%get3A_1173, %get3A_1174] : memref<64x16384xf32, #tpu.memory_space<vmem>>, vector<64x128xf32>
    %concatenate3A_1176 = tpu.concatenate %get3A_1172, %get3A_1175 in 0 : vector<64x128xf32>, vector<64x128xf32> -> vector<128x128xf32>
    %bitcast_convert_type3A_1177 = tpu.bitcast %concatenate3A_1176 : vector<128x128xf32> -> vector<128x128xi32>
    %and3A_1178 = arith.constant -65536 : i32
    %and3A_1179 = vector.broadcast %and3A_1178 : i32 to vector<128x128xi32>
    %and3A_1180 = arith.andi %bitcast_convert_type3A_1177, %and3A_1179 : vector<128x128xi32>
    %bitcast_convert_type3A_1181 = tpu.bitcast %and3A_1180 : vector<128x128xi32> -> vector<128x128xf32>
    %sub3A_1182 = arith.subf %concatenate3A_1176, %bitcast_convert_type3A_1181 : vector<128x128xf32>
    %dot_general3A_1183 = arith.constant dense<0.000000e+00> : vector<128x128xf32>
    %dot_general3A_1184 = tpu.matmul %bitcast_convert_type3A_1181, %convert_element_type3A_1, %dot_general3A_1183 {dimension_numbers = #tpu.dot_dimension_numbers<[0], [0], [1], [1], [0, 1, 1, 1], [], []>, transpose_lhs_hint = false} : vector<128x128xf32>, vector<128x128xf32>, vector<128x128xf32> -> vector<128x128xf32>
    %dot_general3A_1185 = arith.constant dense<0.000000e+00> : vector<128x128xf32>
    %dot_general3A_1186 = tpu.matmul %sub3A_1182, %convert_element_type3A_1, %dot_general3A_1185 {dimension_numbers = #tpu.dot_dimension_numbers<[0], [0], [1], [1], [0, 1, 1, 1], [], []>, transpose_lhs_hint = false} : vector<128x128xf32>, vector<128x128xf32>, vector<128x128xf32> -> vector<128x128xf32>
    %add3A_1187 = arith.addf %dot_general3A_1184, %dot_general3A_1186 : vector<128x128xf32>
    %swap3A_1188 = arith.constant 7168 : index
    %swap3A_1189 = arith.constant 0 : index
    %swap3A_1190 = vector.load %arg2[%swap3A_1188, %swap3A_1189] : memref<8192x128xf32, #tpu.memory_space<vmem>>, vector<128x128xf32>
    tpu.vector_store %arg2[%swap3A_1188, %swap3A_1189], %add3A_1187 {strides = array<i32>} : memref<8192x128xf32, #tpu.memory_space<vmem>>, vector<128x128xf32>,
    %get3A_1191 = arith.constant 0 : index
    %get3A_1192 = arith.constant 14592 : index
    %get3A_1193 = vector.load %arg1[%get3A_1191, %get3A_1192] : memref<64x16384xf32, #tpu.memory_space<vmem>>, vector<64x128xf32>
    %get3A_1194 = arith.constant 0 : index
    %get3A_1195 = arith.constant 14720 : index
    %get3A_1196 = vector.load %arg1[%get3A_1194, %get3A_1195] : memref<64x16384xf32, #tpu.memory_space<vmem>>, vector<64x128xf32>
    %concatenate3A_1197 = tpu.concatenate %get3A_1193, %get3A_1196 in 0 : vector<64x128xf32>, vector<64x128xf32> -> vector<128x128xf32>
    %bitcast_convert_type3A_1198 = tpu.bitcast %concatenate3A_1197 : vector<128x128xf32> -> vector<128x128xi32>
    %and3A_1199 = arith.constant -65536 : i32
    %and3A_1200 = vector.broadcast %and3A_1199 : i32 to vector<128x128xi32>
    %and3A_1201 = arith.andi %bitcast_convert_type3A_1198, %and3A_1200 : vector<128x128xi32>
    %bitcast_convert_type3A_1202 = tpu.bitcast %and3A_1201 : vector<128x128xi32> -> vector<128x128xf32>
    %sub3A_1203 = arith.subf %concatenate3A_1197, %bitcast_convert_type3A_1202 : vector<128x128xf32>
    %dot_general3A_1204 = arith.constant dense<0.000000e+00> : vector<128x128xf32>
    %dot_general3A_1205 = tpu.matmul %bitcast_convert_type3A_1202, %convert_element_type3A_1, %dot_general3A_1204 {dimension_numbers = #tpu.dot_dimension_numbers<[0], [0], [1], [1], [0, 1, 1, 1], [], []>, transpose_lhs_hint = false} : vector<128x128xf32>, vector<128x128xf32>, vector<128x128xf32> -> vector<128x128xf32>
    %dot_general3A_1206 = arith.constant dense<0.000000e+00> : vector<128x128xf32>
    %dot_general3A_1207 = tpu.matmul %sub3A_1203, %convert_element_type3A_1, %dot_general3A_1206 {dimension_numbers = #tpu.dot_dimension_numbers<[0], [0], [1], [1], [0, 1, 1, 1], [], []>, transpose_lhs_hint = false} : vector<128x128xf32>, vector<128x128xf32>, vector<128x128xf32> -> vector<128x128xf32>
    %add3A_1208 = arith.addf %dot_general3A_1205, %dot_general3A_1207 : vector<128x128xf32>
    %swap3A_1209 = arith.constant 7296 : index
    %swap3A_1210 = arith.constant 0 : index
    %swap3A_1211 = vector.load %arg2[%swap3A_1209, %swap3A_1210] : memref<8192x128xf32, #tpu.memory_space<vmem>>, vector<128x128xf32>
    tpu.vector_store %arg2[%swap3A_1209, %swap3A_1210], %add3A_1208 {strides = array<i32>} : memref<8192x128xf32, #tpu.memory_space<vmem>>, vector<128x128xf32>,
    %get3A_1212 = arith.constant 0 : index
    %get3A_1213 = arith.constant 14848 : index
    %get3A_1214 = vector.load %arg1[%get3A_1212, %get3A_1213] : memref<64x16384xf32, #tpu.memory_space<vmem>>, vector<64x128xf32>
    %get3A_1215 = arith.constant 0 : index
    %get3A_1216 = arith.constant 14976 : index
    %get3A_1217 = vector.load %arg1[%get3A_1215, %get3A_1216] : memref<64x16384xf32, #tpu.memory_space<vmem>>, vector<64x128xf32>
    %concatenate3A_1218 = tpu.concatenate %get3A_1214, %get3A_1217 in 0 : vector<64x128xf32>, vector<64x128xf32> -> vector<128x128xf32>
    %bitcast_convert_type3A_1219 = tpu.bitcast %concatenate3A_1218 : vector<128x128xf32> -> vector<128x128xi32>
    %and3A_1220 = arith.constant -65536 : i32
    %and3A_1221 = vector.broadcast %and3A_1220 : i32 to vector<128x128xi32>
    %and3A_1222 = arith.andi %bitcast_convert_type3A_1219, %and3A_1221 : vector<128x128xi32>
    %bitcast_convert_type3A_1223 = tpu.bitcast %and3A_1222 : vector<128x128xi32> -> vector<128x128xf32>
    %sub3A_1224 = arith.subf %concatenate3A_1218, %bitcast_convert_type3A_1223 : vector<128x128xf32>
    %dot_general3A_1225 = arith.constant dense<0.000000e+00> : vector<128x128xf32>
    %dot_general3A_1226 = tpu.matmul %bitcast_convert_type3A_1223, %convert_element_type3A_1, %dot_general3A_1225 {dimension_numbers = #tpu.dot_dimension_numbers<[0], [0], [1], [1], [0, 1, 1, 1], [], []>, transpose_lhs_hint = false} : vector<128x128xf32>, vector<128x128xf32>, vector<128x128xf32> -> vector<128x128xf32>
    %dot_general3A_1227 = arith.constant dense<0.000000e+00> : vector<128x128xf32>
    %dot_general3A_1228 = tpu.matmul %sub3A_1224, %convert_element_type3A_1, %dot_general3A_1227 {dimension_numbers = #tpu.dot_dimension_numbers<[0], [0], [1], [1], [0, 1, 1, 1], [], []>, transpose_lhs_hint = false} : vector<128x128xf32>, vector<128x128xf32>, vector<128x128xf32> -> vector<128x128xf32>
    %add3A_1229 = arith.addf %dot_general3A_1226, %dot_general3A_1228 : vector<128x128xf32>
    %swap3A_1230 = arith.constant 7424 : index
    %swap3A_1231 = arith.constant 0 : index
    %swap3A_1232 = vector.load %arg2[%swap3A_1230, %swap3A_1231] : memref<8192x128xf32, #tpu.memory_space<vmem>>, vector<128x128xf32>
    tpu.vector_store %arg2[%swap3A_1230, %swap3A_1231], %add3A_1229 {strides = array<i32>} : memref<8192x128xf32, #tpu.memory_space<vmem>>, vector<128x128xf32>,
    %get3A_1233 = arith.constant 0 : index
    %get3A_1234 = arith.constant 15104 : index
    %get3A_1235 = vector.load %arg1[%get3A_1233, %get3A_1234] : memref<64x16384xf32, #tpu.memory_space<vmem>>, vector<64x128xf32>
    %get3A_1236 = arith.constant 0 : index
    %get3A_1237 = arith.constant 15232 : index
    %get3A_1238 = vector.load %arg1[%get3A_1236, %get3A_1237] : memref<64x16384xf32, #tpu.memory_space<vmem>>, vector<64x128xf32>
    %concatenate3A_1239 = tpu.concatenate %get3A_1235, %get3A_1238 in 0 : vector<64x128xf32>, vector<64x128xf32> -> vector<128x128xf32>
    %bitcast_convert_type3A_1240 = tpu.bitcast %concatenate3A_1239 : vector<128x128xf32> -> vector<128x128xi32>
    %and3A_1241 = arith.constant -65536 : i32
    %and3A_1242 = vector.broadcast %and3A_1241 : i32 to vector<128x128xi32>
    %and3A_1243 = arith.andi %bitcast_convert_type3A_1240, %and3A_1242 : vector<128x128xi32>
    %bitcast_convert_type3A_1244 = tpu.bitcast %and3A_1243 : vector<128x128xi32> -> vector<128x128xf32>
    %sub3A_1245 = arith.subf %concatenate3A_1239, %bitcast_convert_type3A_1244 : vector<128x128xf32>
    %dot_general3A_1246 = arith.constant dense<0.000000e+00> : vector<128x128xf32>
    %dot_general3A_1247 = tpu.matmul %bitcast_convert_type3A_1244, %convert_element_type3A_1, %dot_general3A_1246 {dimension_numbers = #tpu.dot_dimension_numbers<[0], [0], [1], [1], [0, 1, 1, 1], [], []>, transpose_lhs_hint = false} : vector<128x128xf32>, vector<128x128xf32>, vector<128x128xf32> -> vector<128x128xf32>
    %dot_general3A_1248 = arith.constant dense<0.000000e+00> : vector<128x128xf32>
    %dot_general3A_1249 = tpu.matmul %sub3A_1245, %convert_element_type3A_1, %dot_general3A_1248 {dimension_numbers = #tpu.dot_dimension_numbers<[0], [0], [1], [1], [0, 1, 1, 1], [], []>, transpose_lhs_hint = false} : vector<128x128xf32>, vector<128x128xf32>, vector<128x128xf32> -> vector<128x128xf32>
    %add3A_1250 = arith.addf %dot_general3A_1247, %dot_general3A_1249 : vector<128x128xf32>
    %swap3A_1251 = arith.constant 7552 : index
    %swap3A_1252 = arith.constant 0 : index
    %swap3A_1253 = vector.load %arg2[%swap3A_1251, %swap3A_1252] : memref<8192x128xf32, #tpu.memory_space<vmem>>, vector<128x128xf32>
    tpu.vector_store %arg2[%swap3A_1251, %swap3A_1252], %add3A_1250 {strides = array<i32>} : memref<8192x128xf32, #tpu.memory_space<vmem>>, vector<128x128xf32>,
    %get3A_1254 = arith.constant 0 : index
    %get3A_1255 = arith.constant 15360 : index
    %get3A_1256 = vector.load %arg1[%get3A_1254, %get3A_1255] : memref<64x16384xf32, #tpu.memory_space<vmem>>, vector<64x128xf32>
    %get3A_1257 = arith.constant 0 : index
    %get3A_1258 = arith.constant 15488 : index
    %get3A_1259 = vector.load %arg1[%get3A_1257, %get3A_1258] : memref<64x16384xf32, #tpu.memory_space<vmem>>, vector<64x128xf32>
    %concatenate3A_1260 = tpu.concatenate %get3A_1256, %get3A_1259 in 0 : vector<64x128xf32>, vector<64x128xf32> -> vector<128x128xf32>
    %bitcast_convert_type3A_1261 = tpu.bitcast %concatenate3A_1260 : vector<128x128xf32> -> vector<128x128xi32>
    %and3A_1262 = arith.constant -65536 : i32
    %and3A_1263 = vector.broadcast %and3A_1262 : i32 to vector<128x128xi32>
    %and3A_1264 = arith.andi %bitcast_convert_type3A_1261, %and3A_1263 : vector<128x128xi32>
    %bitcast_convert_type3A_1265 = tpu.bitcast %and3A_1264 : vector<128x128xi32> -> vector<128x128xf32>
    %sub3A_1266 = arith.subf %concatenate3A_1260, %bitcast_convert_type3A_1265 : vector<128x128xf32>
    %dot_general3A_1267 = arith.constant dense<0.000000e+00> : vector<128x128xf32>
    %dot_general3A_1268 = tpu.matmul %bitcast_convert_type3A_1265, %convert_element_type3A_1, %dot_general3A_1267 {dimension_numbers = #tpu.dot_dimension_numbers<[0], [0], [1], [1], [0, 1, 1, 1], [], []>, transpose_lhs_hint = false} : vector<128x128xf32>, vector<128x128xf32>, vector<128x128xf32> -> vector<128x128xf32>
    %dot_general3A_1269 = arith.constant dense<0.000000e+00> : vector<128x128xf32>
    %dot_general3A_1270 = tpu.matmul %sub3A_1266, %convert_element_type3A_1, %dot_general3A_1269 {dimension_numbers = #tpu.dot_dimension_numbers<[0], [0], [1], [1], [0, 1, 1, 1], [], []>, transpose_lhs_hint = false} : vector<128x128xf32>, vector<128x128xf32>, vector<128x128xf32> -> vector<128x128xf32>
    %add3A_1271 = arith.addf %dot_general3A_1268, %dot_general3A_1270 : vector<128x128xf32>
    %swap3A_1272 = arith.constant 7680 : index
    %swap3A_1273 = arith.constant 0 : index
    %swap3A_1274 = vector.load %arg2[%swap3A_1272, %swap3A_1273] : memref<8192x128xf32, #tpu.memory_space<vmem>>, vector<128x128xf32>
    tpu.vector_store %arg2[%swap3A_1272, %swap3A_1273], %add3A_1271 {strides = array<i32>} : memref<8192x128xf32, #tpu.memory_space<vmem>>, vector<128x128xf32>,
    %get3A_1275 = arith.constant 0 : index
    %get3A_1276 = arith.constant 15616 : index
    %get3A_1277 = vector.load %arg1[%get3A_1275, %get3A_1276] : memref<64x16384xf32, #tpu.memory_space<vmem>>, vector<64x128xf32>
    %get3A_1278 = arith.constant 0 : index
    %get3A_1279 = arith.constant 15744 : index
    %get3A_1280 = vector.load %arg1[%get3A_1278, %get3A_1279] : memref<64x16384xf32, #tpu.memory_space<vmem>>, vector<64x128xf32>
    %concatenate3A_1281 = tpu.concatenate %get3A_1277, %get3A_1280 in 0 : vector<64x128xf32>, vector<64x128xf32> -> vector<128x128xf32>
    %bitcast_convert_type3A_1282 = tpu.bitcast %concatenate3A_1281 : vector<128x128xf32> -> vector<128x128xi32>
    %and3A_1283 = arith.constant -65536 : i32
    %and3A_1284 = vector.broadcast %and3A_1283 : i32 to vector<128x128xi32>
    %and3A_1285 = arith.andi %bitcast_convert_type3A_1282, %and3A_1284 : vector<128x128xi32>
    %bitcast_convert_type3A_1286 = tpu.bitcast %and3A_1285 : vector<128x128xi32> -> vector<128x128xf32>
    %sub3A_1287 = arith.subf %concatenate3A_1281, %bitcast_convert_type3A_1286 : vector<128x128xf32>
    %dot_general3A_1288 = arith.constant dense<0.000000e+00> : vector<128x128xf32>
    %dot_general3A_1289 = tpu.matmul %bitcast_convert_type3A_1286, %convert_element_type3A_1, %dot_general3A_1288 {dimension_numbers = #tpu.dot_dimension_numbers<[0], [0], [1], [1], [0, 1, 1, 1], [], []>, transpose_lhs_hint = false} : vector<128x128xf32>, vector<128x128xf32>, vector<128x128xf32> -> vector<128x128xf32>
    %dot_general3A_1290 = arith.constant dense<0.000000e+00> : vector<128x128xf32>
    %dot_general3A_1291 = tpu.matmul %sub3A_1287, %convert_element_type3A_1, %dot_general3A_1290 {dimension_numbers = #tpu.dot_dimension_numbers<[0], [0], [1], [1], [0, 1, 1, 1], [], []>, transpose_lhs_hint = false} : vector<128x128xf32>, vector<128x128xf32>, vector<128x128xf32> -> vector<128x128xf32>
    %add3A_1292 = arith.addf %dot_general3A_1289, %dot_general3A_1291 : vector<128x128xf32>
    %swap3A_1293 = arith.constant 7808 : index
    %swap3A_1294 = arith.constant 0 : index
    %swap3A_1295 = vector.load %arg2[%swap3A_1293, %swap3A_1294] : memref<8192x128xf32, #tpu.memory_space<vmem>>, vector<128x128xf32>
    tpu.vector_store %arg2[%swap3A_1293, %swap3A_1294], %add3A_1292 {strides = array<i32>} : memref<8192x128xf32, #tpu.memory_space<vmem>>, vector<128x128xf32>,
    %get3A_1296 = arith.constant 0 : index
    %get3A_1297 = arith.constant 15872 : index
    %get3A_1298 = vector.load %arg1[%get3A_1296, %get3A_1297] : memref<64x16384xf32, #tpu.memory_space<vmem>>, vector<64x128xf32>
    %get3A_1299 = arith.constant 0 : index
    %get3A_1300 = arith.constant 16000 : index
    %get3A_1301 = vector.load %arg1[%get3A_1299, %get3A_1300] : memref<64x16384xf32, #tpu.memory_space<vmem>>, vector<64x128xf32>
    %concatenate3A_1302 = tpu.concatenate %get3A_1298, %get3A_1301 in 0 : vector<64x128xf32>, vector<64x128xf32> -> vector<128x128xf32>
    %bitcast_convert_type3A_1303 = tpu.bitcast %concatenate3A_1302 : vector<128x128xf32> -> vector<128x128xi32>
    %and3A_1304 = arith.constant -65536 : i32
    %and3A_1305 = vector.broadcast %and3A_1304 : i32 to vector<128x128xi32>
    %and3A_1306 = arith.andi %bitcast_convert_type3A_1303, %and3A_1305 : vector<128x128xi32>
    %bitcast_convert_type3A_1307 = tpu.bitcast %and3A_1306 : vector<128x128xi32> -> vector<128x128xf32>
    %sub3A_1308 = arith.subf %concatenate3A_1302, %bitcast_convert_type3A_1307 : vector<128x128xf32>
    %dot_general3A_1309 = arith.constant dense<0.000000e+00> : vector<128x128xf32>
    %dot_general3A_1310 = tpu.matmul %bitcast_convert_type3A_1307, %convert_element_type3A_1, %dot_general3A_1309 {dimension_numbers = #tpu.dot_dimension_numbers<[0], [0], [1], [1], [0, 1, 1, 1], [], []>, transpose_lhs_hint = false} : vector<128x128xf32>, vector<128x128xf32>, vector<128x128xf32> -> vector<128x128xf32>
    %dot_general3A_1311 = arith.constant dense<0.000000e+00> : vector<128x128xf32>
    %dot_general3A_1312 = tpu.matmul %sub3A_1308, %convert_element_type3A_1, %dot_general3A_1311 {dimension_numbers = #tpu.dot_dimension_numbers<[0], [0], [1], [1], [0, 1, 1, 1], [], []>, transpose_lhs_hint = false} : vector<128x128xf32>, vector<128x128xf32>, vector<128x128xf32> -> vector<128x128xf32>
    %add3A_1313 = arith.addf %dot_general3A_1310, %dot_general3A_1312 : vector<128x128xf32>
    %swap3A_1314 = arith.constant 7936 : index
    %swap3A_1315 = arith.constant 0 : index
    %swap3A_1316 = vector.load %arg2[%swap3A_1314, %swap3A_1315] : memref<8192x128xf32, #tpu.memory_space<vmem>>, vector<128x128xf32>
    tpu.vector_store %arg2[%swap3A_1314, %swap3A_1315], %add3A_1313 {strides = array<i32>} : memref<8192x128xf32, #tpu.memory_space<vmem>>, vector<128x128xf32>,
    %get3A_1317 = arith.constant 0 : index
    %get3A_1318 = arith.constant 16128 : index
    %get3A_1319 = vector.load %arg1[%get3A_1317, %get3A_1318] : memref<64x16384xf32, #tpu.memory_space<vmem>>, vector<64x128xf32>
    %get3A_1320 = arith.constant 0 : index
    %get3A_1321 = arith.constant 16256 : index
    %get3A_1322 = vector.load %arg1[%get3A_1320, %get3A_1321] : memref<64x16384xf32, #tpu.memory_space<vmem>>, vector<64x128xf32>
    %concatenate3A_1323 = tpu.concatenate %get3A_1319, %get3A_1322 in 0 : vector<64x128xf32>, vector<64x128xf32> -> vector<128x128xf32>
    %bitcast_convert_type3A_1324 = tpu.bitcast %concatenate3A_1323 : vector<128x128xf32> -> vector<128x128xi32>
    %and3A_1325 = arith.constant -65536 : i32
    %and3A_1326 = vector.broadcast %and3A_1325 : i32 to vector<128x128xi32>
    %and3A_1327 = arith.andi %bitcast_convert_type3A_1324, %and3A_1326 : vector<128x128xi32>
    %bitcast_convert_type3A_1328 = tpu.bitcast %and3A_1327 : vector<128x128xi32> -> vector<128x128xf32>
    %sub3A_1329 = arith.subf %concatenate3A_1323, %bitcast_convert_type3A_1328 : vector<128x128xf32>
    %dot_general3A_1330 = arith.constant dense<0.000000e+00> : vector<128x128xf32>
    %dot_general3A_1331 = tpu.matmul %bitcast_convert_type3A_1328, %convert_element_type3A_1, %dot_general3A_1330 {dimension_numbers = #tpu.dot_dimension_numbers<[0], [0], [1], [1], [0, 1, 1, 1], [], []>, transpose_lhs_hint = false} : vector<128x128xf32>, vector<128x128xf32>, vector<128x128xf32> -> vector<128x128xf32>
    %dot_general3A_1332 = arith.constant dense<0.000000e+00> : vector<128x128xf32>
    %dot_general3A_1333 = tpu.matmul %sub3A_1329, %convert_element_type3A_1, %dot_general3A_1332 {dimension_numbers = #tpu.dot_dimension_numbers<[0], [0], [1], [1], [0, 1, 1, 1], [], []>, transpose_lhs_hint = false} : vector<128x128xf32>, vector<128x128xf32>, vector<128x128xf32> -> vector<128x128xf32>
    %add3A_1334 = arith.addf %dot_general3A_1331, %dot_general3A_1333 : vector<128x128xf32>
    %swap3A_1335 = arith.constant 8064 : index
    %swap3A_1336 = arith.constant 0 : index
    %swap3A_1337 = vector.load %arg2[%swap3A_1335, %swap3A_1336] : memref<8192x128xf32, #tpu.memory_space<vmem>>, vector<128x128xf32>
    tpu.vector_store %arg2[%swap3A_1335, %swap3A_1336], %add3A_1334 {strides = array<i32>} : memref<8192x128xf32, #tpu.memory_space<vmem>>, vector<128x128xf32>,
    return
  }
  func.func @transform_0(%arg0: i32) -> (i32, i32) {
    %c0_i32 = arith.constant 0 : i32
    %c0_i32_0 = arith.constant 0 : i32
    return %c0_i32, %arg0 : i32, i32
  }
  func.func @transform_1(%arg0: i32) -> (i32, i32) {
    %c0_i32 = arith.constant 0 : i32
    %c0_i32_0 = arith.constant 0 : i32
    return %arg0, %c0_i32 : i32, i32
  }
}

module attributes {stable_mosaic.version = 14 : i64} {
  func.func @_tail_body(%arg0: i32, %arg1: memref<500000x128xf32, #tpu.memory_space<any>>, %arg2: memref<64x64xf32, #tpu.memory_space<vmem>>, %arg3: memref<32x128xf32, #tpu.memory_space<vmem>>) attributes {dimension_semantics = [#tpu.dimension_semantics<arbitrary>], iteration_bounds = array<i64: 1>, scalar_prefetch = 0 : i64, scratch_operands = 0 : i64, tpu.core_type = #tpu.core_type<tc>, window_params = [{}, {pipeline_mode = #tpu.pipeline_mode<synchronous>, transform_indices = @transform_1, window_bounds = array<i64: 64, 64>}, {transform_indices = @transform_2, window_bounds = array<i64: 32, 128>}]} {
    %get3A = arith.constant 0 : index
    %get3A_0 = arith.constant 0 : index
    %get3A_1 = vector.load %arg2[%get3A, %get3A_0] : memref<64x64xf32, #tpu.memory_space<vmem>>, vector<64x64xf32>
    %transpose3A = tpu.transpose %get3A_1, [1, 0] : vector<64x64xf32> -> vector<64x64xf32>
    %slice3A = vector.extract_strided_slice %transpose3A {offsets = [0, 0], sizes = [32, 64], strides = [1, 1]} : vector<64x64xf32> to vector<32x64xf32>
    %slice3A_2 = vector.extract_strided_slice %transpose3A {offsets = [32, 0], sizes = [32, 64], strides = [1, 1]} : vector<64x64xf32> to vector<32x64xf32>
    %concatenate3A = tpu.concatenate %slice3A, %slice3A_2 in 1 : vector<32x64xf32>, vector<32x64xf32> -> vector<32x128xf32>
    %swap3A = arith.constant 0 : index
    %swap3A_3 = arith.constant 0 : index
    %swap3A_4 = vector.load %arg3[%swap3A, %swap3A_3] : memref<32x128xf32, #tpu.memory_space<vmem>>, vector<32x128xf32>
    tpu.vector_store %arg3[%swap3A, %swap3A_3], %concatenate3A {strides = array<i32>} : memref<32x128xf32, #tpu.memory_space<vmem>>, vector<32x128xf32>,
    return
  }
  func.func @transform_1(%arg0: i32) -> (i32, i32) {
    %c0_i32 = arith.constant 0 : i32
    %c0_i32_0 = arith.constant 0 : i32
    %c0_i32_1 = arith.constant 0 : i32
    return %c0_i32, %c0_i32_0 : i32, i32
  }
  func.func @transform_2(%arg0: i32) -> (i32, i32) {
    %c15624_i32 = arith.constant 15624 : i32
    %c0_i32 = arith.constant 0 : i32
    %c0_i32_0 = arith.constant 0 : i32
    return %c15624_i32, %c0_i32 : i32, i32
  }
}

module attributes {stable_mosaic.version = 14 : i64} {
  func.func @_sim_body(%arg0: memref<4096x64xf32, #tpu.memory_space<vmem>>, %arg1: memref<4096x64xf32, #tpu.memory_space<vmem>>, %arg2: memref<4096x64xf32, #tpu.memory_space<vmem>>, %arg3: memref<4096x1xf32, #tpu.memory_space<vmem>>, %arg4: memref<4096x1xf32, #tpu.memory_space<vmem>>, %arg5: memref<1x1xf32, #tpu.memory_space<vmem>>) attributes {dimension_semantics = [], scalar_prefetch = 0 : i64, scratch_operands = 0 : i64, tpu.core_type = #tpu.core_type<tc>} {
    %get3A = arith.constant 0 : index
    %get3A_0 = arith.constant 0 : index
    %get3A_1 = vector.load %arg0[%get3A, %get3A_0] : memref<4096x64xf32, #tpu.memory_space<vmem>>, vector<4096x64xf32>
    %get3A_2 = arith.constant 0 : index
    %get3A_3 = arith.constant 0 : index
    %get3A_4 = vector.load %arg1[%get3A_2, %get3A_3] : memref<4096x64xf32, #tpu.memory_space<vmem>>, vector<4096x64xf32>
    %get3A_5 = arith.constant 0 : index
    %get3A_6 = arith.constant 0 : index
    %get3A_7 = vector.load %arg2[%get3A_5, %get3A_6] : memref<4096x64xf32, #tpu.memory_space<vmem>>, vector<4096x64xf32>
    %mul3A = arith.mulf %get3A_1, %get3A_4 : vector<4096x64xf32>
    %reduce_sum3A = arith.constant dense<0.000000e+00> : vector<4096xf32>
    %reduce_sum3A_8 = vector.multi_reduction <add>, %mul3A, %reduce_sum3A [1] : vector<4096x64xf32> to vector<4096xf32>
    %broadcast_in_dim3A = vector.shape_cast %reduce_sum3A_8 : vector<4096xf32> to vector<4096x1xf32>
    %mul3A_9 = arith.mulf %get3A_1, %get3A_7 : vector<4096x64xf32>
    %reduce_sum3A_10 = arith.constant dense<0.000000e+00> : vector<4096xf32>
    %reduce_sum3A_11 = vector.multi_reduction <add>, %mul3A_9, %reduce_sum3A_10 [1] : vector<4096x64xf32> to vector<4096xf32>
    %broadcast_in_dim3A_12 = vector.shape_cast %reduce_sum3A_11 : vector<4096xf32> to vector<4096x1xf32>
    %mul3A_13 = arith.mulf %get3A_1, %get3A_1 : vector<4096x64xf32>
    %reduce_sum3A_14 = arith.constant dense<0.000000e+00> : vector<4096xf32>
    %reduce_sum3A_15 = vector.multi_reduction <add>, %mul3A_13, %reduce_sum3A_14 [1] : vector<4096x64xf32> to vector<4096xf32>
    %broadcast_in_dim3A_16 = vector.shape_cast %reduce_sum3A_15 : vector<4096xf32> to vector<4096x1xf32>
    %mul3A_17 = arith.mulf %get3A_4, %get3A_4 : vector<4096x64xf32>
    %reduce_sum3A_18 = arith.constant dense<0.000000e+00> : vector<4096xf32>
    %reduce_sum3A_19 = vector.multi_reduction <add>, %mul3A_17, %reduce_sum3A_18 [1] : vector<4096x64xf32> to vector<4096xf32>
    %broadcast_in_dim3A_20 = vector.shape_cast %reduce_sum3A_19 : vector<4096xf32> to vector<4096x1xf32>
    %mul3A_21 = arith.mulf %get3A_7, %get3A_7 : vector<4096x64xf32>
    %reduce_sum3A_22 = arith.constant dense<0.000000e+00> : vector<4096xf32>
    %reduce_sum3A_23 = vector.multi_reduction <add>, %mul3A_21, %reduce_sum3A_22 [1] : vector<4096x64xf32> to vector<4096xf32>
    %broadcast_in_dim3A_24 = vector.shape_cast %reduce_sum3A_23 : vector<4096xf32> to vector<4096x1xf32>
    %rsqrt3A = math.rsqrt %broadcast_in_dim3A_16 : vector<4096x1xf32>
    %mul3A_25 = arith.mulf %broadcast_in_dim3A, %rsqrt3A : vector<4096x1xf32>
    %rsqrt3A_26 = math.rsqrt %broadcast_in_dim3A_20 : vector<4096x1xf32>
    %mul3A_27 = arith.mulf %mul3A_25, %rsqrt3A_26 : vector<4096x1xf32>
    %mul3A_28 = arith.mulf %broadcast_in_dim3A_12, %rsqrt3A : vector<4096x1xf32>
    %rsqrt3A_29 = math.rsqrt %broadcast_in_dim3A_24 : vector<4096x1xf32>
    %mul3A_30 = arith.mulf %mul3A_28, %rsqrt3A_29 : vector<4096x1xf32>
    %sub3A = arith.constant 2.000000e-01 : f32
    %sub3A_31 = vector.broadcast %sub3A : f32 to vector<4096x1xf32>
    %sub3A_32 = arith.subf %sub3A_31, %mul3A_27 : vector<4096x1xf32>
    %add3A = arith.addf %sub3A_32, %mul3A_30 : vector<4096x1xf32>
    %max3A = arith.constant 0.000000e+00 : f32
    %max3A_33 = vector.broadcast %max3A : f32 to vector<4096x1xf32>
    %max3A_34 = arith.maximumf %max3A_33, %add3A : vector<4096x1xf32>
    %swap3A = arith.constant 0 : index
    %swap3A_35 = arith.constant 0 : index
    %swap3A_36 = vector.load %arg3[%swap3A, %swap3A_35] : memref<4096x1xf32, #tpu.memory_space<vmem>>, vector<4096x1xf32>
    tpu.vector_store %arg3[%swap3A, %swap3A_35], %max3A_34 {strides = array<i32>} : memref<4096x1xf32, #tpu.memory_space<vmem>>, vector<4096x1xf32>,
    %swap3A_37 = arith.constant 0 : index
    %swap3A_38 = arith.constant 0 : index
    %swap3A_39 = vector.load %arg4[%swap3A_37, %swap3A_38] : memref<4096x1xf32, #tpu.memory_space<vmem>>, vector<4096x1xf32>
    tpu.vector_store %arg4[%swap3A_37, %swap3A_38], %mul3A_27 {strides = array<i32>} : memref<4096x1xf32, #tpu.memory_space<vmem>>, vector<4096x1xf32>,
    %reduce_sum3A_40 = arith.constant dense<0.000000e+00> : vector<1xf32>
    %reduce_sum3A_41 = vector.multi_reduction <add>, %max3A_34, %reduce_sum3A_40 [0] : vector<4096x1xf32> to vector<1xf32>
    %broadcast_in_dim3A_42 = vector.shape_cast %reduce_sum3A_41 : vector<1xf32> to vector<1x1xf32>
    %mul3A_43 = arith.constant 2.44140625E-4 : f32
    %mul3A_44 = vector.broadcast %mul3A_43 : f32 to vector<1x1xf32>
    %mul3A_45 = arith.mulf %broadcast_in_dim3A_42, %mul3A_44 : vector<1x1xf32>
    %swap3A_46 = arith.constant 0 : index
    %swap3A_47 = arith.constant 0 : index
    %swap3A_48 = vector.load %arg5[%swap3A_46, %swap3A_47] : memref<1x1xf32, #tpu.memory_space<vmem>>, vector<1x1xf32>
    tpu.vector_store %arg5[%swap3A_46, %swap3A_47], %mul3A_45 {strides = array<i32>} : memref<1x1xf32, #tpu.memory_space<vmem>>, vector<1x1xf32>,
    return
  }
}

</mosaic_0001>

<sc_bundles>
// kernel: kernel.7.cloned.1.call-start
scs
__scs_entry_jumppad:
0x0: {  	(pc) =	sbr.rel $0x88, $3  }
0x1: {  	(tag) =	ssettag $0x0;
	lr =	simm.s32 $0x1  }
0x2: {  	[smem:$0x3F9D] =	sst lr;
	_ =	strace $0xD0000000  }
0x3: {  	_ = 	snop  }
0x4: {  	_ = 	snop  }
0x5: {  	_ = 	snop  }
0x6: {  	_ = 	snop  }
0x7: {  	_ = 	snop  }
__scs_overlays_trampoline_lowered:
0x8: {  	[smem:$0x3FAC] =	sst s0  }
0x9: {  	[smem:$0x3FAD] =	sst s1  }
0xa: {  	[smem:$0x3FAE] =	sst s2  }
0xb: {  	[smem:$0x3FAF] =	sst s3  }
0xc: {  	[smem:$0x3FB0] =	sst s4  }
0xd: {  	[smem:$0x3FB1] =	sst s5  }
0xe: {  	[smem:$0x3FB2] =	sst s6  }
0xf: {  	[smem:$0x3FB3] =	sst s7  }
0x10: {  	[smem:$0x3FB4] =	sst s8  }
0x11: {  	[smem:$0x3FB5] =	sst s9;
	s0 =	simm.s32 @!p0 $0x0  }
0x12: {  	s1 =	sld [smem:$0x3F9B];
	s0 =	simm.s32 @p0 $0x1  }
0x13: {  	[smem:$0x3FB6] =	sst s0;
	s0 =	simm.s32 @!p1 $0x0  }
0x14: {  	s2 =	sld [smem:$0x3F9A];
	s0 =	simm.s32 @p1 $0x1  }
0x15: {  	[smem:$0x3FB7] =	sst s0;
	s0 =	simm.s32 @!p2 $0x0  }
0x16: {  	s3 =	sld [smem:$0x3FDB];
	s0 =	simm.s32 @p2 $0x1  }
0x17: {  	s4 =	simm.s32 $0x1BF5;
	[smem:$0x3FB9] =	sst s0  }
0x18: {  	s0 =	sld [smem:$0x3F9C];
	_ =	swait.ge [sflag:s4], $0x0  }
0x19: {  	s7 =	sld [smem:$0x3F9D]  }
0x1a: {  	s8 =	sadd.s32 $0xFFFFE003, lr  }
0x1b: {  	s9 =	sadd.s32 $0xFFFFFEF7, lr;
	s5 =	simm.s32 $0xFFFFFFFF;
	p2 =	slt.u32 s8, $0xFFFFF086  }
0x1c: {  	p1 =	slt.u32 s9, $0xF7A;
	s5 =	simm.s32 @!p2 $0x0  }
0x1d: {  	s5 =	simm.s32 @p1 $0x1;
	p0 =	seq.s32 s7, s2  }
0x1e: {  	s7 =	smul.u32 @!p0 $0xF7A, s2;
	p2 =	seq.s32 @!p0 s5, $0x0  }
0x1f: {  	s9 =	smul.u32 $0xF7A, s1;
	s8 =	simm.s32 @!p0 $0x1BF5;
	p2 =	por !p2, p0  }
0x20: {  	[sflag:s8] =	ssyncset.s32 @!p0 $0xFFFFF086;
	s6 =	sadd.s32 @!p0 s3, s7;
	s7 =	simm.s32 @!p0 $0x108  }
0x21: {  	s3 =	sadd.s32 s3, s9;
	s6 =	sadd.s32 @!p0 $0x88, s6;
	s7 =	simm.s32 @p2 $0x1082  }
0x22: {  	[simem:s7], [sflag:s8] =	dma.local @!p0 [hbm:s6], $0xF7A  }
0x23: {  	s9 =	sor.u32 $0xD0000000, s2;
	s6 =	simm.s32 $0x108;
	_ =	swait.ge @!p0 [sflag:s8], $0x0  }
0x24: {  	s3 =	sadd.s32 $0x88, s3;
	s6 =	simm.s32 @!p1 $0x1082;
	[sflag:s4] =	ssyncset.s32 $0xFFFFF086  }
0x25: {  	[simem:s6], [sflag:s4] =	dma.local [hbm:s3], $0xF7A  }
0x26: {  	[smem:$0x3F9D] =	sst s1;
	(tag) =	ssettag s2;
	_ =	strace s9  }
0x27: {  	s1 =	sld [smem:$0x3FAD]  }
0x28: {  	s2 =	sld [smem:$0x3FAE]  }
0x29: {  	s4 =	sld [smem:$0x3FB0]  }
0x2a: {  	p0 =	seq.s32 s5, $0x0;
	s5 =	sld [smem:$0x3FB1]  }
0x2b: {  	s6 =	sld [smem:$0x3FB2]  }
0x2c: {  	s7 =	sld [smem:$0x3FB3]  }
0x2d: {  	s3 =	simm.s32 $0x108;
	s8 =	sld [smem:$0x3FB4]  }
0x2e: {  	s3 =	simm.s32 @!p0 $0x1082;
	s9 =	sld [smem:$0x3FB5]  }
0x2f: {  	lr =	sadd.s32 s0, s3;
	s0 =	sld [smem:$0x3FAC]  }
0x30: {  	s3 =	sld [smem:$0x3FAF]  }
0x31: {  	[smem:$0x3FB8] =	sst s10  }
0x32: {  	s10 =	sld [smem:$0x3FB6];
	_ =	sdelay $0x3  }
0x33: {  	p0 =	seq.s32 s10, $0x1;
	s10 =	sld [smem:$0x3FB8];
	_ =	sdelay $0x3  }
0x34: {  	[smem:$0x3FB8] =	sst s10  }
0x35: {  	s10 =	sld [smem:$0x3FB7];
	_ =	sdelay $0x3  }
0x36: {  	p1 =	seq.s32 s10, $0x1;
	s10 =	sld [smem:$0x3FB8];
	_ =	sdelay $0x3  }
0x37: {  	[smem:$0x3FB8] =	sst s10  }
0x38: {  	s10 =	sld [smem:$0x3FB9]  }
0x39: {  	_ = 	snop;
	(pc) =	sbr.ind lr, $3  }
0x3a: {  	_ = 	snop  }
0x3b: {  	_ = 	snop  }
0x3c: {  	p2 =	seq.s32 s10, $0x1;
	s10 =	sld [smem:$0x3FB8]  }
0x3d: {  	_ =	shalt  }
0x3e: {  	_ =	shalt  }
0x3f: {  	_ =	shalt  }
0x40: {  	_ =	shalt  }
0x41: {  	_ =	shalt  }
0x42: {  	_ =	shalt  }
0x43: {  	_ =	shalt  }
0x44: {  	_ =	shalt  }
0x45: {  	_ =	shalt  }
0x46: {  	_ =	shalt  }
0x47: {  	_ =	shalt  }
0x48: {  	_ =	shalt  }
0x49: {  	_ =	shalt  }
0x4a: {  	_ =	shalt  }
0x4b: {  	_ =	shalt  }
0x4c: {  	_ =	shalt  }
0x4d: {  	_ =	shalt  }
0x4e: {  	_ =	shalt  }
0x4f: {  	_ =	shalt  }
0x50: {  	_ =	shalt  }
0x51: {  	_ =	shalt  }
0x52: {  	_ =	shalt  }
0x53: {  	_ =	shalt  }
0x54: {  	_ =	shalt  }
0x55: {  	_ =	shalt  }
0x56: {  	_ =	shalt  }
0x57: {  	_ =	shalt  }
0x58: {  	_ =	shalt  }
0x59: {  	_ =	shalt  }
0x5a: {  	_ =	shalt  }
0x5b: {  	_ =	shalt  }
0x5c: {  	_ =	shalt  }
0x5d: {  	_ =	shalt  }
0x5e: {  	_ =	shalt  }
0x5f: {  	_ =	shalt  }
0x60: {  	_ =	shalt  }
0x61: {  	_ =	shalt  }
0x62: {  	_ =	shalt  }
0x63: {  	_ =	shalt  }
0x64: {  	_ =	shalt  }
0x65: {  	_ =	shalt  }
0x66: {  	_ =	shalt  }
0x67: {  	_ =	shalt  }
0x68: {  	_ =	shalt  }
0x69: {  	_ =	shalt  }
0x6a: {  	_ =	shalt  }
0x6b: {  	_ =	shalt  }
0x6c: {  	_ =	shalt  }
0x6d: {  	_ =	shalt  }
0x6e: {  	_ =	shalt  }
0x6f: {  	_ =	shalt  }
0x70: {  	_ =	shalt  }
0x71: {  	_ =	shalt  }
0x72: {  	_ =	shalt  }
0x73: {  	_ =	shalt  }
0x74: {  	_ =	shalt  }
0x75: {  	_ =	shalt  }
0x76: {  	_ =	shalt  }
0x77: {  	_ =	shalt  }
0x78: {  	_ =	shalt  }
0x79: {  	_ =	shalt  }
0x7a: {  	_ =	shalt  }
0x7b: {  	_ =	shalt  }
0x7c: {  	_ =	shalt  }
0x7d: {  	_ =	shalt  }
0x7e: {  	_ =	shalt  }
0x7f: {  	_ =	shalt  }
0x80: {  	_ =	shalt  }
0x81: {  	_ =	shalt  }
0x82: {  	_ =	shalt  }
0x83: {  	_ =	shalt  }
0x84: {  	_ =	shalt  }
0x85: {  	_ =	shalt  }
0x86: {  	_ =	shalt  }
0x87: {  	_ =	shalt  }
.Lfunc_end0:
.L_simem_size_0:
called_computation_lowered:
.L_overlay_start_0:
0x88: {  	s2 =	sld [smem:$0x3FD9]  }
0x89: {  	s3 =	sld [smem:$0x3FFE];
	_ =	sdelay $0x1  }
0x8a: {  	s1 =	srdreg.scid  }
0x8b: {  	s0 =	sand.u32 $0x1, s1  }
0x8c: {  	s16 =	sshll.u32 s0, $0xA;
	s2 =	sadd.s32 s3, s2  }
0x8d: {  	s2 =	sadd.s32 s2, s16  }
0x8e: {  	[smem:$0x3FC4] =	sst s2  }
0x8f: {  	_ = 	snop  }
0x90: {  	(tm) =	ssettm $0x1  }
0x91: {  	s17 =	sld [smem:$0x3FFB];
	_ =	sdelay $0x3  }
0x92: {  	_ =	strace s17  }
0x93: {  	s2 =	sld [smem:$0x3FFC];
	_ =	sdelay $0x3  }
0x94: {  	_ =	strace s2  }
0x95: {  	s2 =	sld [smem:$0x3FFD];
	_ =	sdelay $0x3  }
0x96: {  	_ =	strace s2  }
0x97: {  	_ =	strace $0x8FFFFFFF  }
0x98: {  	s18 =	sld [smem:$0x3FDB];
	_ =	sdelay $0x1  }
0x99: {  	s19 =	simm.s32 $_scs_section_size  }
0x9a: {  	s4 =	simm.s32 $_size__tile_overlayer_lowered;
	s5 =	simm.s32 $_tile_overlayer_lowered  }
0x9b: {  	s22 =	simm.s32 $0x1BFF;
	s21 =	sshll.u32 s5, $0x1;
	s2 =	sadd.s32 s19, s18  }
0x9c: {  	s6 =	simm.s32 $0x0;
	s20 =	sshll.u32 s4, $0x1;
	s4 =	sadd.s32 s21, s2  }
0x9d: {  	[timem:s6], [sflag:s22] =	dma.local [hbm:s4], s20  }
0x9e: {  	_ =	swait.ge [sflag:s22], s20  }
0x9f: {  	s3 =	ssub.s32 $0x0, s20;
	[sflag:s22] =	ssyncset.done $0x0  }
0xa0: {  	[sflag:s22] =	ssyncadd.s32 s3;
	_ =	sdelay $0x1  }
0xa1: {  	s23 =	simm.s32 $0x1B8B  }
0xa2: {  	_ =	swait.ge [sflag:s23], $0x1  }
0xa3: {  	[sflag:s23] =	ssyncset.done $0x0  }
0xa4: {  	s25 =	simm.s32 $0x1B8E;
	s24 =	sld [smem:$0x3FFE];
	[sflag:s23] =	ssyncadd.s32 $0xFFFFFFFF  }
0xa5: {  	s26 =	simm.s32 $execute0_lowered;
	[smem:$0x3FD2] =	sst s25  }
0xa6: {  	s4 =	sshll.u32 s26, $0x1;
	_ =	strace $0x80000046;
	[dreg:$0x1] =	wrdreg $0xFFFFFFFF  }
0xa7: {  	s28 =	simm.s32 $_size_execute0_lowered;
	s2 =	sadd.s32 s2, s4;
	[dreg:$0x0] =	wrdreg $0x0  }
0xa8: {  	s4 =	sshll.u32 s28, $0x1;
	[dreg:$0x2] =	wrdreg s2  }
0xa9: {  	[dreg:$0x3] =	wrdreg s4  }
0xaa: {  	[dreg:$0x4] =	wrdreg $0xC0  }
0xab: {  	_ =	task [dreg:s6], $0x5FFFF  }
0xac: {  	[dreg:$0x1] =	wrdreg $0xFFFFFFFF  }
0xad: {  	[dreg:$0x0] =	wrdreg $0x60  }
0xae: {  	[dreg:$0x2] =	wrdreg s24  }
0xaf: {  	[dreg:$0x3] =	wrdreg $0x178000  }
0xb0: {  	[dreg:$0x4] =	wrdreg $0x9  }
0xb1: {  	_ =	task.clear_ibuf [dreg:s6], $0x5FFFF;
	_ =	strace $0x90000046  }
0xb2: {  	s29 =	simm.s32 $0x9;
	_ =	strace $0x80000048  }
0xb3: {  	_ =	swait.ge [sflag:s29], $0x1  }
0xb4: {  	[sflag:s29] =	ssyncadd.s32 $0xFFFFFFFF  }
0xb5: {  	_ =	strace $0x90000048  }
0xb6: {  	_ =	sfence  }
0xb7: {  	s30 =	sld [smem:$0x0];
	_ =	sdelay $0x2  }
0xb8: {  	s31 =	sshll.u32 s1, $0xD;
	s1 =	sshrl.u32 s1, $0x2  }
0xb9: {  	s3 =	sand.u32 $0x4000, s31;
	s1 =	sadd.s32 s1, s30  }
0xba: {  	s0 =	sor.u32 s3, s0;
	s1 =	sshll.u32 s1, $0x11  }
0xbb: {  	s0 =	sor.u32 s1, s0  }
0xbc: {  	s0 =	sadd.s32 $0x8F2B, s0  }
0xbd: {  	[sflag:s0] =	ssyncadd.remote.s32 $0x1  }
0xbe: {  	_ =	sfence.sel $0xFFFF  }
0xbf: {  	[dreg:$0x0] =	wrdreg $0xFFFFFFFF;
	(pc) =	sbr.abs _section_cstart, $3  }
0xc0: {  	[dreg:$0x1] =	wrdreg $0xFFFFFFFF  }
0xc1: {  	_ =	task.clear_ibuf [dreg:s6], $0x2FFFF;
	_ =	strace $0x9FFFFFFF  }
0xc2: {  	(tm) =	ssettm $0x7FFFFFFF  }
0xc3: {  	_ =	shalt  }
tec
execute0_lowered:
.L_overlay_start_1:
0x0: {  	(tag) =	ssettag $0x1  }
0x1: {  	s0 =	srdreg.scid  }
0x2: {  	s10 =	stileid.u32;
	s3 =	rddreg [dreg:$0x0]  }
0x3: {  	s2 =	rddreg [dreg:$0x1];
	s6 =	simm.s32 $0x0;
	s22 =	simm.s32 $0xD800  }
0x4: {  	s29 =	simm.s32 $0x11800;
	s31 =	simm.s32 $0x13800;
	s28 =	simm.s32 $0x5  }
0x5: {  	s30 =	simm.s32 $0x6;
	s11 =	simm.s32 $0xE;
	s5 =	smul.u32 $0x6000, s10  }
0x6: {  	s0 =	sand.u32 $0x1, s0;
	s1 =	sshll.u32 s10, $0x1;
	s12 =	smul.u32 $0x780, s10  }
0x7: {  	[smem:$0x7FF] =	sst s6;
	s9 =	smul.u32 $0x18000, s10;
	s24 =	sshll.u32 s10, $0x6  }
0x8: {  	s10 =	simm.s32 $0xD;
	s1 =	sor.u32 s0, s1;
	_ =	strace $0x80000047  }
0x9: {  	s0 =	ssub.s32 $0x2, s0;
	s4 =	smul.u32 $0x780, s1;
	s7 =	sshrl.u32 s5, $0x3  }
0xa: {  	s6 =	sadd.s32 s12, s3;
	s1 =	sshll.u32 s1, $0xA;
	s13 =	sshrl.u32 s0, $0x1  }
0xb: {  	s16 =	sadd.s32 s5, s2;
	s18 =	sshrl.u32 s9, $0x2;
	s9 =	simm.s32 $0xC  }
0xc: {  	s12 =	simm.s32 $0x0;
	s7 =	sadd.s32 s7, s3;
	s1 =	sadd.s32 s1, s3  }
0xd: {  	s0 =	ssub.s32 s0, s13;
	s15 =	sadd.s32 $0x7BD400, s6;
	s5 =	sadd.s32 s18, s2  }
0xe: {  	s18 =	simm.s32 $0x9800;
	s13 =	simm.s32 $0x1;
	s6 =	simm.s32 $0x9  }
0xf: {  	s8 =	sadd.s32 s4, s3;
	s4 =	sadd.s32 $0xE00, s3;
	s17 =	sadd.s32 $0x7B1400, s7  }
0x10: {  	[dreg:$0x4] =	wrdreg s15;
	s19 =	sadd.s32 $0x7D4C00, s1;
	s20 =	sadd.s32 $0x7CCC00, s1  }
0x11: {  	s21 =	sadd.s32 $0x2000, s5;
	s1 =	sadd.s32 $0x7C4C00, s1;
	[dreg:$0x5] =	wrdreg s17  }
0x12: {  	s23 =	sadd.s32 $0x4000, s5;
	s0 =	smax.u32 s0, $0x1;
	[dreg:$0x6] =	wrdreg s19  }
0x13: {  	s3 =	sshrl.u32 s16, $0x3;
	s16 =	simm.s32 $0x80;
	[dreg:$0x7] =	wrdreg s20  }
0x14: {  	s5 =	simm.s32 $0x8;
	s7 =	simm.s32 $0xA;
	[dreg:$0x8] =	wrdreg s1  }
0x15: {  	s14 =	sadd.s32 $0x7A2400, s8;
	[dreg:$0x9] =	wrdreg s0;
	s17 =	simm.s32 $0x7800  }
0x16: {  	s20 =	simm.s32 $0xB800;
	s25 =	sshrl.u32 s21, $0x3;
	s26 =	sshrl.u32 s23, $0x3  }
0x17: {  	s0 =	simm.s32 $0x15800;
	s19 =	simm.s32 $0x2;
	[dreg:$0xb] =	wrdreg s3  }
0x18: {  	s21 =	simm.s32 $0x3;
	s23 =	simm.s32 $0x4;
	[dreg:$0x3] =	wrdreg s14  }
0x19: {  	s1 =	simm.s32 $0x7;
	s8 =	simm.s32 $0xB;
	[dreg:$0xc] =	wrdreg s25  }
0x1a: {  	s14 =	sor.u32 $0x1C11, s24;
	[dreg:$0xd] =	wrdreg s26;
	s26 =	simm.s32 $0xF800  }
0x1b: {  	s24 =	simm.s32 $0xF;
	s25 =	simm.s32 $0x10;
	[dreg:$0xa] =	wrdreg s14  }
.LBB2_1:
0x1c: {  	[dreg:$0xe] =	wrdreg s12  }
0x1d: {  	s15 =	simm.s32 $0x0;
	s3 =	simm.s32 $0x11;
	s14 =	rddreg [dreg:$0x3]  }
0x1e: {  	[tilespmem:s15], [sflag:$0x11] =	stream.linear.gather [hbm4b:s14+s15], $0x3C00, $0x38;
	[tilespmem:$0x1D800] =	vst v63  }
0x1f: {  	_ =	swait.ge [sflag:s3], $0x3C00  }
0x20: {  	s12 =	simm.s32 $0x0;
	[sflag:s3] =	ssyncset.done $0x0  }
0x21: {  	s15 =	simm.s32 $0x3C00;
	s14 =	rddreg [dreg:$0x4];
	[sflag:s3] =	ssyncadd.s32 $0xFFFFC400  }
0x22: {  	[tilespmem:s15], [sflag:$0x11] =	stream.linear.gather [hbm4b:s14+s12], $0x3C00, $0x38;
	[tilespmem:$0x1D800] =	vst v63  }
0x23: {  	_ =	swait.ge [sflag:s3], $0x3C00  }
0x24: {  	s12 =	rddreg [dreg:$0xa]  }
0x25: {  	[sflag:s3] =	ssyncset.done $0x0;
	s15 =	rddreg [dreg:$0xb]  }
0x26: {  	[sflag:s3] =	ssyncadd.s32 $0xFFFFC400;
	s3 =	rddreg [dreg:$0x5]  }
0x27: {  	[spmem:s15], [sflag:s12] =	dma.local [hbm:s3], $0xC00  }
0x28: {  	s12 =	simm.s32 $0x11  }
0x29: {  	_ =	swait.ge [sflag:s12], $0xC00  }
0x2a: {  	[sflag:s12] =	ssyncset.done $0x0  }
0x2b: {  	s14 =	simm.s32 $0x0;
	[sflag:s12] =	ssyncadd.s32 $0xFFFFF400  }
0x2c: {  	[tilespmem:s17], [sflag:$0x1] =	stream.indirect.gather [hbm4b:s4+s16], $0x40, s14, s16, $0xb8;
	[tilespmem:$0x1D800] =	vst v63  }
0x2d: {  	_ = 	snop  }
0x2e: {  	[tilespmem:s18], [sflag:$0x2] =	stream.indirect.gather [hbm4b:s4+s16], $0x40, s16, s16, $0xb8;
	[tilespmem:$0x1D800] =	vst v63  }
0x2f: {  	s15 =	simm.s32 $0x100  }
0x30: {  	[tilespmem:s20], [sflag:$0x3] =	stream.indirect.gather [hbm4b:s4+s16], $0x40, s15, s16, $0xb8;
	[tilespmem:$0x1D800] =	vst v63  }
0x31: {  	s14 =	simm.s32 $0x180  }
0x32: {  	[tilespmem:s22], [sflag:$0x4] =	stream.indirect.gather [hbm4b:s4+s16], $0x40, s14, s16, $0xb8;
	[tilespmem:$0x1D800] =	vst v63  }
0x33: {  	s15 =	simm.s32 $0x200  }
0x34: {  	[tilespmem:s26], [sflag:$0x5] =	stream.indirect.gather [hbm4b:s4+s16], $0x40, s15, s16, $0xb8;
	[tilespmem:$0x1D800] =	vst v63  }
0x35: {  	s14 =	simm.s32 $0x280  }
0x36: {  	[tilespmem:s29], [sflag:$0x6] =	stream.indirect.gather [hbm4b:s4+s16], $0x40, s14, s16, $0xb8;
	[tilespmem:$0x1D800] =	vst v63  }
0x37: {  	s15 =	simm.s32 $0x300  }
0x38: {  	[tilespmem:s31], [sflag:$0x7] =	stream.indirect.gather [hbm4b:s4+s16], $0x40, s15, s16, $0xb8;
	[tilespmem:$0x1D800] =	vst v63  }
0x39: {  	s14 =	simm.s32 $0x380  }
0x3a: {  	[tilespmem:s0], [sflag:$0x8] =	stream.indirect.gather [hbm4b:s4+s16], $0x40, s14, s16, $0xb8;
	[tilespmem:$0x1D800] =	vst v63  }
0x3b: {  	_ =	swait.ge [sflag:s13], $0x2000  }
0x3c: {  	[sflag:s13] =	ssyncset.done $0x0  }
0x3d: {  	s15 =	simm.s32 $0x3C00;
	[sflag:s13] =	ssyncadd.s32 $0xFFFFE000  }
0x3e: {  	[spmem:s2] =	stream.indirect.scatter.add.f32 [tilespmem:s17], [sflag:$0x9], $0x40, s15, s16, $0xb8;
	[tilespmem:$0x1D800] =	vst v63  }
0x3f: {  	_ =	swait.ge [sflag:s19], $0x2000  }
0x40: {  	[sflag:s19] =	ssyncset.done $0x0  }
0x41: {  	s3 =	simm.s32 $0x3C80;
	[sflag:s19] =	ssyncadd.s32 $0xFFFFE000  }
0x42: {  	[spmem:s2] =	stream.indirect.scatter.add.f32 [tilespmem:s18], [sflag:$0xA], $0x40, s3, s16, $0xb8;
	[tilespmem:$0x1D800] =	vst v63  }
0x43: {  	_ =	swait.ge [sflag:s21], $0x2000  }
0x44: {  	[sflag:s21] =	ssyncset.done $0x0  }
0x45: {  	s15 =	simm.s32 $0x3D00;
	[sflag:s21] =	ssyncadd.s32 $0xFFFFE000  }
0x46: {  	[spmem:s2] =	stream.indirect.scatter.add.f32 [tilespmem:s20], [sflag:$0xB], $0x40, s15, s16, $0xb8;
	[tilespmem:$0x1D800] =	vst v63  }
0x47: {  	_ =	swait.ge [sflag:s23], $0x2000  }
0x48: {  	[sflag:s23] =	ssyncset.done $0x0  }
0x49: {  	s3 =	simm.s32 $0x3D80;
	[sflag:s23] =	ssyncadd.s32 $0xFFFFE000  }
0x4a: {  	[spmem:s2] =	stream.indirect.scatter.add.f32 [tilespmem:s22], [sflag:$0xC], $0x40, s3, s16, $0xb8;
	[tilespmem:$0x1D800] =	vst v63  }
0x4b: {  	_ =	swait.ge [sflag:s28], $0x2000  }
0x4c: {  	[sflag:s28] =	ssyncset.done $0x0  }
0x4d: {  	s15 =	simm.s32 $0x3E00;
	[sflag:s28] =	ssyncadd.s32 $0xFFFFE000  }
0x4e: {  	[spmem:s2] =	stream.indirect.scatter.add.f32 [tilespmem:s26], [sflag:$0xD], $0x40, s15, s16, $0xb8;
	[tilespmem:$0x1D800] =	vst v63  }
0x4f: {  	_ =	swait.ge [sflag:s30], $0x2000  }
0x50: {  	[sflag:s30] =	ssyncset.done $0x0  }
0x51: {  	s3 =	simm.s32 $0x3E80;
	[sflag:s30] =	ssyncadd.s32 $0xFFFFE000  }
0x52: {  	[spmem:s2] =	stream.indirect.scatter.add.f32 [tilespmem:s29], [sflag:$0xE], $0x40, s3, s16, $0xb8;
	[tilespmem:$0x1D800] =	vst v63  }
0x53: {  	_ =	swait.ge [sflag:s1], $0x2000  }
0x54: {  	[sflag:s1] =	ssyncset.done $0x0  }
0x55: {  	s15 =	simm.s32 $0x3F00;
	[sflag:s1] =	ssyncadd.s32 $0xFFFFE000  }
0x56: {  	[spmem:s2] =	stream.indirect.scatter.add.f32 [tilespmem:s31], [sflag:$0xF], $0x40, s15, s16, $0xb8;
	[tilespmem:$0x1D800] =	vst v63  }
0x57: {  	_ =	swait.ge [sflag:s5], $0x2000  }
0x58: {  	[sflag:s5] =	ssyncset.done $0x0  }
0x59: {  	s3 =	simm.s32 $0x3F80;
	[sflag:s5] =	ssyncadd.s32 $0xFFFFE000  }
0x5a: {  	[spmem:s2] =	stream.indirect.scatter.add.f32 [tilespmem:s0], [sflag:$0x10], $0x40, s3, s16, $0xb8;
	[tilespmem:$0x1D800] =	vst v63  }
0x5b: {  	_ =	swait.ge [sflag:s6], $0x2000  }
0x5c: {  	[sflag:s6] =	ssyncset.done $0x0  }
0x5d: {  	s15 =	simm.s32 $0x400;
	[sflag:s6] =	ssyncadd.s32 $0xFFFFE000  }
0x5e: {  	[tilespmem:s17], [sflag:$0x1] =	stream.indirect.gather [hbm4b:s4+s16], $0x40, s15, s16, $0xb8;
	[tilespmem:$0x1D800] =	vst v63  }
0x5f: {  	_ =	swait.ge [sflag:s7], $0x2000  }
0x60: {  	[sflag:s7] =	ssyncset.done $0x0  }
0x61: {  	s3 =	simm.s32 $0x480;
	[sflag:s7] =	ssyncadd.s32 $0xFFFFE000  }
0x62: {  	[tilespmem:s18], [sflag:$0x2] =	stream.indirect.gather [hbm4b:s4+s16], $0x40, s3, s16, $0xb8;
	[tilespmem:$0x1D800] =	vst v63  }
0x63: {  	_ =	swait.ge [sflag:s8], $0x2000  }
0x64: {  	[sflag:s8] =	ssyncset.done $0x0  }
0x65: {  	s15 =	simm.s32 $0x500;
	[sflag:s8] =	ssyncadd.s32 $0xFFFFE000  }
0x66: {  	[tilespmem:s20], [sflag:$0x3] =	stream.indirect.gather [hbm4b:s4+s16], $0x40, s15, s16, $0xb8;
	[tilespmem:$0x1D800] =	vst v63  }
0x67: {  	_ =	swait.ge [sflag:s9], $0x2000  }
0x68: {  	[sflag:s9] =	ssyncset.done $0x0  }
0x69: {  	s3 =	simm.s32 $0x580;
	[sflag:s9] =	ssyncadd.s32 $0xFFFFE000  }
0x6a: {  	[tilespmem:s22], [sflag:$0x4] =	stream.indirect.gather [hbm4b:s4+s16], $0x40, s3, s16, $0xb8;
	[tilespmem:$0x1D800] =	vst v63  }
0x6b: {  	_ =	swait.ge [sflag:s10], $0x2000  }
0x6c: {  	[sflag:s10] =	ssyncset.done $0x0  }
0x6d: {  	s15 =	simm.s32 $0x600;
	[sflag:s10] =	ssyncadd.s32 $0xFFFFE000  }
0x6e: {  	[tilespmem:s26], [sflag:$0x5] =	stream.indirect.gather [hbm4b:s4+s16], $0x40, s15, s16, $0xb8;
	[tilespmem:$0x1D800] =	vst v63  }
0x6f: {  	_ =	swait.ge [sflag:s11], $0x2000  }
0x70: {  	[sflag:s11] =	ssyncset.done $0x0  }
0x71: {  	s3 =	simm.s32 $0x680;
	[sflag:s11] =	ssyncadd.s32 $0xFFFFE000  }
0x72: {  	[tilespmem:s29], [sflag:$0x6] =	stream.indirect.gather [hbm4b:s4+s16], $0x40, s3, s16, $0xb8;
	[tilespmem:$0x1D800] =	vst v63  }
0x73: {  	_ =	swait.ge [sflag:s24], $0x2000  }
0x74: {  	[sflag:s24] =	ssyncset.done $0x0  }
0x75: {  	s15 =	simm.s32 $0x700;
	[sflag:s24] =	ssyncadd.s32 $0xFFFFE000  }
0x76: {  	[tilespmem:s31], [sflag:$0x7] =	stream.indirect.gather [hbm4b:s4+s16], $0x40, s15, s16, $0xb8;
	[tilespmem:$0x1D800] =	vst v63  }
0x77: {  	_ =	swait.ge [sflag:s25], $0x2000  }
0x78: {  	[sflag:s25] =	ssyncset.done $0x0  }
0x79: {  	s14 =	simm.s32 $0x780;
	s15 =	simm.s32 $0x1000;
	[sflag:s25] =	ssyncadd.s32 $0xFFFFE000  }
.LBB2_2:
0x7a: {  	[tilespmem:s0], [sflag:$0x8] =	stream.indirect.gather [hbm4b:s4+s16], $0x40, s14, s16, $0xb8;
	[tilespmem:$0x1D800] =	vst v63  }
0x7b: {  	s14 =	smov.u32 s15  }
0x7c: {  	p0 =	sne.s32 s15, $0xD000;
	s15 =	sadd.s32 $0x1000, s15;
	_ =	swait.ge [sflag:s13], $0x2000  }
0x7d: {  	s14 =	sshra.s32 s14, $0x2;
	[sflag:s13] =	ssyncset.done $0x0  }
0x7e: {  	s3 =	sadd.s32 $0x3C00, s14;
	[sflag:s13] =	ssyncadd.s32 $0xFFFFE000  }
0x7f: {  	[spmem:s2] =	stream.indirect.scatter.add.f32 [tilespmem:s17], [sflag:$0x9], $0x40, s3, s16, $0xb8;
	[tilespmem:$0x1D800] =	vst v63  }
0x80: {  	_ =	swait.ge [sflag:s19], $0x2000  }
0x81: {  	[sflag:s19] =	ssyncset.done $0x0  }
0x82: {  	s3 =	sadd.s32 $0x3C80, s14;
	[sflag:s19] =	ssyncadd.s32 $0xFFFFE000  }
0x83: {  	[spmem:s2] =	stream.indirect.scatter.add.f32 [tilespmem:s18], [sflag:$0xA], $0x40, s3, s16, $0xb8;
	[tilespmem:$0x1D800] =	vst v63  }
0x84: {  	_ =	swait.ge [sflag:s21], $0x2000  }
0x85: {  	[sflag:s21] =	ssyncset.done $0x0  }
0x86: {  	s3 =	sadd.s32 $0x3D00, s14;
	[sflag:s21] =	ssyncadd.s32 $0xFFFFE000  }
0x87: {  	[spmem:s2] =	stream.indirect.scatter.add.f32 [tilespmem:s20], [sflag:$0xB], $0x40, s3, s16, $0xb8;
	[tilespmem:$0x1D800] =	vst v63  }
0x88: {  	_ =	swait.ge [sflag:s23], $0x2000  }
0x89: {  	[sflag:s23] =	ssyncset.done $0x0  }
0x8a: {  	s3 =	sadd.s32 $0x3D80, s14;
	[sflag:s23] =	ssyncadd.s32 $0xFFFFE000  }
0x8b: {  	[spmem:s2] =	stream.indirect.scatter.add.f32 [tilespmem:s22], [sflag:$0xC], $0x40, s3, s16, $0xb8;
	[tilespmem:$0x1D800] =	vst v63  }
0x8c: {  	_ =	swait.ge [sflag:s28], $0x2000  }
0x8d: {  	[sflag:s28] =	ssyncset.done $0x0  }
0x8e: {  	s3 =	sadd.s32 $0x3E00, s14;
	[sflag:s28] =	ssyncadd.s32 $0xFFFFE000  }
0x8f: {  	[spmem:s2] =	stream.indirect.scatter.add.f32 [tilespmem:s26], [sflag:$0xD], $0x40, s3, s16, $0xb8;
	[tilespmem:$0x1D800] =	vst v63  }
0x90: {  	_ =	swait.ge [sflag:s30], $0x2000  }
0x91: {  	[sflag:s30] =	ssyncset.done $0x0  }
0x92: {  	s3 =	sadd.s32 $0x3E80, s14;
	[sflag:s30] =	ssyncadd.s32 $0xFFFFE000  }
0x93: {  	[spmem:s2] =	stream.indirect.scatter.add.f32 [tilespmem:s29], [sflag:$0xE], $0x40, s3, s16, $0xb8;
	[tilespmem:$0x1D800] =	vst v63  }
0x94: {  	_ =	swait.ge [sflag:s1], $0x2000  }
0x95: {  	[sflag:s1] =	ssyncset.done $0x0  }
0x96: {  	s3 =	sadd.s32 $0x3F00, s14;
	[sflag:s1] =	ssyncadd.s32 $0xFFFFE000  }
0x97: {  	[spmem:s2] =	stream.indirect.scatter.add.f32 [tilespmem:s31], [sflag:$0xF], $0x40, s3, s16, $0xb8;
	[tilespmem:$0x1D800] =	vst v63  }
0x98: {  	_ =	swait.ge [sflag:s5], $0x2000  }
0x99: {  	[sflag:s5] =	ssyncset.done $0x0  }
0x9a: {  	s3 =	sadd.s32 $0x3F80, s14;
	[sflag:s5] =	ssyncadd.s32 $0xFFFFE000  }
0x9b: {  	[spmem:s2] =	stream.indirect.scatter.add.f32 [tilespmem:s0], [sflag:$0x10], $0x40, s3, s16, $0xb8;
	[tilespmem:$0x1D800] =	vst v63  }
0x9c: {  	_ =	swait.ge [sflag:s6], $0x2000  }
0x9d: {  	[sflag:s6] =	ssyncset.done $0x0  }
0x9e: {  	s3 =	sadd.s32 $0x400, s14;
	[sflag:s6] =	ssyncadd.s32 $0xFFFFE000  }
0x9f: {  	[tilespmem:s17], [sflag:$0x1] =	stream.indirect.gather [hbm4b:s4+s16], $0x40, s3, s16, $0xb8;
	[tilespmem:$0x1D800] =	vst v63  }
0xa0: {  	_ =	swait.ge [sflag:s7], $0x2000  }
0xa1: {  	[sflag:s7] =	ssyncset.done $0x0  }
0xa2: {  	s3 =	sadd.s32 $0x480, s14;
	[sflag:s7] =	ssyncadd.s32 $0xFFFFE000  }
0xa3: {  	[tilespmem:s18], [sflag:$0x2] =	stream.indirect.gather [hbm4b:s4+s16], $0x40, s3, s16, $0xb8;
	[tilespmem:$0x1D800] =	vst v63  }
0xa4: {  	_ =	swait.ge [sflag:s8], $0x2000  }
0xa5: {  	[sflag:s8] =	ssyncset.done $0x0  }
0xa6: {  	s3 =	sadd.s32 $0x500, s14;
	[sflag:s8] =	ssyncadd.s32 $0xFFFFE000  }
0xa7: {  	[tilespmem:s20], [sflag:$0x3] =	stream.indirect.gather [hbm4b:s4+s16], $0x40, s3, s16, $0xb8;
	[tilespmem:$0x1D800] =	vst v63  }
0xa8: {  	_ =	swait.ge [sflag:s9], $0x2000  }
0xa9: {  	[sflag:s9] =	ssyncset.done $0x0  }
0xaa: {  	s3 =	sadd.s32 $0x580, s14;
	[sflag:s9] =	ssyncadd.s32 $0xFFFFE000  }
0xab: {  	[tilespmem:s22], [sflag:$0x4] =	stream.indirect.gather [hbm4b:s4+s16], $0x40, s3, s16, $0xb8;
	[tilespmem:$0x1D800] =	vst v63  }
0xac: {  	_ =	swait.ge [sflag:s10], $0x2000  }
0xad: {  	[sflag:s10] =	ssyncset.done $0x0  }
0xae: {  	s3 =	sadd.s32 $0x600, s14;
	[sflag:s10] =	ssyncadd.s32 $0xFFFFE000  }
0xaf: {  	[tilespmem:s26], [sflag:$0x5] =	stream.indirect.gather [hbm4b:s4+s16], $0x40, s3, s16, $0xb8;
	[tilespmem:$0x1D800] =	vst v63  }
0xb0: {  	_ =	swait.ge [sflag:s11], $0x2000  }
0xb1: {  	[sflag:s11] =	ssyncset.done $0x0  }
0xb2: {  	s3 =	sadd.s32 $0x680, s14;
	[sflag:s11] =	ssyncadd.s32 $0xFFFFE000  }
0xb3: {  	[tilespmem:s29], [sflag:$0x6] =	stream.indirect.gather [hbm4b:s4+s16], $0x40, s3, s16, $0xb8;
	[tilespmem:$0x1D800] =	vst v63  }
0xb4: {  	_ =	swait.ge [sflag:s24], $0x2000  }
0xb5: {  	[sflag:s24] =	ssyncset.done $0x0  }
.Ltmp0:
0xb6: {  	s3 =	sadd.s32 $0x700, s14;
	[sflag:s24] =	ssyncadd.s32 $0xFFFFE000;
	(pc) =	sbr.rel @p0 .LBB2_2-.Ltmp0, $4  }
0xb7: {  	[tilespmem:s31], [sflag:$0x7] =	stream.indirect.gather [hbm4b:s4+s16], $0x40, s3, s16, $0xb8;
	[tilespmem:$0x1D800] =	vst v63  }
0xb8: {  	_ =	swait.ge [sflag:s25], $0x2000  }
0xb9: {  	[sflag:s25] =	ssyncset.done $0x0  }
0xba: {  	s14 =	sadd.s32 $0x780, s14;
	[sflag:s25] =	ssyncadd.s32 $0xFFFFE000  }
0xbb: {  	[tilespmem:s0], [sflag:$0x8] =	stream.indirect.gather [hbm4b:s4+s16], $0x40, s14, s16, $0xb8;
	[tilespmem:$0x1D800] =	vst v63  }
0xbc: {  	_ =	swait.ge [sflag:s13], $0x2000  }
0xbd: {  	[sflag:s13] =	ssyncset.done $0x0  }
0xbe: {  	s3 =	simm.s32 $0x7400;
	[sflag:s13] =	ssyncadd.s32 $0xFFFFE000  }
0xbf: {  	[spmem:s2] =	stream.indirect.scatter.add.f32 [tilespmem:s17], [sflag:$0x9], $0x40, s3, s16, $0xb8;
	[tilespmem:$0x1D800] =	vst v63  }
0xc0: {  	_ =	swait.ge [sflag:s19], $0x2000  }
0xc1: {  	[sflag:s19] =	ssyncset.done $0x0  }
0xc2: {  	s15 =	simm.s32 $0x7480;
	[sflag:s19] =	ssyncadd.s32 $0xFFFFE000  }
0xc3: {  	[spmem:s2] =	stream.indirect.scatter.add.f32 [tilespmem:s18], [sflag:$0xA], $0x40, s15, s16, $0xb8;
	[tilespmem:$0x1D800] =	vst v63  }
0xc4: {  	_ =	swait.ge [sflag:s21], $0x2000  }
0xc5: {  	[sflag:s21] =	ssyncset.done $0x0  }
0xc6: {  	s14 =	simm.s32 $0x7500;
	[sflag:s21] =	ssyncadd.s32 $0xFFFFE000  }
0xc7: {  	[spmem:s2] =	stream.indirect.scatter.add.f32 [tilespmem:s20], [sflag:$0xB], $0x40, s14, s16, $0xb8;
	[tilespmem:$0x1D800] =	vst v63  }
0xc8: {  	_ =	swait.ge [sflag:s23], $0x2000  }
0xc9: {  	[sflag:s23] =	ssyncset.done $0x0  }
0xca: {  	s15 =	simm.s32 $0x7580;
	[sflag:s23] =	ssyncadd.s32 $0xFFFFE000  }
0xcb: {  	[spmem:s2] =	stream.indirect.scatter.add.f32 [tilespmem:s22], [sflag:$0xC], $0x40, s15, s16, $0xb8;
	[tilespmem:$0x1D800] =	vst v63  }
0xcc: {  	_ =	swait.ge [sflag:s28], $0x2000  }
0xcd: {  	[sflag:s28] =	ssyncset.done $0x0  }
0xce: {  	s14 =	simm.s32 $0x7600;
	[sflag:s28] =	ssyncadd.s32 $0xFFFFE000  }
0xcf: {  	[spmem:s2] =	stream.indirect.scatter.add.f32 [tilespmem:s26], [sflag:$0xD], $0x40, s14, s16, $0xb8;
	[tilespmem:$0x1D800] =	vst v63  }
0xd0: {  	_ =	swait.ge [sflag:s30], $0x2000  }
0xd1: {  	[sflag:s30] =	ssyncset.done $0x0  }
0xd2: {  	s15 =	simm.s32 $0x7680;
	[sflag:s30] =	ssyncadd.s32 $0xFFFFE000  }
0xd3: {  	[spmem:s2] =	stream.indirect.scatter.add.f32 [tilespmem:s29], [sflag:$0xE], $0x40, s15, s16, $0xb8;
	[tilespmem:$0x1D800] =	vst v63  }
0xd4: {  	_ =	swait.ge [sflag:s1], $0x2000  }
0xd5: {  	[sflag:s1] =	ssyncset.done $0x0  }
0xd6: {  	s14 =	simm.s32 $0x7700;
	[sflag:s1] =	ssyncadd.s32 $0xFFFFE000  }
0xd7: {  	[spmem:s2] =	stream.indirect.scatter.add.f32 [tilespmem:s31], [sflag:$0xF], $0x40, s14, s16, $0xb8;
	[tilespmem:$0x1D800] =	vst v63  }
0xd8: {  	_ =	swait.ge [sflag:s5], $0x2000  }
0xd9: {  	[sflag:s5] =	ssyncset.done $0x0  }
0xda: {  	s15 =	simm.s32 $0x7780;
	[sflag:s5] =	ssyncadd.s32 $0xFFFFE000  }
0xdb: {  	[spmem:s2] =	stream.indirect.scatter.add.f32 [tilespmem:s0], [sflag:$0x10], $0x40, s15, s16, $0xb8;
	[tilespmem:$0x1D800] =	vst v63  }
0xdc: {  	_ =	swait.ge [sflag:s6], $0x2000  }
0xdd: {  	[sflag:s6] =	ssyncset.done $0x0  }
0xde: {  	[sflag:s6] =	ssyncadd.s32 $0xFFFFE000  }
0xdf: {  	_ =	swait.ge [sflag:s7], $0x2000  }
0xe0: {  	[sflag:s7] =	ssyncset.done $0x0  }
0xe1: {  	[sflag:s7] =	ssyncadd.s32 $0xFFFFE000  }
0xe2: {  	_ =	swait.ge [sflag:s8], $0x2000  }
0xe3: {  	[sflag:s8] =	ssyncset.done $0x0  }
0xe4: {  	[sflag:s8] =	ssyncadd.s32 $0xFFFFE000  }
0xe5: {  	_ =	swait.ge [sflag:s9], $0x2000  }
0xe6: {  	[sflag:s9] =	ssyncset.done $0x0  }
0xe7: {  	[sflag:s9] =	ssyncadd.s32 $0xFFFFE000  }
0xe8: {  	_ =	swait.ge [sflag:s10], $0x2000  }
0xe9: {  	[sflag:s10] =	ssyncset.done $0x0  }
0xea: {  	[sflag:s10] =	ssyncadd.s32 $0xFFFFE000  }
0xeb: {  	_ =	swait.ge [sflag:s11], $0x2000  }
0xec: {  	[sflag:s11] =	ssyncset.done $0x0  }
0xed: {  	[sflag:s11] =	ssyncadd.s32 $0xFFFFE000  }
0xee: {  	_ =	swait.ge [sflag:s24], $0x2000  }
0xef: {  	[sflag:s24] =	ssyncset.done $0x0  }
0xf0: {  	[sflag:s24] =	ssyncadd.s32 $0xFFFFE000  }
0xf1: {  	_ =	swait.ge [sflag:s25], $0x2000  }
0xf2: {  	s3 =	rddreg [dreg:$0x6]  }
0xf3: {  	[sflag:s25] =	ssyncset.done $0x0;
	s14 =	rddreg [dreg:$0xa]  }
0xf4: {  	s15 =	rddreg [dreg:$0xb];
	[sflag:s25] =	ssyncadd.s32 $0xFFFFE000  }
0xf5: {  	[hbm:s3], [sflag:s14] =	dma.local [spmem:s15], $0x400  }
0xf6: {  	_ =	swait.ge [sflag:s12], $0x400  }
0xf7: {  	[sflag:s12] =	ssyncset.done $0x0;
	s3 =	rddreg [dreg:$0x7]  }
0xf8: {  	s15 =	simm.s32 $0x11;
	[sflag:s12] =	ssyncadd.s32 $0xFFFFFC00;
	s12 =	rddreg [dreg:$0xc]  }
0xf9: {  	[hbm:s3], [sflag:s14] =	dma.local [spmem:s12], $0x400  }
0xfa: {  	_ =	swait.ge [sflag:s15], $0x400  }
0xfb: {  	[sflag:s15] =	ssyncset.done $0x0;
	s3 =	rddreg [dreg:$0x8]  }
0xfc: {  	s12 =	rddreg [dreg:$0xd];
	[sflag:s15] =	ssyncadd.s32 $0xFFFFFC00  }
0xfd: {  	[hbm:s3], [sflag:s14] =	dma.local [spmem:s12], $0x400  }
0xfe: {  	_ =	swait.ge [sflag:s15], $0x400  }
0xff: {  	s3 =	rddreg [dreg:$0xe]  }
0x100: {  	s14 =	rddreg [dreg:$0x9];
	s12 =	sadd.s32 $0x1, s3  }
0x101: {  	p0 =	sne.s32 s12, s14  }
.Ltmp1:
0x102: {  	_ = 	snop;
	(pc) =	sbr.rel @p0 .LBB2_1-.Ltmp1, $3  }
0x103: {  	_ =	sdelay $0x1  }
0x104: {  	[sflag:s15] =	ssyncset.done $0x0  }
0x105: {  	[sflag:s15] =	ssyncadd.s32 $0xFFFFFC00  }
0x106: {  	_ =	sfence.sel $0x180000  }
0x107: {  	[bflag:$0x0] =	sbarrier.arrive $0xFFFF  }
0x108: {  	_ =	strace $0x90000047  }
0x109: {  	s0 =	stileid.u32;
	[bflag:$0x2] =	sbarrier.arrive $0xFFFF  }
0x10a: {  	p0 =	sne.s32 s0, $0x0;
	s0 =	rddreg [dreg:$0x2]  }
0x10b: {  	s0 =	sadd.s32 @!p0 $0x100000, s0  }
0x10c: {  	[sflag:s0] =	ssyncadd.tile.s32 @!p0 $0x1;
	_ =	shalt  }
.Lfunc_end2:
_tile_overlayer_lowered:
.L_overlay_start_2:
0x10d: {  	(tag) =	ssettag $0x2  }
0x10e: {  	s0 =	rddreg [dreg:$0x0];
	s2 =	stileid.u32  }
0x10f: {  	s1 =	rddreg [dreg:$0x1];
	p0 =	sne.s32 s2, $0x0  }
0x110: {  	s3 =	rddreg [dreg:$0x2];
	[bflag:$0x3] =	sbarrier.arrive $0xFFFF;
	s2 =	simm.s32 @!p0 $0x1C11  }
0x111: {  	[timem:s3], [sflag:s2] =	dma.local @!p0 [hbm:s0], s1  }
0x112: {  	s0 =	simm.s32 @!p0 $0x11  }
0x113: {  	_ =	swait.ge @!p0 [sflag:s0], s1  }
0x114: {  	s1 =	ssub.s32 @!p0 $0x0, s1;
	[sflag:s0] =	ssyncset.done @!p0 $0x0  }
0x115: {  	[sflag:s0] =	ssyncadd.s32 @!p0 s1  }
0x116: {  	[bflag:$0x3] =	sbarrier.arrive $0xFFFF  }
0x117: {  	_ =	shalt  }

</sc_bundles>
